<compile_context>
chip_gen: v7x
topology: tpu7x:2x2x1
jax: 0.10.2.dev20260603
libtpu: 0.0.44.dev20260713+nightly
codegen_flags: <defaults>
</compile_context>

<pallas_src>
import functools

import jax
import jax.numpy as jnp
import numpy as np
from jax import lax
from jax.experimental import pallas as pl
from jax.experimental.pallas import tpu as pltpu
from jax.experimental.pallas import tpu_sc as plsc

K = 20
SK = 10
NT = 256
SC_NC = 2
SC_NS = 16
SC_CH = 128

_SQ = np.sqrt(np.float32(1.0) + np.float32(1e-5)).astype(np.float32)
_NEG_INF = np.float32(-np.inf)


def _leaky(v):
    return jnp.where(v >= 0, v, np.float32(0.2) * v)



def _knn_body(x_ref, xt_ref, p1_ref, p2_ref, p3_ref, s1_ref, s2_ref, s3_ref):
    xb = x_ref[0]
    xt = xt_ref[0]
    c_dim, n = xb.shape

    s = jnp.dot(xt, xb, preferred_element_type=jnp.float32)
    xxr = xb[0:1, :] * xb[0:1, :]
    xxc = xt[:, 0:1] * xt[:, 0:1]
    for c in range(1, c_dim):
        xxr = xxr + xb[c:c + 1, :] * xb[c:c + 1, :]
        xxc = xxc + xt[:, c:c + 1] * xt[:, c:c + 1]
    inner = np.float32(-2.0) * s
    pd = (-xxc) - inner - xxr

    iota = jax.lax.broadcasted_iota(jnp.int32, (n, n), 0)
    p1 = p1_ref[0]
    p2 = p2_ref[0]
    p3 = p3_ref[0]
    s1 = jnp.zeros((SK, n), jnp.int32)
    s2 = jnp.zeros((SK, n), jnp.int32)
    s3 = jnp.zeros((SK, n), jnp.int32)
    for r in range(K):
        m = jnp.max(pd, axis=0, keepdims=True)
        cand = jnp.where(pd == m, iota, jnp.int32(n))
        ai = jnp.min(cand, axis=0, keepdims=True)
        s1 = jnp.where(p1 == r, ai, s1)
        s2 = jnp.where(p2 == r, ai, s2)
        s3 = jnp.where(p3 == r, ai, s3)
        if r < K - 1:
            pd = jnp.where(iota == ai, _NEG_INF, pd)
    base = pl.program_id(0) * n
    s1_ref[0] = s1 + base
    s2_ref[0] = s2 + base
    s3_ref[0] = s3 + base


def _knn_call(x, xt, p1, p2, p3):
    b, c, n = x.shape
    spec_sidx = pl.BlockSpec((1, SK, n), lambda i: (i, 0, 0))
    return pl.pallas_call(
        _knn_body,
        grid=(b,),
        in_specs=[
            pl.BlockSpec((1, c, n), lambda i: (i, 0, 0)),
            pl.BlockSpec((1, n, c), lambda i: (i, 0, 0)),
            spec_sidx, spec_sidx, spec_sidx,
        ],
        out_specs=[spec_sidx, spec_sidx, spec_sidx],
        out_shape=[jax.ShapeDtypeStruct((b, SK, n), jnp.int32)] * 3,
    )(x, xt, p1, p2, p3)



def _sc_gather(table, idx):
    m, = idx.shape
    d = table.shape[1]
    nw = SC_NC * SC_NS
    per_w = m // nw
    n_ch = per_w // SC_CH
    mesh = plsc.VectorSubcoreMesh(core_axis_name="c", subcore_axis_name="s")

    @functools.partial(
        pl.kernel, mesh=mesh,
        compiler_params=pltpu.CompilerParams(use_tc_tiling_on_sc=False),
        out_type=jax.ShapeDtypeStruct((m, d), jnp.float32),
        scratch_types=[
            pltpu.VMEM((SC_CH,), jnp.int32),
            pltpu.VMEM((SC_CH, d), jnp.float32),
            pltpu.SemaphoreType.DMA,
        ],
    )
    def k(table_hbm, idx_hbm, out_hbm, idx_v, rows_v, sem):
        wid = lax.axis_index("s") * SC_NC + lax.axis_index("c")
        base = wid * per_w

        @pl.loop(0, n_ch)
        def _(i):
            off = base + i * SC_CH
            pltpu.sync_copy(idx_hbm.at[pl.ds(off, SC_CH)], idx_v)
            pltpu.async_copy(table_hbm.at[idx_v], rows_v, sem).wait()
            pltpu.sync_copy(rows_v, out_hbm.at[pl.ds(off, SC_CH)])

    return k(table, idx)



def _conv_body(c, feat_ref, xc_ref, wda_ref, wdb_ref, wpa_ref, wpb_ref,
               out_ref):
    xc = xc_ref[0]
    wda = wda_ref[...]
    wdb = wdb_ref[...]
    wpa = wpa_ref[...]
    wpb = wpb_ref[...]

    term2 = jnp.dot(_leaky((xc * wdb) / _SQ), wpb,
                    preferred_element_type=jnp.float32)
    acc = jnp.full((NT, wpa.shape[1]), _NEG_INF, jnp.float32)
    for s in range(SK):
        feat = feat_ref[0, s][:, :c]
        t1 = jnp.dot(_leaky(((feat - xc) * wda) / _SQ), wpa,
                     preferred_element_type=jnp.float32)
        acc = jnp.maximum(acc, t1)
    out_ref[0] = acc + term2


def _conv_call(feat, xc, c, w_dw, w_pw):
    b, _, n, d = feat.shape
    o = w_pw.shape[0]
    wda = w_dw[:c].reshape(1, c)
    wdb = w_dw[c:].reshape(1, c)
    wpa = w_pw[:, :c].T
    wpb = w_pw[:, c:].T
    return pl.pallas_call(
        functools.partial(_conv_body, c),
        grid=(b, n // NT),
        in_specs=[
            pl.BlockSpec((1, SK, NT, d), lambda i, j: (i, 0, j, 0)),
            pl.BlockSpec((1, NT, c), lambda i, j: (i, j, 0)),
            pl.BlockSpec((1, c), lambda i, j: (0, 0)),
            pl.BlockSpec((1, c), lambda i, j: (0, 0)),
            pl.BlockSpec((c, o), lambda i, j: (0, 0)),
            pl.BlockSpec((c, o), lambda i, j: (0, 0)),
        ],
        out_specs=pl.BlockSpec((1, NT, o), lambda i, j: (i, j, 0)),
        out_shape=jax.ShapeDtypeStruct((b, n, o), jnp.float32),
    )(feat, xc, wda, wdb, wpa, wpb)



def _fuse_body(f1_ref, f2_ref, f3_ref, wa_ref, wb_ref, wc_ref, h_ref):
    xe = jnp.dot(f1_ref[0], wa_ref[...], preferred_element_type=jnp.float32)
    xe = xe + jnp.dot(f2_ref[0], wb_ref[...],
                      preferred_element_type=jnp.float32)
    xe = xe + jnp.dot(f3_ref[0], wc_ref[...],
                      preferred_element_type=jnp.float32)
    xe = _leaky(xe / _SQ)
    x1 = jnp.max(xe, axis=0, keepdims=True)
    x2 = jnp.sum(xe, axis=0, keepdims=True) / np.float32(xe.shape[0])
    h_ref[0] = jnp.concatenate([x1, x2], axis=1)


def _fuse_call(f1, f2, f3, w_final):
    b, n, c1 = f1.shape
    c3 = f3.shape[2]
    o = w_final.shape[0]
    wa = w_final[:, :c1].T
    wb = w_final[:, c1:2 * c1].T
    wc = w_final[:, 2 * c1:].T
    return pl.pallas_call(
        _fuse_body,
        grid=(b,),
        in_specs=[
            pl.BlockSpec((1, n, c1), lambda i: (i, 0, 0)),
            pl.BlockSpec((1, n, c1), lambda i: (i, 0, 0)),
            pl.BlockSpec((1, n, c3), lambda i: (i, 0, 0)),
            pl.BlockSpec((c1, o), lambda i: (0, 0)),
            pl.BlockSpec((c1, o), lambda i: (0, 0)),
            pl.BlockSpec((c3, o), lambda i: (0, 0)),
        ],
        out_specs=pl.BlockSpec((1, 1, 2 * o), lambda i: (i, 0, 0)),
        out_shape=jax.ShapeDtypeStruct((b, 1, 2 * o), jnp.float32),
    )(f1, f2, f3, wa, wb, wc).reshape(b, 2 * o)



def _mlp_body(h_ref, w1_ref, w2_ref, b2_ref, w3_ref, b3_ref, out_ref):
    h = _leaky(jnp.dot(h_ref[...], w1_ref[...],
                       preferred_element_type=jnp.float32) / _SQ)
    h = _leaky((jnp.dot(h, w2_ref[...],
                        preferred_element_type=jnp.float32) + b2_ref[...])
               / _SQ)
    out_ref[...] = (jnp.dot(h, w3_ref[...],
                            preferred_element_type=jnp.float32) + b3_ref[...])


def _mlp_call(h, w_l1, w_l2, b_l2, w_l3, b_l3):
    b = h.shape[0]
    w1 = w_l1.T
    w2 = w_l2.T
    w3 = w_l3.T
    return pl.pallas_call(
        _mlp_body,
        in_specs=[pl.BlockSpec(a.shape, lambda: (0,) * a.ndim)
                  for a in (h, w1, w2, b_l2.reshape(1, -1), w3,
                            b_l3.reshape(1, -1))],
        out_specs=pl.BlockSpec((b, w3.shape[1]), lambda: (0, 0)),
        out_shape=jax.ShapeDtypeStruct((b, w3.shape[1]), jnp.float32),
    )(h, w1, w2, b_l2.reshape(1, -1), w3, b_l3.reshape(1, -1))



def _sample_positions(b, n, seed):
    scores = jax.random.uniform(jax.random.key(seed), (b, n, K))
    pos = jax.lax.top_k(scores, SK)[1].astype(jnp.int32)
    return jnp.transpose(pos, (0, 2, 1))


def kernel(x, w_dw1, w_pw1, w_dw2, w_pw2, w_dw3, w_pw3, w_final,
           w_l1, w_l2, b_l2, w_l3, b_l3):
    b, c, n = x.shape
    xt = jnp.transpose(x, (0, 2, 1))
    p1 = _sample_positions(b, n, 101)
    p2 = _sample_positions(b, n, 102)
    p3 = _sample_positions(b, n, 103)
    s1, s2, s3 = _knn_call(x, xt, p1, p2, p3)

    xt_pad = jnp.pad(xt, ((0, 0), (0, 0), (0, 16 - c)))
    g1 = _sc_gather(xt_pad.reshape(b * n, 16), s1.reshape(-1))
    f1 = _conv_call(g1.reshape(b, SK, n, 16), xt, c, w_dw1, w_pw1)
    g2 = _sc_gather(f1.reshape(b * n, 64), s2.reshape(-1))
    f2 = _conv_call(g2.reshape(b, SK, n, 64), f1, 64, w_dw2, w_pw2)
    g3 = _sc_gather(f2.reshape(b * n, 64), s3.reshape(-1))
    f3 = _conv_call(g3.reshape(b, SK, n, 64), f2, 64, w_dw3, w_pw3)

    h = _fuse_call(f1, f2, f3, w_final)
    return _mlp_call(h, w_l1, w_l2, b_l2, w_l3, b_l3)

# --- scband reference (transcript-rebuilt; emitter-appended) ---
"""Pipeline reference for scband-net-80685255623066 (READ-ONLY COPY).

The authoritative reference and input builder live on the scoring server;
editing this copy changes nothing except your own understanding.
"""

import jax, jax.numpy as jnp
import numpy as np

K = 20
SAMPLE_K = 10
B, C, N = 16, 3, 1024
EPS = 1e-5


def _bn(x):
    # eval-mode BatchNorm with default running stats (mean=0, var=1, affine=identity)
    return x / jnp.sqrt(1.0 + EPS)


def _leaky(x):
    return jnp.where(x >= 0, x, 0.2 * x)


def _knn_idx_flat(x, k):
    b, c, n = x.shape
    inner = -2.0 * jnp.einsum('bcn,bcm->bnm', x, x)
    xx = jnp.sum(x * x, axis=1, keepdims=True)
    pd = -xx - inner - jnp.transpose(xx, (0, 2, 1))
    idx = jax.lax.top_k(pd, k)[1]
    base = (jnp.arange(b) * n).reshape(b, 1, 1)
    return (idx + base).reshape(-1)


def _graph_feature(x, idx_flat, kprime):
    b, c, n = x.shape
    xt = jnp.transpose(x, (0, 2, 1)).reshape(b * n, c)
    feat = xt[idx_flat].reshape(b, n, kprime, c)
    xc = jnp.broadcast_to(xt.reshape(b, n, 1, c), (b, n, kprime, c))
    f = jnp.concatenate([feat - xc, xc], axis=3)
    return jnp.transpose(f, (0, 3, 1, 2))


def _edge_conv(x, idx_flat, w_dw, w_pw, key):
    b, c, n = x.shape
    idx_mat = idx_flat.reshape(b, n, K)
    scores = jax.random.uniform(key, (b, n, K))
    pos = jax.lax.top_k(scores, SAMPLE_K)[1]
    gathered = jnp.take_along_axis(idx_mat, pos, axis=2).reshape(-1)
    ef = _graph_feature(x, gathered, SAMPLE_K)
    dw = _leaky(_bn(ef * w_dw.reshape(1, -1, 1, 1)))
    out = jnp.einsum('oc,bcns->bons', w_pw, dw)
    return jnp.max(out, axis=-1)


def setup_inputs(seed: int = 0):
    key = jax.random.key(seed)
    ks = jax.random.split(key, 16)
    d = {}
    d['x'] = jax.random.normal(ks[0], (B, C, N), dtype=jnp.float32)
    d['w_dw1'] = jax.random.normal(ks[1], (6,), dtype=jnp.float32) * 0.5
    d['w_pw1'] = jax.random.normal(ks[2], (64, 6), dtype=jnp.float32) * 0.2
    d['w_dw2'] = jax.random.normal(ks[3], (128,), dtype=jnp.float32) * 0.5
    d['w_pw2'] = jax.random.normal(ks[4], (64, 128), dtype=jnp.float32) * 0.08
    d['w_dw3'] = jax.random.normal(ks[5], (128,), dtype=jnp.float32) * 0.5
    d['w_pw3'] = jax.random.normal(ks[6], (128, 128), dtype=jnp.float32) * 0.08
    d['w_final'] = jax.random.normal(ks[7], (1024, 256), dtype=jnp.float32) * 0.06
    d['w_l1'] = jax.random.normal(ks[8], (512, 2048), dtype=jnp.float32) * 0.02
    d['w_l2'] = jax.random.normal(ks[9], (256, 512), dtype=jnp.float32) * 0.04
    d['b_l2'] = jnp.zeros((256,), dtype=jnp.float32)
    d['w_l3'] = jax.random.normal(ks[10], (5, 256), dtype=jnp.float32) * 0.06
    d['b_l3'] = jnp.zeros((5,), dtype=jnp.float32)
    return d


def reference(x, w_dw1, w_pw1, w_dw2, w_pw2, w_dw3, w_pw3, w_final, w_l1, w_l2, b_l2, w_l3, b_l3):
    idx_flat = _knn_idx_flat(x, K)
    f1 = _edge_conv(x, idx_flat, w_dw1, w_pw1, jax.random.key(101))
    f2 = _edge_conv(f1, idx_flat, w_dw2, w_pw2, jax.random.key(102))
    f3 = _edge_conv(f2, idx_flat, w_dw3, w_pw3, jax.random.key(103))
    xc = jnp.concatenate([f1, f2, f3], axis=1)
    xe = _leaky(_bn(jnp.einsum('oc,bcn->bon', w_final, xc)))
    x1 = jnp.max(xe, axis=-1)
    x2 = jnp.mean(xe, axis=-1)
    h = jnp.concatenate([x1, x2], axis=1)
    h = _leaky(_bn(h @ w_l1.T))
    h = _leaky(_bn(h @ w_l2.T + b_l2))
    return h @ w_l3.T + b_l3

if __name__ == "__main__":
    import jax
    _d = setup_inputs()
    print(jax.jit(kernel)(*tuple(_d.values())))

</pallas_src>

<mosaic_0001>
#map = affine_map<(d0, d1) -> (0, 0)>
#map1 = affine_map<(d0, d1) -> (0)>
module attributes {stable_mosaic.version = 14 : i64} {
  func.func @k(%arg0: i32, %arg1: i32, %arg2: memref<16384x64xf32, #tpu.memory_space<hbm>>, %arg3: memref<163840xi32, #tpu.memory_space<hbm>>, %arg4: memref<163840x64xf32, #tpu.memory_space<hbm>>, %arg5: memref<128xi32, #tpu.memory_space<vmem>>, %arg6: memref<128x64xf32, #tpu.memory_space<vmem>>, %arg7: memref<!tpu.dma_semaphore, #tpu.memory_space<semaphore_mem>>) attributes {dimension_semantics = [#tpu.dimension_semantics<core_parallel>, #tpu.dimension_semantics<subcore_parallel>], iteration_bounds = array<i64: 2, 16>, scalar_prefetch = 0 : i64, scratch_operands = 3 : i64, tpu.core_type = #tpu.core_type<sc_vector_subcore>, window_params = [{transform_indices = #map}, {transform_indices = #map1}, {transform_indices = #map}]} {
    %mul3A = arith.constant 2 : i32
    %mul3A_0 = arith.muli %arg1, %mul3A : i32
    %add3A = arith.addi %mul3A_0, %arg0 : i32
    %mul3A_1 = arith.constant 5120 : i32
    %mul3A_2 = arith.muli %add3A, %mul3A_1 : i32
    %scan3A = arith.constant 0 : i32
    %scan3A_3 = arith.constant 40 : i32
    %scan3A_4 = arith.addi %scan3A, %scan3A_3 : i32
    %scan3A_5 = arith.constant 1 : i32
    scf.for %scan3A_7 = %scan3A to %scan3A_4 step %scan3A_5  : i32 {
      %mul3A_8 = arith.constant 1 : i32
      %mul3A_9 = arith.muli %scan3A_7, %mul3A_8 : i32
      %add3A_10 = arith.constant 0 : i32
      %add3A_11 = arith.addi %add3A_10, %mul3A_9 : i32
      %mul3A_12 = arith.constant 128 : i32
      %mul3A_13 = arith.muli %add3A_11, %mul3A_12 : i32
      %add3A_14 = arith.addi %mul3A_2, %mul3A_13 : i32
      "tpu.region"() ({
        %run_scoped3A = tpu.sem_alloc : memref<!tpu.dma_semaphore, #tpu.memory_space<semaphore_mem>>
        %dma_start3A_19 = tpu.memref_slice %arg3[%add3A_14] : memref<163840xi32, #tpu.memory_space<hbm>> -> memref<128xi32, #tpu.memory_space<hbm>>
        %dma_start3A_20 = tpu.memref_slice %arg3[%add3A_14] : memref<163840xi32, #tpu.memory_space<hbm>> -> memref<128xi32, #tpu.memory_space<hbm>>
        tpu.enqueue_dma source(%dma_start3A_20 : memref<128xi32, #tpu.memory_space<hbm>>) target(%arg5 : memref<128xi32, #tpu.memory_space<vmem>>) target_semaphore(%run_scoped3A : memref<!tpu.dma_semaphore, #tpu.memory_space<semaphore_mem>>)
        %dma_wait3A_21 = tpu.memref_slice %arg3[%add3A_14] : memref<163840xi32, #tpu.memory_space<hbm>> -> memref<128xi32, #tpu.memory_space<hbm>>
        %dma_wait3A_22 = tpu.memref_slice %arg3[%add3A_14] : memref<163840xi32, #tpu.memory_space<hbm>> -> memref<128xi32, #tpu.memory_space<hbm>>
        tpu.wait_dma2 semaphore(%run_scoped3A : memref<!tpu.dma_semaphore, #tpu.memory_space<semaphore_mem>>) src(%dma_wait3A_22 : memref<128xi32, #tpu.memory_space<hbm>>) dst(%arg5 : memref<128xi32, #tpu.memory_space<vmem>>)
        tpu.yield
      }) : () -> ()
      %dma_start3A = arith.constant 0 : i32
      %dma_start3A_15 = arith.constant 0 : i32
      %dma_start3A_16 = tpu.memref_slice %arg2[%dma_start3A, %dma_start3A_15] : memref<16384x64xf32, #tpu.memory_space<hbm>> -> memref<16384x64xf32, #tpu.memory_space<hbm>>
      tpu.enqueue_indirect_dma source(%dma_start3A_16 : memref<16384x64xf32, #tpu.memory_space<hbm>>) target(%arg6 : memref<128x64xf32, #tpu.memory_space<vmem>>) offsets(%arg5 : memref<128xi32, #tpu.memory_space<vmem>>) semaphore(%arg7 : memref<!tpu.dma_semaphore, #tpu.memory_space<semaphore_mem>>)
      %dma_wait3A = arith.constant 0 : i32
      %dma_wait3A_17 = arith.constant 0 : i32
      %dma_wait3A_18 = tpu.memref_slice %arg2[%dma_wait3A, %dma_wait3A_17] : memref<16384x64xf32, #tpu.memory_space<hbm>> -> memref<16384x64xf32, #tpu.memory_space<hbm>>
      tpu.wait_indirect_dma semaphore(%arg7 : memref<!tpu.dma_semaphore, #tpu.memory_space<semaphore_mem>>) src(%dma_wait3A_18 : memref<16384x64xf32, #tpu.memory_space<hbm>>) dst(%arg6 : memref<128x64xf32, #tpu.memory_space<vmem>>)
      "tpu.region"() ({
        %run_scoped3A = tpu.sem_alloc : memref<!tpu.dma_semaphore, #tpu.memory_space<semaphore_mem>>
        %dma_start3A_19 = arith.constant 0 : i32
        %dma_start3A_20 = tpu.memref_slice %arg4[%add3A_14, %dma_start3A_19] : memref<163840x64xf32, #tpu.memory_space<hbm>> -> memref<128x64xf32, #tpu.memory_space<hbm>>
        %dma_start3A_21 = arith.constant 0 : i32
        %dma_start3A_22 = tpu.memref_slice %arg4[%add3A_14, %dma_start3A_21] : memref<163840x64xf32, #tpu.memory_space<hbm>> -> memref<128x64xf32, #tpu.memory_space<hbm>>
        tpu.enqueue_dma source(%arg6 : memref<128x64xf32, #tpu.memory_space<vmem>>) target(%dma_start3A_22 : memref<128x64xf32, #tpu.memory_space<hbm>>) target_semaphore(%run_scoped3A : memref<!tpu.dma_semaphore, #tpu.memory_space<semaphore_mem>>)
        %dma_wait3A_23 = arith.constant 0 : i32
        %dma_wait3A_24 = tpu.memref_slice %arg4[%add3A_14, %dma_wait3A_23] : memref<163840x64xf32, #tpu.memory_space<hbm>> -> memref<128x64xf32, #tpu.memory_space<hbm>>
        %dma_wait3A_25 = arith.constant 0 : i32
        %dma_wait3A_26 = tpu.memref_slice %arg4[%add3A_14, %dma_wait3A_25] : memref<163840x64xf32, #tpu.memory_space<hbm>> -> memref<128x64xf32, #tpu.memory_space<hbm>>
        tpu.wait_dma2 semaphore(%run_scoped3A : memref<!tpu.dma_semaphore, #tpu.memory_space<semaphore_mem>>) src(%arg6 : memref<128x64xf32, #tpu.memory_space<vmem>>) dst(%dma_wait3A_26 : memref<128x64xf32, #tpu.memory_space<hbm>>)
        tpu.yield
      }) : () -> ()
    }
    %scan3A_6 = arith.constant 40 : i32
    return
  }
}

#map = affine_map<(d0, d1) -> (0, 0)>
#map1 = affine_map<(d0, d1) -> (0)>
module attributes {stable_mosaic.version = 14 : i64} {
  func.func @k(%arg0: i32, %arg1: i32, %arg2: memref<16384x16xf32, #tpu.memory_space<hbm>>, %arg3: memref<163840xi32, #tpu.memory_space<hbm>>, %arg4: memref<163840x16xf32, #tpu.memory_space<hbm>>, %arg5: memref<128xi32, #tpu.memory_space<vmem>>, %arg6: memref<128x16xf32, #tpu.memory_space<vmem>>, %arg7: memref<!tpu.dma_semaphore, #tpu.memory_space<semaphore_mem>>) attributes {dimension_semantics = [#tpu.dimension_semantics<core_parallel>, #tpu.dimension_semantics<subcore_parallel>], iteration_bounds = array<i64: 2, 16>, scalar_prefetch = 0 : i64, scratch_operands = 3 : i64, tpu.core_type = #tpu.core_type<sc_vector_subcore>, window_params = [{transform_indices = #map}, {transform_indices = #map1}, {transform_indices = #map}]} {
    %mul3A = arith.constant 2 : i32
    %mul3A_0 = arith.muli %arg1, %mul3A : i32
    %add3A = arith.addi %mul3A_0, %arg0 : i32
    %mul3A_1 = arith.constant 5120 : i32
    %mul3A_2 = arith.muli %add3A, %mul3A_1 : i32
    %scan3A = arith.constant 0 : i32
    %scan3A_3 = arith.constant 40 : i32
    %scan3A_4 = arith.addi %scan3A, %scan3A_3 : i32
    %scan3A_5 = arith.constant 1 : i32
    scf.for %scan3A_7 = %scan3A to %scan3A_4 step %scan3A_5  : i32 {
      %mul3A_8 = arith.constant 1 : i32
      %mul3A_9 = arith.muli %scan3A_7, %mul3A_8 : i32
      %add3A_10 = arith.constant 0 : i32
      %add3A_11 = arith.addi %add3A_10, %mul3A_9 : i32
      %mul3A_12 = arith.constant 128 : i32
      %mul3A_13 = arith.muli %add3A_11, %mul3A_12 : i32
      %add3A_14 = arith.addi %mul3A_2, %mul3A_13 : i32
      "tpu.region"() ({
        %run_scoped3A = tpu.sem_alloc : memref<!tpu.dma_semaphore, #tpu.memory_space<semaphore_mem>>
        %dma_start3A_19 = tpu.memref_slice %arg3[%add3A_14] : memref<163840xi32, #tpu.memory_space<hbm>> -> memref<128xi32, #tpu.memory_space<hbm>>
        %dma_start3A_20 = tpu.memref_slice %arg3[%add3A_14] : memref<163840xi32, #tpu.memory_space<hbm>> -> memref<128xi32, #tpu.memory_space<hbm>>
        tpu.enqueue_dma source(%dma_start3A_20 : memref<128xi32, #tpu.memory_space<hbm>>) target(%arg5 : memref<128xi32, #tpu.memory_space<vmem>>) target_semaphore(%run_scoped3A : memref<!tpu.dma_semaphore, #tpu.memory_space<semaphore_mem>>)
        %dma_wait3A_21 = tpu.memref_slice %arg3[%add3A_14] : memref<163840xi32, #tpu.memory_space<hbm>> -> memref<128xi32, #tpu.memory_space<hbm>>
        %dma_wait3A_22 = tpu.memref_slice %arg3[%add3A_14] : memref<163840xi32, #tpu.memory_space<hbm>> -> memref<128xi32, #tpu.memory_space<hbm>>
        tpu.wait_dma2 semaphore(%run_scoped3A : memref<!tpu.dma_semaphore, #tpu.memory_space<semaphore_mem>>) src(%dma_wait3A_22 : memref<128xi32, #tpu.memory_space<hbm>>) dst(%arg5 : memref<128xi32, #tpu.memory_space<vmem>>)
        tpu.yield
      }) : () -> ()
      %dma_start3A = arith.constant 0 : i32
      %dma_start3A_15 = arith.constant 0 : i32
      %dma_start3A_16 = tpu.memref_slice %arg2[%dma_start3A, %dma_start3A_15] : memref<16384x16xf32, #tpu.memory_space<hbm>> -> memref<16384x16xf32, #tpu.memory_space<hbm>>
      tpu.enqueue_indirect_dma source(%dma_start3A_16 : memref<16384x16xf32, #tpu.memory_space<hbm>>) target(%arg6 : memref<128x16xf32, #tpu.memory_space<vmem>>) offsets(%arg5 : memref<128xi32, #tpu.memory_space<vmem>>) semaphore(%arg7 : memref<!tpu.dma_semaphore, #tpu.memory_space<semaphore_mem>>)
      %dma_wait3A = arith.constant 0 : i32
      %dma_wait3A_17 = arith.constant 0 : i32
      %dma_wait3A_18 = tpu.memref_slice %arg2[%dma_wait3A, %dma_wait3A_17] : memref<16384x16xf32, #tpu.memory_space<hbm>> -> memref<16384x16xf32, #tpu.memory_space<hbm>>
      tpu.wait_indirect_dma semaphore(%arg7 : memref<!tpu.dma_semaphore, #tpu.memory_space<semaphore_mem>>) src(%dma_wait3A_18 : memref<16384x16xf32, #tpu.memory_space<hbm>>) dst(%arg6 : memref<128x16xf32, #tpu.memory_space<vmem>>)
      "tpu.region"() ({
        %run_scoped3A = tpu.sem_alloc : memref<!tpu.dma_semaphore, #tpu.memory_space<semaphore_mem>>
        %dma_start3A_19 = arith.constant 0 : i32
        %dma_start3A_20 = tpu.memref_slice %arg4[%add3A_14, %dma_start3A_19] : memref<163840x16xf32, #tpu.memory_space<hbm>> -> memref<128x16xf32, #tpu.memory_space<hbm>>
        %dma_start3A_21 = arith.constant 0 : i32
        %dma_start3A_22 = tpu.memref_slice %arg4[%add3A_14, %dma_start3A_21] : memref<163840x16xf32, #tpu.memory_space<hbm>> -> memref<128x16xf32, #tpu.memory_space<hbm>>
        tpu.enqueue_dma source(%arg6 : memref<128x16xf32, #tpu.memory_space<vmem>>) target(%dma_start3A_22 : memref<128x16xf32, #tpu.memory_space<hbm>>) target_semaphore(%run_scoped3A : memref<!tpu.dma_semaphore, #tpu.memory_space<semaphore_mem>>)
        %dma_wait3A_23 = arith.constant 0 : i32
        %dma_wait3A_24 = tpu.memref_slice %arg4[%add3A_14, %dma_wait3A_23] : memref<163840x16xf32, #tpu.memory_space<hbm>> -> memref<128x16xf32, #tpu.memory_space<hbm>>
        %dma_wait3A_25 = arith.constant 0 : i32
        %dma_wait3A_26 = tpu.memref_slice %arg4[%add3A_14, %dma_wait3A_25] : memref<163840x16xf32, #tpu.memory_space<hbm>> -> memref<128x16xf32, #tpu.memory_space<hbm>>
        tpu.wait_dma2 semaphore(%run_scoped3A : memref<!tpu.dma_semaphore, #tpu.memory_space<semaphore_mem>>) src(%arg6 : memref<128x16xf32, #tpu.memory_space<vmem>>) dst(%dma_wait3A_26 : memref<128x16xf32, #tpu.memory_space<hbm>>)
        tpu.yield
      }) : () -> ()
    }
    %scan3A_6 = arith.constant 40 : i32
    return
  }
}

#map = affine_map<(d0, d1) -> (0, 0)>
#map1 = affine_map<(d0, d1) -> (0)>
module attributes {stable_mosaic.version = 14 : i64} {
  func.func @k(%arg0: i32, %arg1: i32, %arg2: memref<16384x64xf32, #tpu.memory_space<hbm>>, %arg3: memref<163840xi32, #tpu.memory_space<hbm>>, %arg4: memref<163840x64xf32, #tpu.memory_space<hbm>>, %arg5: memref<128xi32, #tpu.memory_space<vmem>>, %arg6: memref<128x64xf32, #tpu.memory_space<vmem>>, %arg7: memref<!tpu.dma_semaphore, #tpu.memory_space<semaphore_mem>>) attributes {dimension_semantics = [#tpu.dimension_semantics<core_parallel>, #tpu.dimension_semantics<subcore_parallel>], iteration_bounds = array<i64: 2, 16>, scalar_prefetch = 0 : i64, scratch_operands = 3 : i64, tpu.core_type = #tpu.core_type<sc_vector_subcore>, window_params = [{transform_indices = #map}, {transform_indices = #map1}, {transform_indices = #map}]} {
    %mul3A = arith.constant 2 : i32
    %mul3A_0 = arith.muli %arg1, %mul3A : i32
    %add3A = arith.addi %mul3A_0, %arg0 : i32
    %mul3A_1 = arith.constant 5120 : i32
    %mul3A_2 = arith.muli %add3A, %mul3A_1 : i32
    %scan3A = arith.constant 0 : i32
    %scan3A_3 = arith.constant 40 : i32
    %scan3A_4 = arith.addi %scan3A, %scan3A_3 : i32
    %scan3A_5 = arith.constant 1 : i32
    scf.for %scan3A_7 = %scan3A to %scan3A_4 step %scan3A_5  : i32 {
      %mul3A_8 = arith.constant 1 : i32
      %mul3A_9 = arith.muli %scan3A_7, %mul3A_8 : i32
      %add3A_10 = arith.constant 0 : i32
      %add3A_11 = arith.addi %add3A_10, %mul3A_9 : i32
      %mul3A_12 = arith.constant 128 : i32
      %mul3A_13 = arith.muli %add3A_11, %mul3A_12 : i32
      %add3A_14 = arith.addi %mul3A_2, %mul3A_13 : i32
      "tpu.region"() ({
        %run_scoped3A = tpu.sem_alloc : memref<!tpu.dma_semaphore, #tpu.memory_space<semaphore_mem>>
        %dma_start3A_19 = tpu.memref_slice %arg3[%add3A_14] : memref<163840xi32, #tpu.memory_space<hbm>> -> memref<128xi32, #tpu.memory_space<hbm>>
        %dma_start3A_20 = tpu.memref_slice %arg3[%add3A_14] : memref<163840xi32, #tpu.memory_space<hbm>> -> memref<128xi32, #tpu.memory_space<hbm>>
        tpu.enqueue_dma source(%dma_start3A_20 : memref<128xi32, #tpu.memory_space<hbm>>) target(%arg5 : memref<128xi32, #tpu.memory_space<vmem>>) target_semaphore(%run_scoped3A : memref<!tpu.dma_semaphore, #tpu.memory_space<semaphore_mem>>)
        %dma_wait3A_21 = tpu.memref_slice %arg3[%add3A_14] : memref<163840xi32, #tpu.memory_space<hbm>> -> memref<128xi32, #tpu.memory_space<hbm>>
        %dma_wait3A_22 = tpu.memref_slice %arg3[%add3A_14] : memref<163840xi32, #tpu.memory_space<hbm>> -> memref<128xi32, #tpu.memory_space<hbm>>
        tpu.wait_dma2 semaphore(%run_scoped3A : memref<!tpu.dma_semaphore, #tpu.memory_space<semaphore_mem>>) src(%dma_wait3A_22 : memref<128xi32, #tpu.memory_space<hbm>>) dst(%arg5 : memref<128xi32, #tpu.memory_space<vmem>>)
        tpu.yield
      }) : () -> ()
      %dma_start3A = arith.constant 0 : i32
      %dma_start3A_15 = arith.constant 0 : i32
      %dma_start3A_16 = tpu.memref_slice %arg2[%dma_start3A, %dma_start3A_15] : memref<16384x64xf32, #tpu.memory_space<hbm>> -> memref<16384x64xf32, #tpu.memory_space<hbm>>
      tpu.enqueue_indirect_dma source(%dma_start3A_16 : memref<16384x64xf32, #tpu.memory_space<hbm>>) target(%arg6 : memref<128x64xf32, #tpu.memory_space<vmem>>) offsets(%arg5 : memref<128xi32, #tpu.memory_space<vmem>>) semaphore(%arg7 : memref<!tpu.dma_semaphore, #tpu.memory_space<semaphore_mem>>)
      %dma_wait3A = arith.constant 0 : i32
      %dma_wait3A_17 = arith.constant 0 : i32
      %dma_wait3A_18 = tpu.memref_slice %arg2[%dma_wait3A, %dma_wait3A_17] : memref<16384x64xf32, #tpu.memory_space<hbm>> -> memref<16384x64xf32, #tpu.memory_space<hbm>>
      tpu.wait_indirect_dma semaphore(%arg7 : memref<!tpu.dma_semaphore, #tpu.memory_space<semaphore_mem>>) src(%dma_wait3A_18 : memref<16384x64xf32, #tpu.memory_space<hbm>>) dst(%arg6 : memref<128x64xf32, #tpu.memory_space<vmem>>)
      "tpu.region"() ({
        %run_scoped3A = tpu.sem_alloc : memref<!tpu.dma_semaphore, #tpu.memory_space<semaphore_mem>>
        %dma_start3A_19 = arith.constant 0 : i32
        %dma_start3A_20 = tpu.memref_slice %arg4[%add3A_14, %dma_start3A_19] : memref<163840x64xf32, #tpu.memory_space<hbm>> -> memref<128x64xf32, #tpu.memory_space<hbm>>
        %dma_start3A_21 = arith.constant 0 : i32
        %dma_start3A_22 = tpu.memref_slice %arg4[%add3A_14, %dma_start3A_21] : memref<163840x64xf32, #tpu.memory_space<hbm>> -> memref<128x64xf32, #tpu.memory_space<hbm>>
        tpu.enqueue_dma source(%arg6 : memref<128x64xf32, #tpu.memory_space<vmem>>) target(%dma_start3A_22 : memref<128x64xf32, #tpu.memory_space<hbm>>) target_semaphore(%run_scoped3A : memref<!tpu.dma_semaphore, #tpu.memory_space<semaphore_mem>>)
        %dma_wait3A_23 = arith.constant 0 : i32
        %dma_wait3A_24 = tpu.memref_slice %arg4[%add3A_14, %dma_wait3A_23] : memref<163840x64xf32, #tpu.memory_space<hbm>> -> memref<128x64xf32, #tpu.memory_space<hbm>>
        %dma_wait3A_25 = arith.constant 0 : i32
        %dma_wait3A_26 = tpu.memref_slice %arg4[%add3A_14, %dma_wait3A_25] : memref<163840x64xf32, #tpu.memory_space<hbm>> -> memref<128x64xf32, #tpu.memory_space<hbm>>
        tpu.wait_dma2 semaphore(%run_scoped3A : memref<!tpu.dma_semaphore, #tpu.memory_space<semaphore_mem>>) src(%arg6 : memref<128x64xf32, #tpu.memory_space<vmem>>) dst(%dma_wait3A_26 : memref<128x64xf32, #tpu.memory_space<hbm>>)
        tpu.yield
      }) : () -> ()
    }
    %scan3A_6 = arith.constant 40 : i32
    return
  }
}

module attributes {stable_mosaic.version = 14 : i64} {
  func.func @_knn_body(%arg0: i32, %arg1: memref<1x3x1024xf32, #tpu.memory_space<vmem>>, %arg2: memref<1x1024x3xf32, #tpu.memory_space<vmem>>, %arg3: memref<1x10x1024xi32, #tpu.memory_space<vmem>>, %arg4: memref<1x10x1024xi32, #tpu.memory_space<vmem>>, %arg5: memref<1x10x1024xi32, #tpu.memory_space<vmem>>, %arg6: memref<1x10x1024xi32, #tpu.memory_space<vmem>>, %arg7: memref<1x10x1024xi32, #tpu.memory_space<vmem>>, %arg8: memref<1x10x1024xi32, #tpu.memory_space<vmem>>) attributes {dimension_semantics = [#tpu.dimension_semantics<arbitrary>], iteration_bounds = array<i64: 16>, scalar_prefetch = 0 : i64, scratch_operands = 0 : i64, tpu.core_type = #tpu.core_type<tc>, window_params = [{transform_indices = @transform_0, window_bounds = array<i64: 1, 3, 1024>}, {transform_indices = @transform_1, window_bounds = array<i64: 1, 1024, 3>}, {transform_indices = @transform_2, window_bounds = array<i64: 1, 10, 1024>}, {transform_indices = @transform_3, window_bounds = array<i64: 1, 10, 1024>}, {transform_indices = @transform_4, window_bounds = array<i64: 1, 10, 1024>}, {transform_indices = @transform_5, window_bounds = array<i64: 1, 10, 1024>}, {transform_indices = @transform_6, window_bounds = array<i64: 1, 10, 1024>}, {transform_indices = @transform_7, window_bounds = array<i64: 1, 10, 1024>}]} {
    %get3A = arith.constant 0 : index
    %get3A_0 = arith.constant 0 : index
    %get3A_1 = arith.constant 0 : index
    %get3A_2 = vector.load %arg1[%get3A, %get3A_0, %get3A_1] : memref<1x3x1024xf32, #tpu.memory_space<vmem>>, vector<1x3x1024xf32>
    %get3A_3 = vector.shape_cast %get3A_2 : vector<1x3x1024xf32> to vector<3x1024xf32>
    %get3A_4 = arith.constant 0 : index
    %get3A_5 = arith.constant 0 : index
    %get3A_6 = arith.constant 0 : index
    %get3A_7 = vector.load %arg2[%get3A_4, %get3A_5, %get3A_6] : memref<1x1024x3xf32, #tpu.memory_space<vmem>>, vector<1x1024x3xf32>
    %get3A_8 = vector.shape_cast %get3A_7 : vector<1x1024x3xf32> to vector<1024x3xf32>
    %dot_general3A = arith.constant dense<0.000000e+00> : vector<1024x1024xf32>
    %dot_general3A_9 = tpu.matmul %get3A_8, %get3A_3, %dot_general3A {dimension_numbers = #tpu.dot_dimension_numbers<[1], [0], [0], [1], [0, 0, 1, 1], [], []>, transpose_lhs_hint = false} : vector<1024x3xf32>, vector<3x1024xf32>, vector<1024x1024xf32> -> vector<1024x1024xf32>
    %slice3A = vector.extract_strided_slice %get3A_3 {offsets = [0, 0], sizes = [1, 1024], strides = [1, 1]} : vector<3x1024xf32> to vector<1x1024xf32>
    %slice3A_10 = vector.extract_strided_slice %get3A_3 {offsets = [0, 0], sizes = [1, 1024], strides = [1, 1]} : vector<3x1024xf32> to vector<1x1024xf32>
    %mul3A = arith.mulf %slice3A, %slice3A_10 : vector<1x1024xf32>
    %slice3A_11 = vector.extract_strided_slice %get3A_8 {offsets = [0, 0], sizes = [1024, 1], strides = [1, 1]} : vector<1024x3xf32> to vector<1024x1xf32>
    %slice3A_12 = vector.extract_strided_slice %get3A_8 {offsets = [0, 0], sizes = [1024, 1], strides = [1, 1]} : vector<1024x3xf32> to vector<1024x1xf32>
    %mul3A_13 = arith.mulf %slice3A_11, %slice3A_12 : vector<1024x1xf32>
    %slice3A_14 = vector.extract_strided_slice %get3A_3 {offsets = [1, 0], sizes = [1, 1024], strides = [1, 1]} : vector<3x1024xf32> to vector<1x1024xf32>
    %slice3A_15 = vector.extract_strided_slice %get3A_3 {offsets = [1, 0], sizes = [1, 1024], strides = [1, 1]} : vector<3x1024xf32> to vector<1x1024xf32>
    %mul3A_16 = arith.mulf %slice3A_14, %slice3A_15 : vector<1x1024xf32>
    %add3A = arith.addf %mul3A, %mul3A_16 : vector<1x1024xf32>
    %slice3A_17 = vector.extract_strided_slice %get3A_8 {offsets = [0, 1], sizes = [1024, 1], strides = [1, 1]} : vector<1024x3xf32> to vector<1024x1xf32>
    %slice3A_18 = vector.extract_strided_slice %get3A_8 {offsets = [0, 1], sizes = [1024, 1], strides = [1, 1]} : vector<1024x3xf32> to vector<1024x1xf32>
    %mul3A_19 = arith.mulf %slice3A_17, %slice3A_18 : vector<1024x1xf32>
    %add3A_20 = arith.addf %mul3A_13, %mul3A_19 : vector<1024x1xf32>
    %slice3A_21 = vector.extract_strided_slice %get3A_3 {offsets = [2, 0], sizes = [1, 1024], strides = [1, 1]} : vector<3x1024xf32> to vector<1x1024xf32>
    %slice3A_22 = vector.extract_strided_slice %get3A_3 {offsets = [2, 0], sizes = [1, 1024], strides = [1, 1]} : vector<3x1024xf32> to vector<1x1024xf32>
    %mul3A_23 = arith.mulf %slice3A_21, %slice3A_22 : vector<1x1024xf32>
    %add3A_24 = arith.addf %add3A, %mul3A_23 : vector<1x1024xf32>
    %slice3A_25 = vector.extract_strided_slice %get3A_8 {offsets = [0, 2], sizes = [1024, 1], strides = [1, 1]} : vector<1024x3xf32> to vector<1024x1xf32>
    %slice3A_26 = vector.extract_strided_slice %get3A_8 {offsets = [0, 2], sizes = [1024, 1], strides = [1, 1]} : vector<1024x3xf32> to vector<1024x1xf32>
    %mul3A_27 = arith.mulf %slice3A_25, %slice3A_26 : vector<1024x1xf32>
    %add3A_28 = arith.addf %add3A_20, %mul3A_27 : vector<1024x1xf32>
    %mul3A_29 = arith.constant -2.000000e+00 : f32
    %mul3A_30 = vector.broadcast %mul3A_29 : f32 to vector<1024x1024xf32>
    %mul3A_31 = arith.mulf %mul3A_30, %dot_general3A_9 : vector<1024x1024xf32>
    %neg3A = arith.constant 0.000000e+00 : f32
    %neg3A_32 = vector.broadcast %neg3A : f32 to vector<1024x1xf32>
    %neg3A_33 = arith.subf %neg3A_32, %add3A_28 : vector<1024x1xf32>
    %sub3A = vector.broadcast %neg3A_33 : vector<1024x1xf32> to vector<1024x1024xf32>
    %sub3A_34 = arith.subf %sub3A, %mul3A_31 : vector<1024x1024xf32>
    %sub3A_35 = vector.broadcast %add3A_24 : vector<1x1024xf32> to vector<1024x1024xf32>
    %sub3A_36 = arith.subf %sub3A_34, %sub3A_35 : vector<1024x1024xf32>
    %iota3A = tpu.iota {dimensions = array<i32: 0>} : vector<1024x1024xi32>
    %get3A_37 = arith.constant 0 : index
    %get3A_38 = arith.constant 0 : index
    %get3A_39 = arith.constant 0 : index
    %get3A_40 = vector.load %arg3[%get3A_37, %get3A_38, %get3A_39] : memref<1x10x1024xi32, #tpu.memory_space<vmem>>, vector<1x10x1024xi32>
    %get3A_41 = vector.shape_cast %get3A_40 : vector<1x10x1024xi32> to vector<10x1024xi32>
    %get3A_42 = arith.constant 0 : index
    %get3A_43 = arith.constant 0 : index
    %get3A_44 = arith.constant 0 : index
    %get3A_45 = vector.load %arg4[%get3A_42, %get3A_43, %get3A_44] : memref<1x10x1024xi32, #tpu.memory_space<vmem>>, vector<1x10x1024xi32>
    %get3A_46 = vector.shape_cast %get3A_45 : vector<1x10x1024xi32> to vector<10x1024xi32>
    %get3A_47 = arith.constant 0 : index
    %get3A_48 = arith.constant 0 : index
    %get3A_49 = arith.constant 0 : index
    %get3A_50 = vector.load %arg5[%get3A_47, %get3A_48, %get3A_49] : memref<1x10x1024xi32, #tpu.memory_space<vmem>>, vector<1x10x1024xi32>
    %get3A_51 = vector.shape_cast %get3A_50 : vector<1x10x1024xi32> to vector<10x1024xi32>
    %broadcast_in_dim3A = arith.constant 0 : i32
    %broadcast_in_dim3A_52 = vector.broadcast %broadcast_in_dim3A : i32 to vector<10x1024xi32>
    %broadcast_in_dim3A_53 = arith.constant 0 : i32
    %broadcast_in_dim3A_54 = vector.broadcast %broadcast_in_dim3A_53 : i32 to vector<10x1024xi32>
    %broadcast_in_dim3A_55 = arith.constant 0 : i32
    %broadcast_in_dim3A_56 = vector.broadcast %broadcast_in_dim3A_55 : i32 to vector<10x1024xi32>
    %reduce_max3A = arith.constant dense<0xFF800000> : vector<1024xf32>
    %reduce_max3A_57 = vector.multi_reduction <maximumf>, %sub3A_36, %reduce_max3A [0] : vector<1024x1024xf32> to vector<1024xf32>
    %broadcast_in_dim3A_58 = vector.shape_cast %reduce_max3A_57 : vector<1024xf32> to vector<1x1024xf32>
    %eq3A = vector.broadcast %broadcast_in_dim3A_58 : vector<1x1024xf32> to vector<1024x1024xf32>
    %eq3A_59 = arith.cmpf oeq, %sub3A_36, %eq3A : vector<1024x1024xf32>
    %jit3A = arith.constant 1024 : i32
    %broadcast_in_dim3A_60 = vector.broadcast %jit3A : i32 to vector<1024x1024xi32>
    %select_n3A = arith.select %eq3A_59, %iota3A, %broadcast_in_dim3A_60 : vector<1024x1024xi1>, vector<1024x1024xi32>
    %reduce_min3A = arith.constant dense<2147483647> : vector<1024xi32>
    %reduce_min3A_61 = vector.multi_reduction <minsi>, %select_n3A, %reduce_min3A [0] : vector<1024x1024xi32> to vector<1024xi32>
    %broadcast_in_dim3A_62 = vector.shape_cast %reduce_min3A_61 : vector<1024xi32> to vector<1x1024xi32>
    %eq3A_63 = arith.constant 0 : i32
    %eq3A_64 = vector.broadcast %eq3A_63 : i32 to vector<10x1024xi32>
    %eq3A_65 = arith.cmpi eq, %get3A_41, %eq3A_64 : vector<10x1024xi32>
    %broadcast_in_dim3A_66 = vector.shape_cast %broadcast_in_dim3A_62 : vector<1x1024xi32> to vector<1x1024xi32>
    %broadcast_in_dim3A_67 = vector.broadcast %broadcast_in_dim3A_66 : vector<1x1024xi32> to vector<10x1024xi32>
    %select_n3A_68 = arith.select %eq3A_65, %broadcast_in_dim3A_67, %broadcast_in_dim3A_52 : vector<10x1024xi1>, vector<10x1024xi32>
    %eq3A_69 = arith.constant 0 : i32
    %eq3A_70 = vector.broadcast %eq3A_69 : i32 to vector<10x1024xi32>
    %eq3A_71 = arith.cmpi eq, %get3A_46, %eq3A_70 : vector<10x1024xi32>
    %broadcast_in_dim3A_72 = vector.shape_cast %broadcast_in_dim3A_62 : vector<1x1024xi32> to vector<1x1024xi32>
    %broadcast_in_dim3A_73 = vector.broadcast %broadcast_in_dim3A_72 : vector<1x1024xi32> to vector<10x1024xi32>
    %select_n3A_74 = arith.select %eq3A_71, %broadcast_in_dim3A_73, %broadcast_in_dim3A_54 : vector<10x1024xi1>, vector<10x1024xi32>
    %eq3A_75 = arith.constant 0 : i32
    %eq3A_76 = vector.broadcast %eq3A_75 : i32 to vector<10x1024xi32>
    %eq3A_77 = arith.cmpi eq, %get3A_51, %eq3A_76 : vector<10x1024xi32>
    %broadcast_in_dim3A_78 = vector.shape_cast %broadcast_in_dim3A_62 : vector<1x1024xi32> to vector<1x1024xi32>
    %broadcast_in_dim3A_79 = vector.broadcast %broadcast_in_dim3A_78 : vector<1x1024xi32> to vector<10x1024xi32>
    %select_n3A_80 = arith.select %eq3A_77, %broadcast_in_dim3A_79, %broadcast_in_dim3A_56 : vector<10x1024xi1>, vector<10x1024xi32>
    %eq3A_81 = vector.broadcast %broadcast_in_dim3A_62 : vector<1x1024xi32> to vector<1024x1024xi32>
    %eq3A_82 = arith.cmpi eq, %iota3A, %eq3A_81 : vector<1024x1024xi32>
    %jit3A_83 = arith.constant 0xFF800000 : f32
    %broadcast_in_dim3A_84 = vector.broadcast %jit3A_83 : f32 to vector<1024x1024xf32>
    %select_n3A_85 = arith.select %eq3A_82, %broadcast_in_dim3A_84, %sub3A_36 : vector<1024x1024xi1>, vector<1024x1024xf32>
    %reduce_max3A_86 = arith.constant dense<0xFF800000> : vector<1024xf32>
    %reduce_max3A_87 = vector.multi_reduction <maximumf>, %select_n3A_85, %reduce_max3A_86 [0] : vector<1024x1024xf32> to vector<1024xf32>
    %broadcast_in_dim3A_88 = vector.shape_cast %reduce_max3A_87 : vector<1024xf32> to vector<1x1024xf32>
    %eq3A_89 = vector.broadcast %broadcast_in_dim3A_88 : vector<1x1024xf32> to vector<1024x1024xf32>
    %eq3A_90 = arith.cmpf oeq, %select_n3A_85, %eq3A_89 : vector<1024x1024xf32>
    %jit3A_91 = arith.constant 1024 : i32
    %broadcast_in_dim3A_92 = vector.broadcast %jit3A_91 : i32 to vector<1024x1024xi32>
    %select_n3A_93 = arith.select %eq3A_90, %iota3A, %broadcast_in_dim3A_92 : vector<1024x1024xi1>, vector<1024x1024xi32>
    %reduce_min3A_94 = arith.constant dense<2147483647> : vector<1024xi32>
    %reduce_min3A_95 = vector.multi_reduction <minsi>, %select_n3A_93, %reduce_min3A_94 [0] : vector<1024x1024xi32> to vector<1024xi32>
    %broadcast_in_dim3A_96 = vector.shape_cast %reduce_min3A_95 : vector<1024xi32> to vector<1x1024xi32>
    %eq3A_97 = arith.constant 1 : i32
    %eq3A_98 = vector.broadcast %eq3A_97 : i32 to vector<10x1024xi32>
    %eq3A_99 = arith.cmpi eq, %get3A_41, %eq3A_98 : vector<10x1024xi32>
    %broadcast_in_dim3A_100 = vector.shape_cast %broadcast_in_dim3A_96 : vector<1x1024xi32> to vector<1x1024xi32>
    %broadcast_in_dim3A_101 = vector.broadcast %broadcast_in_dim3A_100 : vector<1x1024xi32> to vector<10x1024xi32>
    %select_n3A_102 = arith.select %eq3A_99, %broadcast_in_dim3A_101, %select_n3A_68 : vector<10x1024xi1>, vector<10x1024xi32>
    %eq3A_103 = arith.constant 1 : i32
    %eq3A_104 = vector.broadcast %eq3A_103 : i32 to vector<10x1024xi32>
    %eq3A_105 = arith.cmpi eq, %get3A_46, %eq3A_104 : vector<10x1024xi32>
    %broadcast_in_dim3A_106 = vector.shape_cast %broadcast_in_dim3A_96 : vector<1x1024xi32> to vector<1x1024xi32>
    %broadcast_in_dim3A_107 = vector.broadcast %broadcast_in_dim3A_106 : vector<1x1024xi32> to vector<10x1024xi32>
    %select_n3A_108 = arith.select %eq3A_105, %broadcast_in_dim3A_107, %select_n3A_74 : vector<10x1024xi1>, vector<10x1024xi32>
    %eq3A_109 = arith.constant 1 : i32
    %eq3A_110 = vector.broadcast %eq3A_109 : i32 to vector<10x1024xi32>
    %eq3A_111 = arith.cmpi eq, %get3A_51, %eq3A_110 : vector<10x1024xi32>
    %broadcast_in_dim3A_112 = vector.shape_cast %broadcast_in_dim3A_96 : vector<1x1024xi32> to vector<1x1024xi32>
    %broadcast_in_dim3A_113 = vector.broadcast %broadcast_in_dim3A_112 : vector<1x1024xi32> to vector<10x1024xi32>
    %select_n3A_114 = arith.select %eq3A_111, %broadcast_in_dim3A_113, %select_n3A_80 : vector<10x1024xi1>, vector<10x1024xi32>
    %eq3A_115 = vector.broadcast %broadcast_in_dim3A_96 : vector<1x1024xi32> to vector<1024x1024xi32>
    %eq3A_116 = arith.cmpi eq, %iota3A, %eq3A_115 : vector<1024x1024xi32>
    %jit3A_117 = arith.constant 0xFF800000 : f32
    %broadcast_in_dim3A_118 = vector.broadcast %jit3A_117 : f32 to vector<1024x1024xf32>
    %select_n3A_119 = arith.select %eq3A_116, %broadcast_in_dim3A_118, %select_n3A_85 : vector<1024x1024xi1>, vector<1024x1024xf32>
    %reduce_max3A_120 = arith.constant dense<0xFF800000> : vector<1024xf32>
    %reduce_max3A_121 = vector.multi_reduction <maximumf>, %select_n3A_119, %reduce_max3A_120 [0] : vector<1024x1024xf32> to vector<1024xf32>
    %broadcast_in_dim3A_122 = vector.shape_cast %reduce_max3A_121 : vector<1024xf32> to vector<1x1024xf32>
    %eq3A_123 = vector.broadcast %broadcast_in_dim3A_122 : vector<1x1024xf32> to vector<1024x1024xf32>
    %eq3A_124 = arith.cmpf oeq, %select_n3A_119, %eq3A_123 : vector<1024x1024xf32>
    %jit3A_125 = arith.constant 1024 : i32
    %broadcast_in_dim3A_126 = vector.broadcast %jit3A_125 : i32 to vector<1024x1024xi32>
    %select_n3A_127 = arith.select %eq3A_124, %iota3A, %broadcast_in_dim3A_126 : vector<1024x1024xi1>, vector<1024x1024xi32>
    %reduce_min3A_128 = arith.constant dense<2147483647> : vector<1024xi32>
    %reduce_min3A_129 = vector.multi_reduction <minsi>, %select_n3A_127, %reduce_min3A_128 [0] : vector<1024x1024xi32> to vector<1024xi32>
    %broadcast_in_dim3A_130 = vector.shape_cast %reduce_min3A_129 : vector<1024xi32> to vector<1x1024xi32>
    %eq3A_131 = arith.constant 2 : i32
    %eq3A_132 = vector.broadcast %eq3A_131 : i32 to vector<10x1024xi32>
    %eq3A_133 = arith.cmpi eq, %get3A_41, %eq3A_132 : vector<10x1024xi32>
    %broadcast_in_dim3A_134 = vector.shape_cast %broadcast_in_dim3A_130 : vector<1x1024xi32> to vector<1x1024xi32>
    %broadcast_in_dim3A_135 = vector.broadcast %broadcast_in_dim3A_134 : vector<1x1024xi32> to vector<10x1024xi32>
    %select_n3A_136 = arith.select %eq3A_133, %broadcast_in_dim3A_135, %select_n3A_102 : vector<10x1024xi1>, vector<10x1024xi32>
    %eq3A_137 = arith.constant 2 : i32
    %eq3A_138 = vector.broadcast %eq3A_137 : i32 to vector<10x1024xi32>
    %eq3A_139 = arith.cmpi eq, %get3A_46, %eq3A_138 : vector<10x1024xi32>
    %broadcast_in_dim3A_140 = vector.shape_cast %broadcast_in_dim3A_130 : vector<1x1024xi32> to vector<1x1024xi32>
    %broadcast_in_dim3A_141 = vector.broadcast %broadcast_in_dim3A_140 : vector<1x1024xi32> to vector<10x1024xi32>
    %select_n3A_142 = arith.select %eq3A_139, %broadcast_in_dim3A_141, %select_n3A_108 : vector<10x1024xi1>, vector<10x1024xi32>
    %eq3A_143 = arith.constant 2 : i32
    %eq3A_144 = vector.broadcast %eq3A_143 : i32 to vector<10x1024xi32>
    %eq3A_145 = arith.cmpi eq, %get3A_51, %eq3A_144 : vector<10x1024xi32>
    %broadcast_in_dim3A_146 = vector.shape_cast %broadcast_in_dim3A_130 : vector<1x1024xi32> to vector<1x1024xi32>
    %broadcast_in_dim3A_147 = vector.broadcast %broadcast_in_dim3A_146 : vector<1x1024xi32> to vector<10x1024xi32>
    %select_n3A_148 = arith.select %eq3A_145, %broadcast_in_dim3A_147, %select_n3A_114 : vector<10x1024xi1>, vector<10x1024xi32>
    %eq3A_149 = vector.broadcast %broadcast_in_dim3A_130 : vector<1x1024xi32> to vector<1024x1024xi32>
    %eq3A_150 = arith.cmpi eq, %iota3A, %eq3A_149 : vector<1024x1024xi32>
    %jit3A_151 = arith.constant 0xFF800000 : f32
    %broadcast_in_dim3A_152 = vector.broadcast %jit3A_151 : f32 to vector<1024x1024xf32>
    %select_n3A_153 = arith.select %eq3A_150, %broadcast_in_dim3A_152, %select_n3A_119 : vector<1024x1024xi1>, vector<1024x1024xf32>
    %reduce_max3A_154 = arith.constant dense<0xFF800000> : vector<1024xf32>
    %reduce_max3A_155 = vector.multi_reduction <maximumf>, %select_n3A_153, %reduce_max3A_154 [0] : vector<1024x1024xf32> to vector<1024xf32>
    %broadcast_in_dim3A_156 = vector.shape_cast %reduce_max3A_155 : vector<1024xf32> to vector<1x1024xf32>
    %eq3A_157 = vector.broadcast %broadcast_in_dim3A_156 : vector<1x1024xf32> to vector<1024x1024xf32>
    %eq3A_158 = arith.cmpf oeq, %select_n3A_153, %eq3A_157 : vector<1024x1024xf32>
    %jit3A_159 = arith.constant 1024 : i32
    %broadcast_in_dim3A_160 = vector.broadcast %jit3A_159 : i32 to vector<1024x1024xi32>
    %select_n3A_161 = arith.select %eq3A_158, %iota3A, %broadcast_in_dim3A_160 : vector<1024x1024xi1>, vector<1024x1024xi32>
    %reduce_min3A_162 = arith.constant dense<2147483647> : vector<1024xi32>
    %reduce_min3A_163 = vector.multi_reduction <minsi>, %select_n3A_161, %reduce_min3A_162 [0] : vector<1024x1024xi32> to vector<1024xi32>
    %broadcast_in_dim3A_164 = vector.shape_cast %reduce_min3A_163 : vector<1024xi32> to vector<1x1024xi32>
    %eq3A_165 = arith.constant 3 : i32
    %eq3A_166 = vector.broadcast %eq3A_165 : i32 to vector<10x1024xi32>
    %eq3A_167 = arith.cmpi eq, %get3A_41, %eq3A_166 : vector<10x1024xi32>
    %broadcast_in_dim3A_168 = vector.shape_cast %broadcast_in_dim3A_164 : vector<1x1024xi32> to vector<1x1024xi32>
    %broadcast_in_dim3A_169 = vector.broadcast %broadcast_in_dim3A_168 : vector<1x1024xi32> to vector<10x1024xi32>
    %select_n3A_170 = arith.select %eq3A_167, %broadcast_in_dim3A_169, %select_n3A_136 : vector<10x1024xi1>, vector<10x1024xi32>
    %eq3A_171 = arith.constant 3 : i32
    %eq3A_172 = vector.broadcast %eq3A_171 : i32 to vector<10x1024xi32>
    %eq3A_173 = arith.cmpi eq, %get3A_46, %eq3A_172 : vector<10x1024xi32>
    %broadcast_in_dim3A_174 = vector.shape_cast %broadcast_in_dim3A_164 : vector<1x1024xi32> to vector<1x1024xi32>
    %broadcast_in_dim3A_175 = vector.broadcast %broadcast_in_dim3A_174 : vector<1x1024xi32> to vector<10x1024xi32>
    %select_n3A_176 = arith.select %eq3A_173, %broadcast_in_dim3A_175, %select_n3A_142 : vector<10x1024xi1>, vector<10x1024xi32>
    %eq3A_177 = arith.constant 3 : i32
    %eq3A_178 = vector.broadcast %eq3A_177 : i32 to vector<10x1024xi32>
    %eq3A_179 = arith.cmpi eq, %get3A_51, %eq3A_178 : vector<10x1024xi32>
    %broadcast_in_dim3A_180 = vector.shape_cast %broadcast_in_dim3A_164 : vector<1x1024xi32> to vector<1x1024xi32>
    %broadcast_in_dim3A_181 = vector.broadcast %broadcast_in_dim3A_180 : vector<1x1024xi32> to vector<10x1024xi32>
    %select_n3A_182 = arith.select %eq3A_179, %broadcast_in_dim3A_181, %select_n3A_148 : vector<10x1024xi1>, vector<10x1024xi32>
    %eq3A_183 = vector.broadcast %broadcast_in_dim3A_164 : vector<1x1024xi32> to vector<1024x1024xi32>
    %eq3A_184 = arith.cmpi eq, %iota3A, %eq3A_183 : vector<1024x1024xi32>
    %jit3A_185 = arith.constant 0xFF800000 : f32
    %broadcast_in_dim3A_186 = vector.broadcast %jit3A_185 : f32 to vector<1024x1024xf32>
    %select_n3A_187 = arith.select %eq3A_184, %broadcast_in_dim3A_186, %select_n3A_153 : vector<1024x1024xi1>, vector<1024x1024xf32>
    %reduce_max3A_188 = arith.constant dense<0xFF800000> : vector<1024xf32>
    %reduce_max3A_189 = vector.multi_reduction <maximumf>, %select_n3A_187, %reduce_max3A_188 [0] : vector<1024x1024xf32> to vector<1024xf32>
    %broadcast_in_dim3A_190 = vector.shape_cast %reduce_max3A_189 : vector<1024xf32> to vector<1x1024xf32>
    %eq3A_191 = vector.broadcast %broadcast_in_dim3A_190 : vector<1x1024xf32> to vector<1024x1024xf32>
    %eq3A_192 = arith.cmpf oeq, %select_n3A_187, %eq3A_191 : vector<1024x1024xf32>
    %jit3A_193 = arith.constant 1024 : i32
    %broadcast_in_dim3A_194 = vector.broadcast %jit3A_193 : i32 to vector<1024x1024xi32>
    %select_n3A_195 = arith.select %eq3A_192, %iota3A, %broadcast_in_dim3A_194 : vector<1024x1024xi1>, vector<1024x1024xi32>
    %reduce_min3A_196 = arith.constant dense<2147483647> : vector<1024xi32>
    %reduce_min3A_197 = vector.multi_reduction <minsi>, %select_n3A_195, %reduce_min3A_196 [0] : vector<1024x1024xi32> to vector<1024xi32>
    %broadcast_in_dim3A_198 = vector.shape_cast %reduce_min3A_197 : vector<1024xi32> to vector<1x1024xi32>
    %eq3A_199 = arith.constant 4 : i32
    %eq3A_200 = vector.broadcast %eq3A_199 : i32 to vector<10x1024xi32>
    %eq3A_201 = arith.cmpi eq, %get3A_41, %eq3A_200 : vector<10x1024xi32>
    %broadcast_in_dim3A_202 = vector.shape_cast %broadcast_in_dim3A_198 : vector<1x1024xi32> to vector<1x1024xi32>
    %broadcast_in_dim3A_203 = vector.broadcast %broadcast_in_dim3A_202 : vector<1x1024xi32> to vector<10x1024xi32>
    %select_n3A_204 = arith.select %eq3A_201, %broadcast_in_dim3A_203, %select_n3A_170 : vector<10x1024xi1>, vector<10x1024xi32>
    %eq3A_205 = arith.constant 4 : i32
    %eq3A_206 = vector.broadcast %eq3A_205 : i32 to vector<10x1024xi32>
    %eq3A_207 = arith.cmpi eq, %get3A_46, %eq3A_206 : vector<10x1024xi32>
    %broadcast_in_dim3A_208 = vector.shape_cast %broadcast_in_dim3A_198 : vector<1x1024xi32> to vector<1x1024xi32>
    %broadcast_in_dim3A_209 = vector.broadcast %broadcast_in_dim3A_208 : vector<1x1024xi32> to vector<10x1024xi32>
    %select_n3A_210 = arith.select %eq3A_207, %broadcast_in_dim3A_209, %select_n3A_176 : vector<10x1024xi1>, vector<10x1024xi32>
    %eq3A_211 = arith.constant 4 : i32
    %eq3A_212 = vector.broadcast %eq3A_211 : i32 to vector<10x1024xi32>
    %eq3A_213 = arith.cmpi eq, %get3A_51, %eq3A_212 : vector<10x1024xi32>
    %broadcast_in_dim3A_214 = vector.shape_cast %broadcast_in_dim3A_198 : vector<1x1024xi32> to vector<1x1024xi32>
    %broadcast_in_dim3A_215 = vector.broadcast %broadcast_in_dim3A_214 : vector<1x1024xi32> to vector<10x1024xi32>
    %select_n3A_216 = arith.select %eq3A_213, %broadcast_in_dim3A_215, %select_n3A_182 : vector<10x1024xi1>, vector<10x1024xi32>
    %eq3A_217 = vector.broadcast %broadcast_in_dim3A_198 : vector<1x1024xi32> to vector<1024x1024xi32>
    %eq3A_218 = arith.cmpi eq, %iota3A, %eq3A_217 : vector<1024x1024xi32>
    %jit3A_219 = arith.constant 0xFF800000 : f32
    %broadcast_in_dim3A_220 = vector.broadcast %jit3A_219 : f32 to vector<1024x1024xf32>
    %select_n3A_221 = arith.select %eq3A_218, %broadcast_in_dim3A_220, %select_n3A_187 : vector<1024x1024xi1>, vector<1024x1024xf32>
    %reduce_max3A_222 = arith.constant dense<0xFF800000> : vector<1024xf32>
    %reduce_max3A_223 = vector.multi_reduction <maximumf>, %select_n3A_221, %reduce_max3A_222 [0] : vector<1024x1024xf32> to vector<1024xf32>
    %broadcast_in_dim3A_224 = vector.shape_cast %reduce_max3A_223 : vector<1024xf32> to vector<1x1024xf32>
    %eq3A_225 = vector.broadcast %broadcast_in_dim3A_224 : vector<1x1024xf32> to vector<1024x1024xf32>
    %eq3A_226 = arith.cmpf oeq, %select_n3A_221, %eq3A_225 : vector<1024x1024xf32>
    %jit3A_227 = arith.constant 1024 : i32
    %broadcast_in_dim3A_228 = vector.broadcast %jit3A_227 : i32 to vector<1024x1024xi32>
    %select_n3A_229 = arith.select %eq3A_226, %iota3A, %broadcast_in_dim3A_228 : vector<1024x1024xi1>, vector<1024x1024xi32>
    %reduce_min3A_230 = arith.constant dense<2147483647> : vector<1024xi32>
    %reduce_min3A_231 = vector.multi_reduction <minsi>, %select_n3A_229, %reduce_min3A_230 [0] : vector<1024x1024xi32> to vector<1024xi32>
    %broadcast_in_dim3A_232 = vector.shape_cast %reduce_min3A_231 : vector<1024xi32> to vector<1x1024xi32>
    %eq3A_233 = arith.constant 5 : i32
    %eq3A_234 = vector.broadcast %eq3A_233 : i32 to vector<10x1024xi32>
    %eq3A_235 = arith.cmpi eq, %get3A_41, %eq3A_234 : vector<10x1024xi32>
    %broadcast_in_dim3A_236 = vector.shape_cast %broadcast_in_dim3A_232 : vector<1x1024xi32> to vector<1x1024xi32>
    %broadcast_in_dim3A_237 = vector.broadcast %broadcast_in_dim3A_236 : vector<1x1024xi32> to vector<10x1024xi32>
    %select_n3A_238 = arith.select %eq3A_235, %broadcast_in_dim3A_237, %select_n3A_204 : vector<10x1024xi1>, vector<10x1024xi32>
    %eq3A_239 = arith.constant 5 : i32
    %eq3A_240 = vector.broadcast %eq3A_239 : i32 to vector<10x1024xi32>
    %eq3A_241 = arith.cmpi eq, %get3A_46, %eq3A_240 : vector<10x1024xi32>
    %broadcast_in_dim3A_242 = vector.shape_cast %broadcast_in_dim3A_232 : vector<1x1024xi32> to vector<1x1024xi32>
    %broadcast_in_dim3A_243 = vector.broadcast %broadcast_in_dim3A_242 : vector<1x1024xi32> to vector<10x1024xi32>
    %select_n3A_244 = arith.select %eq3A_241, %broadcast_in_dim3A_243, %select_n3A_210 : vector<10x1024xi1>, vector<10x1024xi32>
    %eq3A_245 = arith.constant 5 : i32
    %eq3A_246 = vector.broadcast %eq3A_245 : i32 to vector<10x1024xi32>
    %eq3A_247 = arith.cmpi eq, %get3A_51, %eq3A_246 : vector<10x1024xi32>
    %broadcast_in_dim3A_248 = vector.shape_cast %broadcast_in_dim3A_232 : vector<1x1024xi32> to vector<1x1024xi32>
    %broadcast_in_dim3A_249 = vector.broadcast %broadcast_in_dim3A_248 : vector<1x1024xi32> to vector<10x1024xi32>
    %select_n3A_250 = arith.select %eq3A_247, %broadcast_in_dim3A_249, %select_n3A_216 : vector<10x1024xi1>, vector<10x1024xi32>
    %eq3A_251 = vector.broadcast %broadcast_in_dim3A_232 : vector<1x1024xi32> to vector<1024x1024xi32>
    %eq3A_252 = arith.cmpi eq, %iota3A, %eq3A_251 : vector<1024x1024xi32>
    %jit3A_253 = arith.constant 0xFF800000 : f32
    %broadcast_in_dim3A_254 = vector.broadcast %jit3A_253 : f32 to vector<1024x1024xf32>
    %select_n3A_255 = arith.select %eq3A_252, %broadcast_in_dim3A_254, %select_n3A_221 : vector<1024x1024xi1>, vector<1024x1024xf32>
    %reduce_max3A_256 = arith.constant dense<0xFF800000> : vector<1024xf32>
    %reduce_max3A_257 = vector.multi_reduction <maximumf>, %select_n3A_255, %reduce_max3A_256 [0] : vector<1024x1024xf32> to vector<1024xf32>
    %broadcast_in_dim3A_258 = vector.shape_cast %reduce_max3A_257 : vector<1024xf32> to vector<1x1024xf32>
    %eq3A_259 = vector.broadcast %broadcast_in_dim3A_258 : vector<1x1024xf32> to vector<1024x1024xf32>
    %eq3A_260 = arith.cmpf oeq, %select_n3A_255, %eq3A_259 : vector<1024x1024xf32>
    %jit3A_261 = arith.constant 1024 : i32
    %broadcast_in_dim3A_262 = vector.broadcast %jit3A_261 : i32 to vector<1024x1024xi32>
    %select_n3A_263 = arith.select %eq3A_260, %iota3A, %broadcast_in_dim3A_262 : vector<1024x1024xi1>, vector<1024x1024xi32>
    %reduce_min3A_264 = arith.constant dense<2147483647> : vector<1024xi32>
    %reduce_min3A_265 = vector.multi_reduction <minsi>, %select_n3A_263, %reduce_min3A_264 [0] : vector<1024x1024xi32> to vector<1024xi32>
    %broadcast_in_dim3A_266 = vector.shape_cast %reduce_min3A_265 : vector<1024xi32> to vector<1x1024xi32>
    %eq3A_267 = arith.constant 6 : i32
    %eq3A_268 = vector.broadcast %eq3A_267 : i32 to vector<10x1024xi32>
    %eq3A_269 = arith.cmpi eq, %get3A_41, %eq3A_268 : vector<10x1024xi32>
    %broadcast_in_dim3A_270 = vector.shape_cast %broadcast_in_dim3A_266 : vector<1x1024xi32> to vector<1x1024xi32>
    %broadcast_in_dim3A_271 = vector.broadcast %broadcast_in_dim3A_270 : vector<1x1024xi32> to vector<10x1024xi32>
    %select_n3A_272 = arith.select %eq3A_269, %broadcast_in_dim3A_271, %select_n3A_238 : vector<10x1024xi1>, vector<10x1024xi32>
    %eq3A_273 = arith.constant 6 : i32
    %eq3A_274 = vector.broadcast %eq3A_273 : i32 to vector<10x1024xi32>
    %eq3A_275 = arith.cmpi eq, %get3A_46, %eq3A_274 : vector<10x1024xi32>
    %broadcast_in_dim3A_276 = vector.shape_cast %broadcast_in_dim3A_266 : vector<1x1024xi32> to vector<1x1024xi32>
    %broadcast_in_dim3A_277 = vector.broadcast %broadcast_in_dim3A_276 : vector<1x1024xi32> to vector<10x1024xi32>
    %select_n3A_278 = arith.select %eq3A_275, %broadcast_in_dim3A_277, %select_n3A_244 : vector<10x1024xi1>, vector<10x1024xi32>
    %eq3A_279 = arith.constant 6 : i32
    %eq3A_280 = vector.broadcast %eq3A_279 : i32 to vector<10x1024xi32>
    %eq3A_281 = arith.cmpi eq, %get3A_51, %eq3A_280 : vector<10x1024xi32>
    %broadcast_in_dim3A_282 = vector.shape_cast %broadcast_in_dim3A_266 : vector<1x1024xi32> to vector<1x1024xi32>
    %broadcast_in_dim3A_283 = vector.broadcast %broadcast_in_dim3A_282 : vector<1x1024xi32> to vector<10x1024xi32>
    %select_n3A_284 = arith.select %eq3A_281, %broadcast_in_dim3A_283, %select_n3A_250 : vector<10x1024xi1>, vector<10x1024xi32>
    %eq3A_285 = vector.broadcast %broadcast_in_dim3A_266 : vector<1x1024xi32> to vector<1024x1024xi32>
    %eq3A_286 = arith.cmpi eq, %iota3A, %eq3A_285 : vector<1024x1024xi32>
    %jit3A_287 = arith.constant 0xFF800000 : f32
    %broadcast_in_dim3A_288 = vector.broadcast %jit3A_287 : f32 to vector<1024x1024xf32>
    %select_n3A_289 = arith.select %eq3A_286, %broadcast_in_dim3A_288, %select_n3A_255 : vector<1024x1024xi1>, vector<1024x1024xf32>
    %reduce_max3A_290 = arith.constant dense<0xFF800000> : vector<1024xf32>
    %reduce_max3A_291 = vector.multi_reduction <maximumf>, %select_n3A_289, %reduce_max3A_290 [0] : vector<1024x1024xf32> to vector<1024xf32>
    %broadcast_in_dim3A_292 = vector.shape_cast %reduce_max3A_291 : vector<1024xf32> to vector<1x1024xf32>
    %eq3A_293 = vector.broadcast %broadcast_in_dim3A_292 : vector<1x1024xf32> to vector<1024x1024xf32>
    %eq3A_294 = arith.cmpf oeq, %select_n3A_289, %eq3A_293 : vector<1024x1024xf32>
    %jit3A_295 = arith.constant 1024 : i32
    %broadcast_in_dim3A_296 = vector.broadcast %jit3A_295 : i32 to vector<1024x1024xi32>
    %select_n3A_297 = arith.select %eq3A_294, %iota3A, %broadcast_in_dim3A_296 : vector<1024x1024xi1>, vector<1024x1024xi32>
    %reduce_min3A_298 = arith.constant dense<2147483647> : vector<1024xi32>
    %reduce_min3A_299 = vector.multi_reduction <minsi>, %select_n3A_297, %reduce_min3A_298 [0] : vector<1024x1024xi32> to vector<1024xi32>
    %broadcast_in_dim3A_300 = vector.shape_cast %reduce_min3A_299 : vector<1024xi32> to vector<1x1024xi32>
    %eq3A_301 = arith.constant 7 : i32
    %eq3A_302 = vector.broadcast %eq3A_301 : i32 to vector<10x1024xi32>
    %eq3A_303 = arith.cmpi eq, %get3A_41, %eq3A_302 : vector<10x1024xi32>
    %broadcast_in_dim3A_304 = vector.shape_cast %broadcast_in_dim3A_300 : vector<1x1024xi32> to vector<1x1024xi32>
    %broadcast_in_dim3A_305 = vector.broadcast %broadcast_in_dim3A_304 : vector<1x1024xi32> to vector<10x1024xi32>
    %select_n3A_306 = arith.select %eq3A_303, %broadcast_in_dim3A_305, %select_n3A_272 : vector<10x1024xi1>, vector<10x1024xi32>
    %eq3A_307 = arith.constant 7 : i32
    %eq3A_308 = vector.broadcast %eq3A_307 : i32 to vector<10x1024xi32>
    %eq3A_309 = arith.cmpi eq, %get3A_46, %eq3A_308 : vector<10x1024xi32>
    %broadcast_in_dim3A_310 = vector.shape_cast %broadcast_in_dim3A_300 : vector<1x1024xi32> to vector<1x1024xi32>
    %broadcast_in_dim3A_311 = vector.broadcast %broadcast_in_dim3A_310 : vector<1x1024xi32> to vector<10x1024xi32>
    %select_n3A_312 = arith.select %eq3A_309, %broadcast_in_dim3A_311, %select_n3A_278 : vector<10x1024xi1>, vector<10x1024xi32>
    %eq3A_313 = arith.constant 7 : i32
    %eq3A_314 = vector.broadcast %eq3A_313 : i32 to vector<10x1024xi32>
    %eq3A_315 = arith.cmpi eq, %get3A_51, %eq3A_314 : vector<10x1024xi32>
    %broadcast_in_dim3A_316 = vector.shape_cast %broadcast_in_dim3A_300 : vector<1x1024xi32> to vector<1x1024xi32>
    %broadcast_in_dim3A_317 = vector.broadcast %broadcast_in_dim3A_316 : vector<1x1024xi32> to vector<10x1024xi32>
    %select_n3A_318 = arith.select %eq3A_315, %broadcast_in_dim3A_317, %select_n3A_284 : vector<10x1024xi1>, vector<10x1024xi32>
    %eq3A_319 = vector.broadcast %broadcast_in_dim3A_300 : vector<1x1024xi32> to vector<1024x1024xi32>
    %eq3A_320 = arith.cmpi eq, %iota3A, %eq3A_319 : vector<1024x1024xi32>
    %jit3A_321 = arith.constant 0xFF800000 : f32
    %broadcast_in_dim3A_322 = vector.broadcast %jit3A_321 : f32 to vector<1024x1024xf32>
    %select_n3A_323 = arith.select %eq3A_320, %broadcast_in_dim3A_322, %select_n3A_289 : vector<1024x1024xi1>, vector<1024x1024xf32>
    %reduce_max3A_324 = arith.constant dense<0xFF800000> : vector<1024xf32>
    %reduce_max3A_325 = vector.multi_reduction <maximumf>, %select_n3A_323, %reduce_max3A_324 [0] : vector<1024x1024xf32> to vector<1024xf32>
    %broadcast_in_dim3A_326 = vector.shape_cast %reduce_max3A_325 : vector<1024xf32> to vector<1x1024xf32>
    %eq3A_327 = vector.broadcast %broadcast_in_dim3A_326 : vector<1x1024xf32> to vector<1024x1024xf32>
    %eq3A_328 = arith.cmpf oeq, %select_n3A_323, %eq3A_327 : vector<1024x1024xf32>
    %jit3A_329 = arith.constant 1024 : i32
    %broadcast_in_dim3A_330 = vector.broadcast %jit3A_329 : i32 to vector<1024x1024xi32>
    %select_n3A_331 = arith.select %eq3A_328, %iota3A, %broadcast_in_dim3A_330 : vector<1024x1024xi1>, vector<1024x1024xi32>
    %reduce_min3A_332 = arith.constant dense<2147483647> : vector<1024xi32>
    %reduce_min3A_333 = vector.multi_reduction <minsi>, %select_n3A_331, %reduce_min3A_332 [0] : vector<1024x1024xi32> to vector<1024xi32>
    %broadcast_in_dim3A_334 = vector.shape_cast %reduce_min3A_333 : vector<1024xi32> to vector<1x1024xi32>
    %eq3A_335 = arith.constant 8 : i32
    %eq3A_336 = vector.broadcast %eq3A_335 : i32 to vector<10x1024xi32>
    %eq3A_337 = arith.cmpi eq, %get3A_41, %eq3A_336 : vector<10x1024xi32>
    %broadcast_in_dim3A_338 = vector.shape_cast %broadcast_in_dim3A_334 : vector<1x1024xi32> to vector<1x1024xi32>
    %broadcast_in_dim3A_339 = vector.broadcast %broadcast_in_dim3A_338 : vector<1x1024xi32> to vector<10x1024xi32>
    %select_n3A_340 = arith.select %eq3A_337, %broadcast_in_dim3A_339, %select_n3A_306 : vector<10x1024xi1>, vector<10x1024xi32>
    %eq3A_341 = arith.constant 8 : i32
    %eq3A_342 = vector.broadcast %eq3A_341 : i32 to vector<10x1024xi32>
    %eq3A_343 = arith.cmpi eq, %get3A_46, %eq3A_342 : vector<10x1024xi32>
    %broadcast_in_dim3A_344 = vector.shape_cast %broadcast_in_dim3A_334 : vector<1x1024xi32> to vector<1x1024xi32>
    %broadcast_in_dim3A_345 = vector.broadcast %broadcast_in_dim3A_344 : vector<1x1024xi32> to vector<10x1024xi32>
    %select_n3A_346 = arith.select %eq3A_343, %broadcast_in_dim3A_345, %select_n3A_312 : vector<10x1024xi1>, vector<10x1024xi32>
    %eq3A_347 = arith.constant 8 : i32
    %eq3A_348 = vector.broadcast %eq3A_347 : i32 to vector<10x1024xi32>
    %eq3A_349 = arith.cmpi eq, %get3A_51, %eq3A_348 : vector<10x1024xi32>
    %broadcast_in_dim3A_350 = vector.shape_cast %broadcast_in_dim3A_334 : vector<1x1024xi32> to vector<1x1024xi32>
    %broadcast_in_dim3A_351 = vector.broadcast %broadcast_in_dim3A_350 : vector<1x1024xi32> to vector<10x1024xi32>
    %select_n3A_352 = arith.select %eq3A_349, %broadcast_in_dim3A_351, %select_n3A_318 : vector<10x1024xi1>, vector<10x1024xi32>
    %eq3A_353 = vector.broadcast %broadcast_in_dim3A_334 : vector<1x1024xi32> to vector<1024x1024xi32>
    %eq3A_354 = arith.cmpi eq, %iota3A, %eq3A_353 : vector<1024x1024xi32>
    %jit3A_355 = arith.constant 0xFF800000 : f32
    %broadcast_in_dim3A_356 = vector.broadcast %jit3A_355 : f32 to vector<1024x1024xf32>
    %select_n3A_357 = arith.select %eq3A_354, %broadcast_in_dim3A_356, %select_n3A_323 : vector<1024x1024xi1>, vector<1024x1024xf32>
    %reduce_max3A_358 = arith.constant dense<0xFF800000> : vector<1024xf32>
    %reduce_max3A_359 = vector.multi_reduction <maximumf>, %select_n3A_357, %reduce_max3A_358 [0] : vector<1024x1024xf32> to vector<1024xf32>
    %broadcast_in_dim3A_360 = vector.shape_cast %reduce_max3A_359 : vector<1024xf32> to vector<1x1024xf32>
    %eq3A_361 = vector.broadcast %broadcast_in_dim3A_360 : vector<1x1024xf32> to vector<1024x1024xf32>
    %eq3A_362 = arith.cmpf oeq, %select_n3A_357, %eq3A_361 : vector<1024x1024xf32>
    %jit3A_363 = arith.constant 1024 : i32
    %broadcast_in_dim3A_364 = vector.broadcast %jit3A_363 : i32 to vector<1024x1024xi32>
    %select_n3A_365 = arith.select %eq3A_362, %iota3A, %broadcast_in_dim3A_364 : vector<1024x1024xi1>, vector<1024x1024xi32>
    %reduce_min3A_366 = arith.constant dense<2147483647> : vector<1024xi32>
    %reduce_min3A_367 = vector.multi_reduction <minsi>, %select_n3A_365, %reduce_min3A_366 [0] : vector<1024x1024xi32> to vector<1024xi32>
    %broadcast_in_dim3A_368 = vector.shape_cast %reduce_min3A_367 : vector<1024xi32> to vector<1x1024xi32>
    %eq3A_369 = arith.constant 9 : i32
    %eq3A_370 = vector.broadcast %eq3A_369 : i32 to vector<10x1024xi32>
    %eq3A_371 = arith.cmpi eq, %get3A_41, %eq3A_370 : vector<10x1024xi32>
    %broadcast_in_dim3A_372 = vector.shape_cast %broadcast_in_dim3A_368 : vector<1x1024xi32> to vector<1x1024xi32>
    %broadcast_in_dim3A_373 = vector.broadcast %broadcast_in_dim3A_372 : vector<1x1024xi32> to vector<10x1024xi32>
    %select_n3A_374 = arith.select %eq3A_371, %broadcast_in_dim3A_373, %select_n3A_340 : vector<10x1024xi1>, vector<10x1024xi32>
    %eq3A_375 = arith.constant 9 : i32
    %eq3A_376 = vector.broadcast %eq3A_375 : i32 to vector<10x1024xi32>
    %eq3A_377 = arith.cmpi eq, %get3A_46, %eq3A_376 : vector<10x1024xi32>
    %broadcast_in_dim3A_378 = vector.shape_cast %broadcast_in_dim3A_368 : vector<1x1024xi32> to vector<1x1024xi32>
    %broadcast_in_dim3A_379 = vector.broadcast %broadcast_in_dim3A_378 : vector<1x1024xi32> to vector<10x1024xi32>
    %select_n3A_380 = arith.select %eq3A_377, %broadcast_in_dim3A_379, %select_n3A_346 : vector<10x1024xi1>, vector<10x1024xi32>
    %eq3A_381 = arith.constant 9 : i32
    %eq3A_382 = vector.broadcast %eq3A_381 : i32 to vector<10x1024xi32>
    %eq3A_383 = arith.cmpi eq, %get3A_51, %eq3A_382 : vector<10x1024xi32>
    %broadcast_in_dim3A_384 = vector.shape_cast %broadcast_in_dim3A_368 : vector<1x1024xi32> to vector<1x1024xi32>
    %broadcast_in_dim3A_385 = vector.broadcast %broadcast_in_dim3A_384 : vector<1x1024xi32> to vector<10x1024xi32>
    %select_n3A_386 = arith.select %eq3A_383, %broadcast_in_dim3A_385, %select_n3A_352 : vector<10x1024xi1>, vector<10x1024xi32>
    %eq3A_387 = vector.broadcast %broadcast_in_dim3A_368 : vector<1x1024xi32> to vector<1024x1024xi32>
    %eq3A_388 = arith.cmpi eq, %iota3A, %eq3A_387 : vector<1024x1024xi32>
    %jit3A_389 = arith.constant 0xFF800000 : f32
    %broadcast_in_dim3A_390 = vector.broadcast %jit3A_389 : f32 to vector<1024x1024xf32>
    %select_n3A_391 = arith.select %eq3A_388, %broadcast_in_dim3A_390, %select_n3A_357 : vector<1024x1024xi1>, vector<1024x1024xf32>
    %reduce_max3A_392 = arith.constant dense<0xFF800000> : vector<1024xf32>
    %reduce_max3A_393 = vector.multi_reduction <maximumf>, %select_n3A_391, %reduce_max3A_392 [0] : vector<1024x1024xf32> to vector<1024xf32>
    %broadcast_in_dim3A_394 = vector.shape_cast %reduce_max3A_393 : vector<1024xf32> to vector<1x1024xf32>
    %eq3A_395 = vector.broadcast %broadcast_in_dim3A_394 : vector<1x1024xf32> to vector<1024x1024xf32>
    %eq3A_396 = arith.cmpf oeq, %select_n3A_391, %eq3A_395 : vector<1024x1024xf32>
    %jit3A_397 = arith.constant 1024 : i32
    %broadcast_in_dim3A_398 = vector.broadcast %jit3A_397 : i32 to vector<1024x1024xi32>
    %select_n3A_399 = arith.select %eq3A_396, %iota3A, %broadcast_in_dim3A_398 : vector<1024x1024xi1>, vector<1024x1024xi32>
    %reduce_min3A_400 = arith.constant dense<2147483647> : vector<1024xi32>
    %reduce_min3A_401 = vector.multi_reduction <minsi>, %select_n3A_399, %reduce_min3A_400 [0] : vector<1024x1024xi32> to vector<1024xi32>
    %broadcast_in_dim3A_402 = vector.shape_cast %reduce_min3A_401 : vector<1024xi32> to vector<1x1024xi32>
    %eq3A_403 = arith.constant 10 : i32
    %eq3A_404 = vector.broadcast %eq3A_403 : i32 to vector<10x1024xi32>
    %eq3A_405 = arith.cmpi eq, %get3A_41, %eq3A_404 : vector<10x1024xi32>
    %broadcast_in_dim3A_406 = vector.shape_cast %broadcast_in_dim3A_402 : vector<1x1024xi32> to vector<1x1024xi32>
    %broadcast_in_dim3A_407 = vector.broadcast %broadcast_in_dim3A_406 : vector<1x1024xi32> to vector<10x1024xi32>
    %select_n3A_408 = arith.select %eq3A_405, %broadcast_in_dim3A_407, %select_n3A_374 : vector<10x1024xi1>, vector<10x1024xi32>
    %eq3A_409 = arith.constant 10 : i32
    %eq3A_410 = vector.broadcast %eq3A_409 : i32 to vector<10x1024xi32>
    %eq3A_411 = arith.cmpi eq, %get3A_46, %eq3A_410 : vector<10x1024xi32>
    %broadcast_in_dim3A_412 = vector.shape_cast %broadcast_in_dim3A_402 : vector<1x1024xi32> to vector<1x1024xi32>
    %broadcast_in_dim3A_413 = vector.broadcast %broadcast_in_dim3A_412 : vector<1x1024xi32> to vector<10x1024xi32>
    %select_n3A_414 = arith.select %eq3A_411, %broadcast_in_dim3A_413, %select_n3A_380 : vector<10x1024xi1>, vector<10x1024xi32>
    %eq3A_415 = arith.constant 10 : i32
    %eq3A_416 = vector.broadcast %eq3A_415 : i32 to vector<10x1024xi32>
    %eq3A_417 = arith.cmpi eq, %get3A_51, %eq3A_416 : vector<10x1024xi32>
    %broadcast_in_dim3A_418 = vector.shape_cast %broadcast_in_dim3A_402 : vector<1x1024xi32> to vector<1x1024xi32>
    %broadcast_in_dim3A_419 = vector.broadcast %broadcast_in_dim3A_418 : vector<1x1024xi32> to vector<10x1024xi32>
    %select_n3A_420 = arith.select %eq3A_417, %broadcast_in_dim3A_419, %select_n3A_386 : vector<10x1024xi1>, vector<10x1024xi32>
    %eq3A_421 = vector.broadcast %broadcast_in_dim3A_402 : vector<1x1024xi32> to vector<1024x1024xi32>
    %eq3A_422 = arith.cmpi eq, %iota3A, %eq3A_421 : vector<1024x1024xi32>
    %jit3A_423 = arith.constant 0xFF800000 : f32
    %broadcast_in_dim3A_424 = vector.broadcast %jit3A_423 : f32 to vector<1024x1024xf32>
    %select_n3A_425 = arith.select %eq3A_422, %broadcast_in_dim3A_424, %select_n3A_391 : vector<1024x1024xi1>, vector<1024x1024xf32>
    %reduce_max3A_426 = arith.constant dense<0xFF800000> : vector<1024xf32>
    %reduce_max3A_427 = vector.multi_reduction <maximumf>, %select_n3A_425, %reduce_max3A_426 [0] : vector<1024x1024xf32> to vector<1024xf32>
    %broadcast_in_dim3A_428 = vector.shape_cast %reduce_max3A_427 : vector<1024xf32> to vector<1x1024xf32>
    %eq3A_429 = vector.broadcast %broadcast_in_dim3A_428 : vector<1x1024xf32> to vector<1024x1024xf32>
    %eq3A_430 = arith.cmpf oeq, %select_n3A_425, %eq3A_429 : vector<1024x1024xf32>
    %jit3A_431 = arith.constant 1024 : i32
    %broadcast_in_dim3A_432 = vector.broadcast %jit3A_431 : i32 to vector<1024x1024xi32>
    %select_n3A_433 = arith.select %eq3A_430, %iota3A, %broadcast_in_dim3A_432 : vector<1024x1024xi1>, vector<1024x1024xi32>
    %reduce_min3A_434 = arith.constant dense<2147483647> : vector<1024xi32>
    %reduce_min3A_435 = vector.multi_reduction <minsi>, %select_n3A_433, %reduce_min3A_434 [0] : vector<1024x1024xi32> to vector<1024xi32>
    %broadcast_in_dim3A_436 = vector.shape_cast %reduce_min3A_435 : vector<1024xi32> to vector<1x1024xi32>
    %eq3A_437 = arith.constant 11 : i32
    %eq3A_438 = vector.broadcast %eq3A_437 : i32 to vector<10x1024xi32>
    %eq3A_439 = arith.cmpi eq, %get3A_41, %eq3A_438 : vector<10x1024xi32>
    %broadcast_in_dim3A_440 = vector.shape_cast %broadcast_in_dim3A_436 : vector<1x1024xi32> to vector<1x1024xi32>
    %broadcast_in_dim3A_441 = vector.broadcast %broadcast_in_dim3A_440 : vector<1x1024xi32> to vector<10x1024xi32>
    %select_n3A_442 = arith.select %eq3A_439, %broadcast_in_dim3A_441, %select_n3A_408 : vector<10x1024xi1>, vector<10x1024xi32>
    %eq3A_443 = arith.constant 11 : i32
    %eq3A_444 = vector.broadcast %eq3A_443 : i32 to vector<10x1024xi32>
    %eq3A_445 = arith.cmpi eq, %get3A_46, %eq3A_444 : vector<10x1024xi32>
    %broadcast_in_dim3A_446 = vector.shape_cast %broadcast_in_dim3A_436 : vector<1x1024xi32> to vector<1x1024xi32>
    %broadcast_in_dim3A_447 = vector.broadcast %broadcast_in_dim3A_446 : vector<1x1024xi32> to vector<10x1024xi32>
    %select_n3A_448 = arith.select %eq3A_445, %broadcast_in_dim3A_447, %select_n3A_414 : vector<10x1024xi1>, vector<10x1024xi32>
    %eq3A_449 = arith.constant 11 : i32
    %eq3A_450 = vector.broadcast %eq3A_449 : i32 to vector<10x1024xi32>
    %eq3A_451 = arith.cmpi eq, %get3A_51, %eq3A_450 : vector<10x1024xi32>
    %broadcast_in_dim3A_452 = vector.shape_cast %broadcast_in_dim3A_436 : vector<1x1024xi32> to vector<1x1024xi32>
    %broadcast_in_dim3A_453 = vector.broadcast %broadcast_in_dim3A_452 : vector<1x1024xi32> to vector<10x1024xi32>
    %select_n3A_454 = arith.select %eq3A_451, %broadcast_in_dim3A_453, %select_n3A_420 : vector<10x1024xi1>, vector<10x1024xi32>
    %eq3A_455 = vector.broadcast %broadcast_in_dim3A_436 : vector<1x1024xi32> to vector<1024x1024xi32>
    %eq3A_456 = arith.cmpi eq, %iota3A, %eq3A_455 : vector<1024x1024xi32>
    %jit3A_457 = arith.constant 0xFF800000 : f32
    %broadcast_in_dim3A_458 = vector.broadcast %jit3A_457 : f32 to vector<1024x1024xf32>
    %select_n3A_459 = arith.select %eq3A_456, %broadcast_in_dim3A_458, %select_n3A_425 : vector<1024x1024xi1>, vector<1024x1024xf32>
    %reduce_max3A_460 = arith.constant dense<0xFF800000> : vector<1024xf32>
    %reduce_max3A_461 = vector.multi_reduction <maximumf>, %select_n3A_459, %reduce_max3A_460 [0] : vector<1024x1024xf32> to vector<1024xf32>
    %broadcast_in_dim3A_462 = vector.shape_cast %reduce_max3A_461 : vector<1024xf32> to vector<1x1024xf32>
    %eq3A_463 = vector.broadcast %broadcast_in_dim3A_462 : vector<1x1024xf32> to vector<1024x1024xf32>
    %eq3A_464 = arith.cmpf oeq, %select_n3A_459, %eq3A_463 : vector<1024x1024xf32>
    %jit3A_465 = arith.constant 1024 : i32
    %broadcast_in_dim3A_466 = vector.broadcast %jit3A_465 : i32 to vector<1024x1024xi32>
    %select_n3A_467 = arith.select %eq3A_464, %iota3A, %broadcast_in_dim3A_466 : vector<1024x1024xi1>, vector<1024x1024xi32>
    %reduce_min3A_468 = arith.constant dense<2147483647> : vector<1024xi32>
    %reduce_min3A_469 = vector.multi_reduction <minsi>, %select_n3A_467, %reduce_min3A_468 [0] : vector<1024x1024xi32> to vector<1024xi32>
    %broadcast_in_dim3A_470 = vector.shape_cast %reduce_min3A_469 : vector<1024xi32> to vector<1x1024xi32>
    %eq3A_471 = arith.constant 12 : i32
    %eq3A_472 = vector.broadcast %eq3A_471 : i32 to vector<10x1024xi32>
    %eq3A_473 = arith.cmpi eq, %get3A_41, %eq3A_472 : vector<10x1024xi32>
    %broadcast_in_dim3A_474 = vector.shape_cast %broadcast_in_dim3A_470 : vector<1x1024xi32> to vector<1x1024xi32>
    %broadcast_in_dim3A_475 = vector.broadcast %broadcast_in_dim3A_474 : vector<1x1024xi32> to vector<10x1024xi32>
    %select_n3A_476 = arith.select %eq3A_473, %broadcast_in_dim3A_475, %select_n3A_442 : vector<10x1024xi1>, vector<10x1024xi32>
    %eq3A_477 = arith.constant 12 : i32
    %eq3A_478 = vector.broadcast %eq3A_477 : i32 to vector<10x1024xi32>
    %eq3A_479 = arith.cmpi eq, %get3A_46, %eq3A_478 : vector<10x1024xi32>
    %broadcast_in_dim3A_480 = vector.shape_cast %broadcast_in_dim3A_470 : vector<1x1024xi32> to vector<1x1024xi32>
    %broadcast_in_dim3A_481 = vector.broadcast %broadcast_in_dim3A_480 : vector<1x1024xi32> to vector<10x1024xi32>
    %select_n3A_482 = arith.select %eq3A_479, %broadcast_in_dim3A_481, %select_n3A_448 : vector<10x1024xi1>, vector<10x1024xi32>
    %eq3A_483 = arith.constant 12 : i32
    %eq3A_484 = vector.broadcast %eq3A_483 : i32 to vector<10x1024xi32>
    %eq3A_485 = arith.cmpi eq, %get3A_51, %eq3A_484 : vector<10x1024xi32>
    %broadcast_in_dim3A_486 = vector.shape_cast %broadcast_in_dim3A_470 : vector<1x1024xi32> to vector<1x1024xi32>
    %broadcast_in_dim3A_487 = vector.broadcast %broadcast_in_dim3A_486 : vector<1x1024xi32> to vector<10x1024xi32>
    %select_n3A_488 = arith.select %eq3A_485, %broadcast_in_dim3A_487, %select_n3A_454 : vector<10x1024xi1>, vector<10x1024xi32>
    %eq3A_489 = vector.broadcast %broadcast_in_dim3A_470 : vector<1x1024xi32> to vector<1024x1024xi32>
    %eq3A_490 = arith.cmpi eq, %iota3A, %eq3A_489 : vector<1024x1024xi32>
    %jit3A_491 = arith.constant 0xFF800000 : f32
    %broadcast_in_dim3A_492 = vector.broadcast %jit3A_491 : f32 to vector<1024x1024xf32>
    %select_n3A_493 = arith.select %eq3A_490, %broadcast_in_dim3A_492, %select_n3A_459 : vector<1024x1024xi1>, vector<1024x1024xf32>
    %reduce_max3A_494 = arith.constant dense<0xFF800000> : vector<1024xf32>
    %reduce_max3A_495 = vector.multi_reduction <maximumf>, %select_n3A_493, %reduce_max3A_494 [0] : vector<1024x1024xf32> to vector<1024xf32>
    %broadcast_in_dim3A_496 = vector.shape_cast %reduce_max3A_495 : vector<1024xf32> to vector<1x1024xf32>
    %eq3A_497 = vector.broadcast %broadcast_in_dim3A_496 : vector<1x1024xf32> to vector<1024x1024xf32>
    %eq3A_498 = arith.cmpf oeq, %select_n3A_493, %eq3A_497 : vector<1024x1024xf32>
    %jit3A_499 = arith.constant 1024 : i32
    %broadcast_in_dim3A_500 = vector.broadcast %jit3A_499 : i32 to vector<1024x1024xi32>
    %select_n3A_501 = arith.select %eq3A_498, %iota3A, %broadcast_in_dim3A_500 : vector<1024x1024xi1>, vector<1024x1024xi32>
    %reduce_min3A_502 = arith.constant dense<2147483647> : vector<1024xi32>
    %reduce_min3A_503 = vector.multi_reduction <minsi>, %select_n3A_501, %reduce_min3A_502 [0] : vector<1024x1024xi32> to vector<1024xi32>
    %broadcast_in_dim3A_504 = vector.shape_cast %reduce_min3A_503 : vector<1024xi32> to vector<1x1024xi32>
    %eq3A_505 = arith.constant 13 : i32
    %eq3A_506 = vector.broadcast %eq3A_505 : i32 to vector<10x1024xi32>
    %eq3A_507 = arith.cmpi eq, %get3A_41, %eq3A_506 : vector<10x1024xi32>
    %broadcast_in_dim3A_508 = vector.shape_cast %broadcast_in_dim3A_504 : vector<1x1024xi32> to vector<1x1024xi32>
    %broadcast_in_dim3A_509 = vector.broadcast %broadcast_in_dim3A_508 : vector<1x1024xi32> to vector<10x1024xi32>
    %select_n3A_510 = arith.select %eq3A_507, %broadcast_in_dim3A_509, %select_n3A_476 : vector<10x1024xi1>, vector<10x1024xi32>
    %eq3A_511 = arith.constant 13 : i32
    %eq3A_512 = vector.broadcast %eq3A_511 : i32 to vector<10x1024xi32>
    %eq3A_513 = arith.cmpi eq, %get3A_46, %eq3A_512 : vector<10x1024xi32>
    %broadcast_in_dim3A_514 = vector.shape_cast %broadcast_in_dim3A_504 : vector<1x1024xi32> to vector<1x1024xi32>
    %broadcast_in_dim3A_515 = vector.broadcast %broadcast_in_dim3A_514 : vector<1x1024xi32> to vector<10x1024xi32>
    %select_n3A_516 = arith.select %eq3A_513, %broadcast_in_dim3A_515, %select_n3A_482 : vector<10x1024xi1>, vector<10x1024xi32>
    %eq3A_517 = arith.constant 13 : i32
    %eq3A_518 = vector.broadcast %eq3A_517 : i32 to vector<10x1024xi32>
    %eq3A_519 = arith.cmpi eq, %get3A_51, %eq3A_518 : vector<10x1024xi32>
    %broadcast_in_dim3A_520 = vector.shape_cast %broadcast_in_dim3A_504 : vector<1x1024xi32> to vector<1x1024xi32>
    %broadcast_in_dim3A_521 = vector.broadcast %broadcast_in_dim3A_520 : vector<1x1024xi32> to vector<10x1024xi32>
    %select_n3A_522 = arith.select %eq3A_519, %broadcast_in_dim3A_521, %select_n3A_488 : vector<10x1024xi1>, vector<10x1024xi32>
    %eq3A_523 = vector.broadcast %broadcast_in_dim3A_504 : vector<1x1024xi32> to vector<1024x1024xi32>
    %eq3A_524 = arith.cmpi eq, %iota3A, %eq3A_523 : vector<1024x1024xi32>
    %jit3A_525 = arith.constant 0xFF800000 : f32
    %broadcast_in_dim3A_526 = vector.broadcast %jit3A_525 : f32 to vector<1024x1024xf32>
    %select_n3A_527 = arith.select %eq3A_524, %broadcast_in_dim3A_526, %select_n3A_493 : vector<1024x1024xi1>, vector<1024x1024xf32>
    %reduce_max3A_528 = arith.constant dense<0xFF800000> : vector<1024xf32>
    %reduce_max3A_529 = vector.multi_reduction <maximumf>, %select_n3A_527, %reduce_max3A_528 [0] : vector<1024x1024xf32> to vector<1024xf32>
    %broadcast_in_dim3A_530 = vector.shape_cast %reduce_max3A_529 : vector<1024xf32> to vector<1x1024xf32>
    %eq3A_531 = vector.broadcast %broadcast_in_dim3A_530 : vector<1x1024xf32> to vector<1024x1024xf32>
    %eq3A_532 = arith.cmpf oeq, %select_n3A_527, %eq3A_531 : vector<1024x1024xf32>
    %jit3A_533 = arith.constant 1024 : i32
    %broadcast_in_dim3A_534 = vector.broadcast %jit3A_533 : i32 to vector<1024x1024xi32>
    %select_n3A_535 = arith.select %eq3A_532, %iota3A, %broadcast_in_dim3A_534 : vector<1024x1024xi1>, vector<1024x1024xi32>
    %reduce_min3A_536 = arith.constant dense<2147483647> : vector<1024xi32>
    %reduce_min3A_537 = vector.multi_reduction <minsi>, %select_n3A_535, %reduce_min3A_536 [0] : vector<1024x1024xi32> to vector<1024xi32>
    %broadcast_in_dim3A_538 = vector.shape_cast %reduce_min3A_537 : vector<1024xi32> to vector<1x1024xi32>
    %eq3A_539 = arith.constant 14 : i32
    %eq3A_540 = vector.broadcast %eq3A_539 : i32 to vector<10x1024xi32>
    %eq3A_541 = arith.cmpi eq, %get3A_41, %eq3A_540 : vector<10x1024xi32>
    %broadcast_in_dim3A_542 = vector.shape_cast %broadcast_in_dim3A_538 : vector<1x1024xi32> to vector<1x1024xi32>
    %broadcast_in_dim3A_543 = vector.broadcast %broadcast_in_dim3A_542 : vector<1x1024xi32> to vector<10x1024xi32>
    %select_n3A_544 = arith.select %eq3A_541, %broadcast_in_dim3A_543, %select_n3A_510 : vector<10x1024xi1>, vector<10x1024xi32>
    %eq3A_545 = arith.constant 14 : i32
    %eq3A_546 = vector.broadcast %eq3A_545 : i32 to vector<10x1024xi32>
    %eq3A_547 = arith.cmpi eq, %get3A_46, %eq3A_546 : vector<10x1024xi32>
    %broadcast_in_dim3A_548 = vector.shape_cast %broadcast_in_dim3A_538 : vector<1x1024xi32> to vector<1x1024xi32>
    %broadcast_in_dim3A_549 = vector.broadcast %broadcast_in_dim3A_548 : vector<1x1024xi32> to vector<10x1024xi32>
    %select_n3A_550 = arith.select %eq3A_547, %broadcast_in_dim3A_549, %select_n3A_516 : vector<10x1024xi1>, vector<10x1024xi32>
    %eq3A_551 = arith.constant 14 : i32
    %eq3A_552 = vector.broadcast %eq3A_551 : i32 to vector<10x1024xi32>
    %eq3A_553 = arith.cmpi eq, %get3A_51, %eq3A_552 : vector<10x1024xi32>
    %broadcast_in_dim3A_554 = vector.shape_cast %broadcast_in_dim3A_538 : vector<1x1024xi32> to vector<1x1024xi32>
    %broadcast_in_dim3A_555 = vector.broadcast %broadcast_in_dim3A_554 : vector<1x1024xi32> to vector<10x1024xi32>
    %select_n3A_556 = arith.select %eq3A_553, %broadcast_in_dim3A_555, %select_n3A_522 : vector<10x1024xi1>, vector<10x1024xi32>
    %eq3A_557 = vector.broadcast %broadcast_in_dim3A_538 : vector<1x1024xi32> to vector<1024x1024xi32>
    %eq3A_558 = arith.cmpi eq, %iota3A, %eq3A_557 : vector<1024x1024xi32>
    %jit3A_559 = arith.constant 0xFF800000 : f32
    %broadcast_in_dim3A_560 = vector.broadcast %jit3A_559 : f32 to vector<1024x1024xf32>
    %select_n3A_561 = arith.select %eq3A_558, %broadcast_in_dim3A_560, %select_n3A_527 : vector<1024x1024xi1>, vector<1024x1024xf32>
    %reduce_max3A_562 = arith.constant dense<0xFF800000> : vector<1024xf32>
    %reduce_max3A_563 = vector.multi_reduction <maximumf>, %select_n3A_561, %reduce_max3A_562 [0] : vector<1024x1024xf32> to vector<1024xf32>
    %broadcast_in_dim3A_564 = vector.shape_cast %reduce_max3A_563 : vector<1024xf32> to vector<1x1024xf32>
    %eq3A_565 = vector.broadcast %broadcast_in_dim3A_564 : vector<1x1024xf32> to vector<1024x1024xf32>
    %eq3A_566 = arith.cmpf oeq, %select_n3A_561, %eq3A_565 : vector<1024x1024xf32>
    %jit3A_567 = arith.constant 1024 : i32
    %broadcast_in_dim3A_568 = vector.broadcast %jit3A_567 : i32 to vector<1024x1024xi32>
    %select_n3A_569 = arith.select %eq3A_566, %iota3A, %broadcast_in_dim3A_568 : vector<1024x1024xi1>, vector<1024x1024xi32>
    %reduce_min3A_570 = arith.constant dense<2147483647> : vector<1024xi32>
    %reduce_min3A_571 = vector.multi_reduction <minsi>, %select_n3A_569, %reduce_min3A_570 [0] : vector<1024x1024xi32> to vector<1024xi32>
    %broadcast_in_dim3A_572 = vector.shape_cast %reduce_min3A_571 : vector<1024xi32> to vector<1x1024xi32>
    %eq3A_573 = arith.constant 15 : i32
    %eq3A_574 = vector.broadcast %eq3A_573 : i32 to vector<10x1024xi32>
    %eq3A_575 = arith.cmpi eq, %get3A_41, %eq3A_574 : vector<10x1024xi32>
    %broadcast_in_dim3A_576 = vector.shape_cast %broadcast_in_dim3A_572 : vector<1x1024xi32> to vector<1x1024xi32>
    %broadcast_in_dim3A_577 = vector.broadcast %broadcast_in_dim3A_576 : vector<1x1024xi32> to vector<10x1024xi32>
    %select_n3A_578 = arith.select %eq3A_575, %broadcast_in_dim3A_577, %select_n3A_544 : vector<10x1024xi1>, vector<10x1024xi32>
    %eq3A_579 = arith.constant 15 : i32
    %eq3A_580 = vector.broadcast %eq3A_579 : i32 to vector<10x1024xi32>
    %eq3A_581 = arith.cmpi eq, %get3A_46, %eq3A_580 : vector<10x1024xi32>
    %broadcast_in_dim3A_582 = vector.shape_cast %broadcast_in_dim3A_572 : vector<1x1024xi32> to vector<1x1024xi32>
    %broadcast_in_dim3A_583 = vector.broadcast %broadcast_in_dim3A_582 : vector<1x1024xi32> to vector<10x1024xi32>
    %select_n3A_584 = arith.select %eq3A_581, %broadcast_in_dim3A_583, %select_n3A_550 : vector<10x1024xi1>, vector<10x1024xi32>
    %eq3A_585 = arith.constant 15 : i32
    %eq3A_586 = vector.broadcast %eq3A_585 : i32 to vector<10x1024xi32>
    %eq3A_587 = arith.cmpi eq, %get3A_51, %eq3A_586 : vector<10x1024xi32>
    %broadcast_in_dim3A_588 = vector.shape_cast %broadcast_in_dim3A_572 : vector<1x1024xi32> to vector<1x1024xi32>
    %broadcast_in_dim3A_589 = vector.broadcast %broadcast_in_dim3A_588 : vector<1x1024xi32> to vector<10x1024xi32>
    %select_n3A_590 = arith.select %eq3A_587, %broadcast_in_dim3A_589, %select_n3A_556 : vector<10x1024xi1>, vector<10x1024xi32>
    %eq3A_591 = vector.broadcast %broadcast_in_dim3A_572 : vector<1x1024xi32> to vector<1024x1024xi32>
    %eq3A_592 = arith.cmpi eq, %iota3A, %eq3A_591 : vector<1024x1024xi32>
    %jit3A_593 = arith.constant 0xFF800000 : f32
    %broadcast_in_dim3A_594 = vector.broadcast %jit3A_593 : f32 to vector<1024x1024xf32>
    %select_n3A_595 = arith.select %eq3A_592, %broadcast_in_dim3A_594, %select_n3A_561 : vector<1024x1024xi1>, vector<1024x1024xf32>
    %reduce_max3A_596 = arith.constant dense<0xFF800000> : vector<1024xf32>
    %reduce_max3A_597 = vector.multi_reduction <maximumf>, %select_n3A_595, %reduce_max3A_596 [0] : vector<1024x1024xf32> to vector<1024xf32>
    %broadcast_in_dim3A_598 = vector.shape_cast %reduce_max3A_597 : vector<1024xf32> to vector<1x1024xf32>
    %eq3A_599 = vector.broadcast %broadcast_in_dim3A_598 : vector<1x1024xf32> to vector<1024x1024xf32>
    %eq3A_600 = arith.cmpf oeq, %select_n3A_595, %eq3A_599 : vector<1024x1024xf32>
    %jit3A_601 = arith.constant 1024 : i32
    %broadcast_in_dim3A_602 = vector.broadcast %jit3A_601 : i32 to vector<1024x1024xi32>
    %select_n3A_603 = arith.select %eq3A_600, %iota3A, %broadcast_in_dim3A_602 : vector<1024x1024xi1>, vector<1024x1024xi32>
    %reduce_min3A_604 = arith.constant dense<2147483647> : vector<1024xi32>
    %reduce_min3A_605 = vector.multi_reduction <minsi>, %select_n3A_603, %reduce_min3A_604 [0] : vector<1024x1024xi32> to vector<1024xi32>
    %broadcast_in_dim3A_606 = vector.shape_cast %reduce_min3A_605 : vector<1024xi32> to vector<1x1024xi32>
    %eq3A_607 = arith.constant 16 : i32
    %eq3A_608 = vector.broadcast %eq3A_607 : i32 to vector<10x1024xi32>
    %eq3A_609 = arith.cmpi eq, %get3A_41, %eq3A_608 : vector<10x1024xi32>
    %broadcast_in_dim3A_610 = vector.shape_cast %broadcast_in_dim3A_606 : vector<1x1024xi32> to vector<1x1024xi32>
    %broadcast_in_dim3A_611 = vector.broadcast %broadcast_in_dim3A_610 : vector<1x1024xi32> to vector<10x1024xi32>
    %select_n3A_612 = arith.select %eq3A_609, %broadcast_in_dim3A_611, %select_n3A_578 : vector<10x1024xi1>, vector<10x1024xi32>
    %eq3A_613 = arith.constant 16 : i32
    %eq3A_614 = vector.broadcast %eq3A_613 : i32 to vector<10x1024xi32>
    %eq3A_615 = arith.cmpi eq, %get3A_46, %eq3A_614 : vector<10x1024xi32>
    %broadcast_in_dim3A_616 = vector.shape_cast %broadcast_in_dim3A_606 : vector<1x1024xi32> to vector<1x1024xi32>
    %broadcast_in_dim3A_617 = vector.broadcast %broadcast_in_dim3A_616 : vector<1x1024xi32> to vector<10x1024xi32>
    %select_n3A_618 = arith.select %eq3A_615, %broadcast_in_dim3A_617, %select_n3A_584 : vector<10x1024xi1>, vector<10x1024xi32>
    %eq3A_619 = arith.constant 16 : i32
    %eq3A_620 = vector.broadcast %eq3A_619 : i32 to vector<10x1024xi32>
    %eq3A_621 = arith.cmpi eq, %get3A_51, %eq3A_620 : vector<10x1024xi32>
    %broadcast_in_dim3A_622 = vector.shape_cast %broadcast_in_dim3A_606 : vector<1x1024xi32> to vector<1x1024xi32>
    %broadcast_in_dim3A_623 = vector.broadcast %broadcast_in_dim3A_622 : vector<1x1024xi32> to vector<10x1024xi32>
    %select_n3A_624 = arith.select %eq3A_621, %broadcast_in_dim3A_623, %select_n3A_590 : vector<10x1024xi1>, vector<10x1024xi32>
    %eq3A_625 = vector.broadcast %broadcast_in_dim3A_606 : vector<1x1024xi32> to vector<1024x1024xi32>
    %eq3A_626 = arith.cmpi eq, %iota3A, %eq3A_625 : vector<1024x1024xi32>
    %jit3A_627 = arith.constant 0xFF800000 : f32
    %broadcast_in_dim3A_628 = vector.broadcast %jit3A_627 : f32 to vector<1024x1024xf32>
    %select_n3A_629 = arith.select %eq3A_626, %broadcast_in_dim3A_628, %select_n3A_595 : vector<1024x1024xi1>, vector<1024x1024xf32>
    %reduce_max3A_630 = arith.constant dense<0xFF800000> : vector<1024xf32>
    %reduce_max3A_631 = vector.multi_reduction <maximumf>, %select_n3A_629, %reduce_max3A_630 [0] : vector<1024x1024xf32> to vector<1024xf32>
    %broadcast_in_dim3A_632 = vector.shape_cast %reduce_max3A_631 : vector<1024xf32> to vector<1x1024xf32>
    %eq3A_633 = vector.broadcast %broadcast_in_dim3A_632 : vector<1x1024xf32> to vector<1024x1024xf32>
    %eq3A_634 = arith.cmpf oeq, %select_n3A_629, %eq3A_633 : vector<1024x1024xf32>
    %jit3A_635 = arith.constant 1024 : i32
    %broadcast_in_dim3A_636 = vector.broadcast %jit3A_635 : i32 to vector<1024x1024xi32>
    %select_n3A_637 = arith.select %eq3A_634, %iota3A, %broadcast_in_dim3A_636 : vector<1024x1024xi1>, vector<1024x1024xi32>
    %reduce_min3A_638 = arith.constant dense<2147483647> : vector<1024xi32>
    %reduce_min3A_639 = vector.multi_reduction <minsi>, %select_n3A_637, %reduce_min3A_638 [0] : vector<1024x1024xi32> to vector<1024xi32>
    %broadcast_in_dim3A_640 = vector.shape_cast %reduce_min3A_639 : vector<1024xi32> to vector<1x1024xi32>
    %eq3A_641 = arith.constant 17 : i32
    %eq3A_642 = vector.broadcast %eq3A_641 : i32 to vector<10x1024xi32>
    %eq3A_643 = arith.cmpi eq, %get3A_41, %eq3A_642 : vector<10x1024xi32>
    %broadcast_in_dim3A_644 = vector.shape_cast %broadcast_in_dim3A_640 : vector<1x1024xi32> to vector<1x1024xi32>
    %broadcast_in_dim3A_645 = vector.broadcast %broadcast_in_dim3A_644 : vector<1x1024xi32> to vector<10x1024xi32>
    %select_n3A_646 = arith.select %eq3A_643, %broadcast_in_dim3A_645, %select_n3A_612 : vector<10x1024xi1>, vector<10x1024xi32>
    %eq3A_647 = arith.constant 17 : i32
    %eq3A_648 = vector.broadcast %eq3A_647 : i32 to vector<10x1024xi32>
    %eq3A_649 = arith.cmpi eq, %get3A_46, %eq3A_648 : vector<10x1024xi32>
    %broadcast_in_dim3A_650 = vector.shape_cast %broadcast_in_dim3A_640 : vector<1x1024xi32> to vector<1x1024xi32>
    %broadcast_in_dim3A_651 = vector.broadcast %broadcast_in_dim3A_650 : vector<1x1024xi32> to vector<10x1024xi32>
    %select_n3A_652 = arith.select %eq3A_649, %broadcast_in_dim3A_651, %select_n3A_618 : vector<10x1024xi1>, vector<10x1024xi32>
    %eq3A_653 = arith.constant 17 : i32
    %eq3A_654 = vector.broadcast %eq3A_653 : i32 to vector<10x1024xi32>
    %eq3A_655 = arith.cmpi eq, %get3A_51, %eq3A_654 : vector<10x1024xi32>
    %broadcast_in_dim3A_656 = vector.shape_cast %broadcast_in_dim3A_640 : vector<1x1024xi32> to vector<1x1024xi32>
    %broadcast_in_dim3A_657 = vector.broadcast %broadcast_in_dim3A_656 : vector<1x1024xi32> to vector<10x1024xi32>
    %select_n3A_658 = arith.select %eq3A_655, %broadcast_in_dim3A_657, %select_n3A_624 : vector<10x1024xi1>, vector<10x1024xi32>
    %eq3A_659 = vector.broadcast %broadcast_in_dim3A_640 : vector<1x1024xi32> to vector<1024x1024xi32>
    %eq3A_660 = arith.cmpi eq, %iota3A, %eq3A_659 : vector<1024x1024xi32>
    %jit3A_661 = arith.constant 0xFF800000 : f32
    %broadcast_in_dim3A_662 = vector.broadcast %jit3A_661 : f32 to vector<1024x1024xf32>
    %select_n3A_663 = arith.select %eq3A_660, %broadcast_in_dim3A_662, %select_n3A_629 : vector<1024x1024xi1>, vector<1024x1024xf32>
    %reduce_max3A_664 = arith.constant dense<0xFF800000> : vector<1024xf32>
    %reduce_max3A_665 = vector.multi_reduction <maximumf>, %select_n3A_663, %reduce_max3A_664 [0] : vector<1024x1024xf32> to vector<1024xf32>
    %broadcast_in_dim3A_666 = vector.shape_cast %reduce_max3A_665 : vector<1024xf32> to vector<1x1024xf32>
    %eq3A_667 = vector.broadcast %broadcast_in_dim3A_666 : vector<1x1024xf32> to vector<1024x1024xf32>
    %eq3A_668 = arith.cmpf oeq, %select_n3A_663, %eq3A_667 : vector<1024x1024xf32>
    %jit3A_669 = arith.constant 1024 : i32
    %broadcast_in_dim3A_670 = vector.broadcast %jit3A_669 : i32 to vector<1024x1024xi32>
    %select_n3A_671 = arith.select %eq3A_668, %iota3A, %broadcast_in_dim3A_670 : vector<1024x1024xi1>, vector<1024x1024xi32>
    %reduce_min3A_672 = arith.constant dense<2147483647> : vector<1024xi32>
    %reduce_min3A_673 = vector.multi_reduction <minsi>, %select_n3A_671, %reduce_min3A_672 [0] : vector<1024x1024xi32> to vector<1024xi32>
    %broadcast_in_dim3A_674 = vector.shape_cast %reduce_min3A_673 : vector<1024xi32> to vector<1x1024xi32>
    %eq3A_675 = arith.constant 18 : i32
    %eq3A_676 = vector.broadcast %eq3A_675 : i32 to vector<10x1024xi32>
    %eq3A_677 = arith.cmpi eq, %get3A_41, %eq3A_676 : vector<10x1024xi32>
    %broadcast_in_dim3A_678 = vector.shape_cast %broadcast_in_dim3A_674 : vector<1x1024xi32> to vector<1x1024xi32>
    %broadcast_in_dim3A_679 = vector.broadcast %broadcast_in_dim3A_678 : vector<1x1024xi32> to vector<10x1024xi32>
    %select_n3A_680 = arith.select %eq3A_677, %broadcast_in_dim3A_679, %select_n3A_646 : vector<10x1024xi1>, vector<10x1024xi32>
    %eq3A_681 = arith.constant 18 : i32
    %eq3A_682 = vector.broadcast %eq3A_681 : i32 to vector<10x1024xi32>
    %eq3A_683 = arith.cmpi eq, %get3A_46, %eq3A_682 : vector<10x1024xi32>
    %broadcast_in_dim3A_684 = vector.shape_cast %broadcast_in_dim3A_674 : vector<1x1024xi32> to vector<1x1024xi32>
    %broadcast_in_dim3A_685 = vector.broadcast %broadcast_in_dim3A_684 : vector<1x1024xi32> to vector<10x1024xi32>
    %select_n3A_686 = arith.select %eq3A_683, %broadcast_in_dim3A_685, %select_n3A_652 : vector<10x1024xi1>, vector<10x1024xi32>
    %eq3A_687 = arith.constant 18 : i32
    %eq3A_688 = vector.broadcast %eq3A_687 : i32 to vector<10x1024xi32>
    %eq3A_689 = arith.cmpi eq, %get3A_51, %eq3A_688 : vector<10x1024xi32>
    %broadcast_in_dim3A_690 = vector.shape_cast %broadcast_in_dim3A_674 : vector<1x1024xi32> to vector<1x1024xi32>
    %broadcast_in_dim3A_691 = vector.broadcast %broadcast_in_dim3A_690 : vector<1x1024xi32> to vector<10x1024xi32>
    %select_n3A_692 = arith.select %eq3A_689, %broadcast_in_dim3A_691, %select_n3A_658 : vector<10x1024xi1>, vector<10x1024xi32>
    %eq3A_693 = vector.broadcast %broadcast_in_dim3A_674 : vector<1x1024xi32> to vector<1024x1024xi32>
    %eq3A_694 = arith.cmpi eq, %iota3A, %eq3A_693 : vector<1024x1024xi32>
    %jit3A_695 = arith.constant 0xFF800000 : f32
    %broadcast_in_dim3A_696 = vector.broadcast %jit3A_695 : f32 to vector<1024x1024xf32>
    %select_n3A_697 = arith.select %eq3A_694, %broadcast_in_dim3A_696, %select_n3A_663 : vector<1024x1024xi1>, vector<1024x1024xf32>
    %reduce_max3A_698 = arith.constant dense<0xFF800000> : vector<1024xf32>
    %reduce_max3A_699 = vector.multi_reduction <maximumf>, %select_n3A_697, %reduce_max3A_698 [0] : vector<1024x1024xf32> to vector<1024xf32>
    %broadcast_in_dim3A_700 = vector.shape_cast %reduce_max3A_699 : vector<1024xf32> to vector<1x1024xf32>
    %eq3A_701 = vector.broadcast %broadcast_in_dim3A_700 : vector<1x1024xf32> to vector<1024x1024xf32>
    %eq3A_702 = arith.cmpf oeq, %select_n3A_697, %eq3A_701 : vector<1024x1024xf32>
    %jit3A_703 = arith.constant 1024 : i32
    %broadcast_in_dim3A_704 = vector.broadcast %jit3A_703 : i32 to vector<1024x1024xi32>
    %select_n3A_705 = arith.select %eq3A_702, %iota3A, %broadcast_in_dim3A_704 : vector<1024x1024xi1>, vector<1024x1024xi32>
    %reduce_min3A_706 = arith.constant dense<2147483647> : vector<1024xi32>
    %reduce_min3A_707 = vector.multi_reduction <minsi>, %select_n3A_705, %reduce_min3A_706 [0] : vector<1024x1024xi32> to vector<1024xi32>
    %broadcast_in_dim3A_708 = vector.shape_cast %reduce_min3A_707 : vector<1024xi32> to vector<1x1024xi32>
    %eq3A_709 = arith.constant 19 : i32
    %eq3A_710 = vector.broadcast %eq3A_709 : i32 to vector<10x1024xi32>
    %eq3A_711 = arith.cmpi eq, %get3A_41, %eq3A_710 : vector<10x1024xi32>
    %broadcast_in_dim3A_712 = vector.shape_cast %broadcast_in_dim3A_708 : vector<1x1024xi32> to vector<1x1024xi32>
    %broadcast_in_dim3A_713 = vector.broadcast %broadcast_in_dim3A_712 : vector<1x1024xi32> to vector<10x1024xi32>
    %select_n3A_714 = arith.select %eq3A_711, %broadcast_in_dim3A_713, %select_n3A_680 : vector<10x1024xi1>, vector<10x1024xi32>
    %eq3A_715 = arith.constant 19 : i32
    %eq3A_716 = vector.broadcast %eq3A_715 : i32 to vector<10x1024xi32>
    %eq3A_717 = arith.cmpi eq, %get3A_46, %eq3A_716 : vector<10x1024xi32>
    %broadcast_in_dim3A_718 = vector.shape_cast %broadcast_in_dim3A_708 : vector<1x1024xi32> to vector<1x1024xi32>
    %broadcast_in_dim3A_719 = vector.broadcast %broadcast_in_dim3A_718 : vector<1x1024xi32> to vector<10x1024xi32>
    %select_n3A_720 = arith.select %eq3A_717, %broadcast_in_dim3A_719, %select_n3A_686 : vector<10x1024xi1>, vector<10x1024xi32>
    %eq3A_721 = arith.constant 19 : i32
    %eq3A_722 = vector.broadcast %eq3A_721 : i32 to vector<10x1024xi32>
    %eq3A_723 = arith.cmpi eq, %get3A_51, %eq3A_722 : vector<10x1024xi32>
    %broadcast_in_dim3A_724 = vector.shape_cast %broadcast_in_dim3A_708 : vector<1x1024xi32> to vector<1x1024xi32>
    %broadcast_in_dim3A_725 = vector.broadcast %broadcast_in_dim3A_724 : vector<1x1024xi32> to vector<10x1024xi32>
    %select_n3A_726 = arith.select %eq3A_723, %broadcast_in_dim3A_725, %select_n3A_692 : vector<10x1024xi1>, vector<10x1024xi32>
    %mul3A_727 = arith.constant 1024 : i32
    %mul3A_728 = arith.muli %arg0, %mul3A_727 : i32
    %add3A_729 = vector.broadcast %mul3A_728 : i32 to vector<10x1024xi32>
    %add3A_730 = arith.addi %select_n3A_714, %add3A_729 : vector<10x1024xi32>
    %swap3A = arith.constant 0 : index
    %swap3A_731 = arith.constant 0 : index
    %swap3A_732 = arith.constant 0 : index
    %swap3A_733 = vector.load %arg6[%swap3A, %swap3A_731, %swap3A_732] : memref<1x10x1024xi32, #tpu.memory_space<vmem>>, vector<1x10x1024xi32>
    %swap3A_734 = vector.shape_cast %swap3A_733 : vector<1x10x1024xi32> to vector<10x1024xi32>
    %swap3A_735 = vector.shape_cast %add3A_730 : vector<10x1024xi32> to vector<1x10x1024xi32>
    tpu.vector_store %arg6[%swap3A, %swap3A_731, %swap3A_732], %swap3A_735 {strides = array<i32>} : memref<1x10x1024xi32, #tpu.memory_space<vmem>>, vector<1x10x1024xi32>,
    %add3A_736 = vector.broadcast %mul3A_728 : i32 to vector<10x1024xi32>
    %add3A_737 = arith.addi %select_n3A_720, %add3A_736 : vector<10x1024xi32>
    %swap3A_738 = arith.constant 0 : index
    %swap3A_739 = arith.constant 0 : index
    %swap3A_740 = arith.constant 0 : index
    %swap3A_741 = vector.load %arg7[%swap3A_738, %swap3A_739, %swap3A_740] : memref<1x10x1024xi32, #tpu.memory_space<vmem>>, vector<1x10x1024xi32>
    %swap3A_742 = vector.shape_cast %swap3A_741 : vector<1x10x1024xi32> to vector<10x1024xi32>
    %swap3A_743 = vector.shape_cast %add3A_737 : vector<10x1024xi32> to vector<1x10x1024xi32>
    tpu.vector_store %arg7[%swap3A_738, %swap3A_739, %swap3A_740], %swap3A_743 {strides = array<i32>} : memref<1x10x1024xi32, #tpu.memory_space<vmem>>, vector<1x10x1024xi32>,
    %add3A_744 = vector.broadcast %mul3A_728 : i32 to vector<10x1024xi32>
    %add3A_745 = arith.addi %select_n3A_726, %add3A_744 : vector<10x1024xi32>
    %swap3A_746 = arith.constant 0 : index
    %swap3A_747 = arith.constant 0 : index
    %swap3A_748 = arith.constant 0 : index
    %swap3A_749 = vector.load %arg8[%swap3A_746, %swap3A_747, %swap3A_748] : memref<1x10x1024xi32, #tpu.memory_space<vmem>>, vector<1x10x1024xi32>
    %swap3A_750 = vector.shape_cast %swap3A_749 : vector<1x10x1024xi32> to vector<10x1024xi32>
    %swap3A_751 = vector.shape_cast %add3A_745 : vector<10x1024xi32> to vector<1x10x1024xi32>
    tpu.vector_store %arg8[%swap3A_746, %swap3A_747, %swap3A_748], %swap3A_751 {strides = array<i32>} : memref<1x10x1024xi32, #tpu.memory_space<vmem>>, vector<1x10x1024xi32>,
    return
  }
  func.func @transform_0(%arg0: i32) -> (i32, i32, i32) {
    %c0_i32 = arith.constant 0 : i32
    %c0_i32_0 = arith.constant 0 : i32
    %c0_i32_1 = arith.constant 0 : i32
    return %arg0, %c0_i32, %c0_i32_0 : i32, i32, i32
  }
  func.func @transform_1(%arg0: i32) -> (i32, i32, i32) {
    %c0_i32 = arith.constant 0 : i32
    %c0_i32_0 = arith.constant 0 : i32
    %c0_i32_1 = arith.constant 0 : i32
    return %arg0, %c0_i32, %c0_i32_0 : i32, i32, i32
  }
  func.func @transform_2(%arg0: i32) -> (i32, i32, i32) {
    %c0_i32 = arith.constant 0 : i32
    %c0_i32_0 = arith.constant 0 : i32
    %c0_i32_1 = arith.constant 0 : i32
    return %arg0, %c0_i32, %c0_i32_0 : i32, i32, i32
  }
  func.func @transform_3(%arg0: i32) -> (i32, i32, i32) {
    %c0_i32 = arith.constant 0 : i32
    %c0_i32_0 = arith.constant 0 : i32
    %c0_i32_1 = arith.constant 0 : i32
    return %arg0, %c0_i32, %c0_i32_0 : i32, i32, i32
  }
  func.func @transform_4(%arg0: i32) -> (i32, i32, i32) {
    %c0_i32 = arith.constant 0 : i32
    %c0_i32_0 = arith.constant 0 : i32
    %c0_i32_1 = arith.constant 0 : i32
    return %arg0, %c0_i32, %c0_i32_0 : i32, i32, i32
  }
  func.func @transform_5(%arg0: i32) -> (i32, i32, i32) {
    %c0_i32 = arith.constant 0 : i32
    %c0_i32_0 = arith.constant 0 : i32
    %c0_i32_1 = arith.constant 0 : i32
    return %arg0, %c0_i32, %c0_i32_0 : i32, i32, i32
  }
  func.func @transform_6(%arg0: i32) -> (i32, i32, i32) {
    %c0_i32 = arith.constant 0 : i32
    %c0_i32_0 = arith.constant 0 : i32
    %c0_i32_1 = arith.constant 0 : i32
    return %arg0, %c0_i32, %c0_i32_0 : i32, i32, i32
  }
  func.func @transform_7(%arg0: i32) -> (i32, i32, i32) {
    %c0_i32 = arith.constant 0 : i32
    %c0_i32_0 = arith.constant 0 : i32
    %c0_i32_1 = arith.constant 0 : i32
    return %arg0, %c0_i32, %c0_i32_0 : i32, i32, i32
  }
}

module attributes {stable_mosaic.version = 14 : i64} {
  func.func @_conv_body(%arg0: i32, %arg1: i32, %arg2: memref<1x10x256x16xf32, #tpu.memory_space<vmem>>, %arg3: memref<1x256x3xf32, #tpu.memory_space<vmem>>, %arg4: memref<1x3xf32, #tpu.memory_space<vmem>>, %arg5: memref<1x3xf32, #tpu.memory_space<vmem>>, %arg6: memref<3x64xf32, #tpu.memory_space<vmem>>, %arg7: memref<3x64xf32, #tpu.memory_space<vmem>>, %arg8: memref<1x256x64xf32, #tpu.memory_space<vmem>>) attributes {dimension_semantics = [#tpu.dimension_semantics<arbitrary>, #tpu.dimension_semantics<arbitrary>], iteration_bounds = array<i64: 16, 4>, scalar_prefetch = 0 : i64, scratch_operands = 0 : i64, tpu.core_type = #tpu.core_type<tc>, window_params = [{transform_indices = @transform_0, window_bounds = array<i64: 1, 10, 256, 16>}, {transform_indices = @transform_1, window_bounds = array<i64: 1, 256, 3>}, {pipeline_mode = #tpu.pipeline_mode<synchronous>, transform_indices = @transform_2, window_bounds = array<i64: 1, 3>}, {pipeline_mode = #tpu.pipeline_mode<synchronous>, transform_indices = @transform_3, window_bounds = array<i64: 1, 3>}, {pipeline_mode = #tpu.pipeline_mode<synchronous>, transform_indices = @transform_4, window_bounds = array<i64: 3, 64>}, {pipeline_mode = #tpu.pipeline_mode<synchronous>, transform_indices = @transform_5, window_bounds = array<i64: 3, 64>}, {transform_indices = @transform_6, window_bounds = array<i64: 1, 256, 64>}]} {
    %get3A = arith.constant 0 : index
    %get3A_0 = arith.constant 0 : index
    %get3A_1 = arith.constant 0 : index
    %get3A_2 = vector.load %arg3[%get3A, %get3A_0, %get3A_1] : memref<1x256x3xf32, #tpu.memory_space<vmem>>, vector<1x256x3xf32>
    %get3A_3 = vector.shape_cast %get3A_2 : vector<1x256x3xf32> to vector<256x3xf32>
    %get3A_4 = arith.constant 0 : index
    %get3A_5 = arith.constant 0 : index
    %get3A_6 = vector.load %arg4[%get3A_4, %get3A_5] : memref<1x3xf32, #tpu.memory_space<vmem>>, vector<1x3xf32>
    %get3A_7 = arith.constant 0 : index
    %get3A_8 = arith.constant 0 : index
    %get3A_9 = vector.load %arg5[%get3A_7, %get3A_8] : memref<1x3xf32, #tpu.memory_space<vmem>>, vector<1x3xf32>
    %get3A_10 = arith.constant 0 : index
    %get3A_11 = arith.constant 0 : index
    %get3A_12 = vector.load %arg6[%get3A_10, %get3A_11] : memref<3x64xf32, #tpu.memory_space<vmem>>, vector<3x64xf32>
    %get3A_13 = arith.constant 0 : index
    %get3A_14 = arith.constant 0 : index
    %get3A_15 = vector.load %arg7[%get3A_13, %get3A_14] : memref<3x64xf32, #tpu.memory_space<vmem>>, vector<3x64xf32>
    %mul3A = vector.broadcast %get3A_9 : vector<1x3xf32> to vector<256x3xf32>
    %mul3A_16 = arith.mulf %get3A_3, %mul3A : vector<256x3xf32>
    %div3A = arith.constant 1.00000501 : f32
    %div3A_17 = vector.broadcast %div3A : f32 to vector<256x3xf32>
    %div3A_18 = arith.divf %mul3A_16, %div3A_17 : vector<256x3xf32>
    %ge3A = arith.constant 0.000000e+00 : f32
    %ge3A_19 = vector.broadcast %ge3A : f32 to vector<256x3xf32>
    %ge3A_20 = arith.cmpf oge, %div3A_18, %ge3A_19 : vector<256x3xf32>
    %mul3A_21 = arith.constant 2.000000e-01 : f32
    %mul3A_22 = vector.broadcast %mul3A_21 : f32 to vector<256x3xf32>
    %mul3A_23 = arith.mulf %mul3A_22, %div3A_18 : vector<256x3xf32>
    %select_n3A = arith.select %ge3A_20, %div3A_18, %mul3A_23 : vector<256x3xi1>, vector<256x3xf32>
    %dot_general3A = arith.constant dense<0.000000e+00> : vector<256x64xf32>
    %dot_general3A_24 = tpu.matmul %select_n3A, %get3A_15, %dot_general3A {dimension_numbers = #tpu.dot_dimension_numbers<[1], [0], [0], [1], [0, 0, 1, 1], [], []>, transpose_lhs_hint = false} : vector<256x3xf32>, vector<3x64xf32>, vector<256x64xf32> -> vector<256x64xf32>
    %broadcast_in_dim3A = arith.constant 0xFF800000 : f32
    %broadcast_in_dim3A_25 = vector.broadcast %broadcast_in_dim3A : f32 to vector<256x64xf32>
    %get3A_26 = arith.constant 0 : index
    %get3A_27 = arith.constant 0 : index
    %get3A_28 = arith.constant 0 : index
    %get3A_29 = arith.constant 0 : index
    %get3A_30 = vector.load %arg2[%get3A_26, %get3A_27, %get3A_28, %get3A_29] : memref<1x10x256x16xf32, #tpu.memory_space<vmem>>, vector<1x1x256x16xf32>
    %get3A_31 = vector.shape_cast %get3A_30 : vector<1x1x256x16xf32> to vector<256x16xf32>
    %slice3A = vector.extract_strided_slice %get3A_31 {offsets = [0, 0], sizes = [256, 3], strides = [1, 1]} : vector<256x16xf32> to vector<256x3xf32>
    %sub3A = arith.subf %slice3A, %get3A_3 : vector<256x3xf32>
    %mul3A_32 = vector.broadcast %get3A_6 : vector<1x3xf32> to vector<256x3xf32>
    %mul3A_33 = arith.mulf %sub3A, %mul3A_32 : vector<256x3xf32>
    %div3A_34 = arith.constant 1.00000501 : f32
    %div3A_35 = vector.broadcast %div3A_34 : f32 to vector<256x3xf32>
    %div3A_36 = arith.divf %mul3A_33, %div3A_35 : vector<256x3xf32>
    %ge3A_37 = arith.constant 0.000000e+00 : f32
    %ge3A_38 = vector.broadcast %ge3A_37 : f32 to vector<256x3xf32>
    %ge3A_39 = arith.cmpf oge, %div3A_36, %ge3A_38 : vector<256x3xf32>
    %mul3A_40 = arith.constant 2.000000e-01 : f32
    %mul3A_41 = vector.broadcast %mul3A_40 : f32 to vector<256x3xf32>
    %mul3A_42 = arith.mulf %mul3A_41, %div3A_36 : vector<256x3xf32>
    %select_n3A_43 = arith.select %ge3A_39, %div3A_36, %mul3A_42 : vector<256x3xi1>, vector<256x3xf32>
    %dot_general3A_44 = arith.constant dense<0.000000e+00> : vector<256x64xf32>
    %dot_general3A_45 = tpu.matmul %select_n3A_43, %get3A_12, %dot_general3A_44 {dimension_numbers = #tpu.dot_dimension_numbers<[1], [0], [0], [1], [0, 0, 1, 1], [], []>, transpose_lhs_hint = false} : vector<256x3xf32>, vector<3x64xf32>, vector<256x64xf32> -> vector<256x64xf32>
    %max3A = arith.maximumf %broadcast_in_dim3A_25, %dot_general3A_45 : vector<256x64xf32>
    %get3A_46 = arith.constant 0 : index
    %get3A_47 = arith.constant 1 : index
    %get3A_48 = arith.constant 0 : index
    %get3A_49 = arith.constant 0 : index
    %get3A_50 = vector.load %arg2[%get3A_46, %get3A_47, %get3A_48, %get3A_49] : memref<1x10x256x16xf32, #tpu.memory_space<vmem>>, vector<1x1x256x16xf32>
    %get3A_51 = vector.shape_cast %get3A_50 : vector<1x1x256x16xf32> to vector<256x16xf32>
    %slice3A_52 = vector.extract_strided_slice %get3A_51 {offsets = [0, 0], sizes = [256, 3], strides = [1, 1]} : vector<256x16xf32> to vector<256x3xf32>
    %sub3A_53 = arith.subf %slice3A_52, %get3A_3 : vector<256x3xf32>
    %mul3A_54 = vector.broadcast %get3A_6 : vector<1x3xf32> to vector<256x3xf32>
    %mul3A_55 = arith.mulf %sub3A_53, %mul3A_54 : vector<256x3xf32>
    %div3A_56 = arith.constant 1.00000501 : f32
    %div3A_57 = vector.broadcast %div3A_56 : f32 to vector<256x3xf32>
    %div3A_58 = arith.divf %mul3A_55, %div3A_57 : vector<256x3xf32>
    %ge3A_59 = arith.constant 0.000000e+00 : f32
    %ge3A_60 = vector.broadcast %ge3A_59 : f32 to vector<256x3xf32>
    %ge3A_61 = arith.cmpf oge, %div3A_58, %ge3A_60 : vector<256x3xf32>
    %mul3A_62 = arith.constant 2.000000e-01 : f32
    %mul3A_63 = vector.broadcast %mul3A_62 : f32 to vector<256x3xf32>
    %mul3A_64 = arith.mulf %mul3A_63, %div3A_58 : vector<256x3xf32>
    %select_n3A_65 = arith.select %ge3A_61, %div3A_58, %mul3A_64 : vector<256x3xi1>, vector<256x3xf32>
    %dot_general3A_66 = arith.constant dense<0.000000e+00> : vector<256x64xf32>
    %dot_general3A_67 = tpu.matmul %select_n3A_65, %get3A_12, %dot_general3A_66 {dimension_numbers = #tpu.dot_dimension_numbers<[1], [0], [0], [1], [0, 0, 1, 1], [], []>, transpose_lhs_hint = false} : vector<256x3xf32>, vector<3x64xf32>, vector<256x64xf32> -> vector<256x64xf32>
    %max3A_68 = arith.maximumf %max3A, %dot_general3A_67 : vector<256x64xf32>
    %get3A_69 = arith.constant 0 : index
    %get3A_70 = arith.constant 2 : index
    %get3A_71 = arith.constant 0 : index
    %get3A_72 = arith.constant 0 : index
    %get3A_73 = vector.load %arg2[%get3A_69, %get3A_70, %get3A_71, %get3A_72] : memref<1x10x256x16xf32, #tpu.memory_space<vmem>>, vector<1x1x256x16xf32>
    %get3A_74 = vector.shape_cast %get3A_73 : vector<1x1x256x16xf32> to vector<256x16xf32>
    %slice3A_75 = vector.extract_strided_slice %get3A_74 {offsets = [0, 0], sizes = [256, 3], strides = [1, 1]} : vector<256x16xf32> to vector<256x3xf32>
    %sub3A_76 = arith.subf %slice3A_75, %get3A_3 : vector<256x3xf32>
    %mul3A_77 = vector.broadcast %get3A_6 : vector<1x3xf32> to vector<256x3xf32>
    %mul3A_78 = arith.mulf %sub3A_76, %mul3A_77 : vector<256x3xf32>
    %div3A_79 = arith.constant 1.00000501 : f32
    %div3A_80 = vector.broadcast %div3A_79 : f32 to vector<256x3xf32>
    %div3A_81 = arith.divf %mul3A_78, %div3A_80 : vector<256x3xf32>
    %ge3A_82 = arith.constant 0.000000e+00 : f32
    %ge3A_83 = vector.broadcast %ge3A_82 : f32 to vector<256x3xf32>
    %ge3A_84 = arith.cmpf oge, %div3A_81, %ge3A_83 : vector<256x3xf32>
    %mul3A_85 = arith.constant 2.000000e-01 : f32
    %mul3A_86 = vector.broadcast %mul3A_85 : f32 to vector<256x3xf32>
    %mul3A_87 = arith.mulf %mul3A_86, %div3A_81 : vector<256x3xf32>
    %select_n3A_88 = arith.select %ge3A_84, %div3A_81, %mul3A_87 : vector<256x3xi1>, vector<256x3xf32>
    %dot_general3A_89 = arith.constant dense<0.000000e+00> : vector<256x64xf32>
    %dot_general3A_90 = tpu.matmul %select_n3A_88, %get3A_12, %dot_general3A_89 {dimension_numbers = #tpu.dot_dimension_numbers<[1], [0], [0], [1], [0, 0, 1, 1], [], []>, transpose_lhs_hint = false} : vector<256x3xf32>, vector<3x64xf32>, vector<256x64xf32> -> vector<256x64xf32>
    %max3A_91 = arith.maximumf %max3A_68, %dot_general3A_90 : vector<256x64xf32>
    %get3A_92 = arith.constant 0 : index
    %get3A_93 = arith.constant 3 : index
    %get3A_94 = arith.constant 0 : index
    %get3A_95 = arith.constant 0 : index
    %get3A_96 = vector.load %arg2[%get3A_92, %get3A_93, %get3A_94, %get3A_95] : memref<1x10x256x16xf32, #tpu.memory_space<vmem>>, vector<1x1x256x16xf32>
    %get3A_97 = vector.shape_cast %get3A_96 : vector<1x1x256x16xf32> to vector<256x16xf32>
    %slice3A_98 = vector.extract_strided_slice %get3A_97 {offsets = [0, 0], sizes = [256, 3], strides = [1, 1]} : vector<256x16xf32> to vector<256x3xf32>
    %sub3A_99 = arith.subf %slice3A_98, %get3A_3 : vector<256x3xf32>
    %mul3A_100 = vector.broadcast %get3A_6 : vector<1x3xf32> to vector<256x3xf32>
    %mul3A_101 = arith.mulf %sub3A_99, %mul3A_100 : vector<256x3xf32>
    %div3A_102 = arith.constant 1.00000501 : f32
    %div3A_103 = vector.broadcast %div3A_102 : f32 to vector<256x3xf32>
    %div3A_104 = arith.divf %mul3A_101, %div3A_103 : vector<256x3xf32>
    %ge3A_105 = arith.constant 0.000000e+00 : f32
    %ge3A_106 = vector.broadcast %ge3A_105 : f32 to vector<256x3xf32>
    %ge3A_107 = arith.cmpf oge, %div3A_104, %ge3A_106 : vector<256x3xf32>
    %mul3A_108 = arith.constant 2.000000e-01 : f32
    %mul3A_109 = vector.broadcast %mul3A_108 : f32 to vector<256x3xf32>
    %mul3A_110 = arith.mulf %mul3A_109, %div3A_104 : vector<256x3xf32>
    %select_n3A_111 = arith.select %ge3A_107, %div3A_104, %mul3A_110 : vector<256x3xi1>, vector<256x3xf32>
    %dot_general3A_112 = arith.constant dense<0.000000e+00> : vector<256x64xf32>
    %dot_general3A_113 = tpu.matmul %select_n3A_111, %get3A_12, %dot_general3A_112 {dimension_numbers = #tpu.dot_dimension_numbers<[1], [0], [0], [1], [0, 0, 1, 1], [], []>, transpose_lhs_hint = false} : vector<256x3xf32>, vector<3x64xf32>, vector<256x64xf32> -> vector<256x64xf32>
    %max3A_114 = arith.maximumf %max3A_91, %dot_general3A_113 : vector<256x64xf32>
    %get3A_115 = arith.constant 0 : index
    %get3A_116 = arith.constant 4 : index
    %get3A_117 = arith.constant 0 : index
    %get3A_118 = arith.constant 0 : index
    %get3A_119 = vector.load %arg2[%get3A_115, %get3A_116, %get3A_117, %get3A_118] : memref<1x10x256x16xf32, #tpu.memory_space<vmem>>, vector<1x1x256x16xf32>
    %get3A_120 = vector.shape_cast %get3A_119 : vector<1x1x256x16xf32> to vector<256x16xf32>
    %slice3A_121 = vector.extract_strided_slice %get3A_120 {offsets = [0, 0], sizes = [256, 3], strides = [1, 1]} : vector<256x16xf32> to vector<256x3xf32>
    %sub3A_122 = arith.subf %slice3A_121, %get3A_3 : vector<256x3xf32>
    %mul3A_123 = vector.broadcast %get3A_6 : vector<1x3xf32> to vector<256x3xf32>
    %mul3A_124 = arith.mulf %sub3A_122, %mul3A_123 : vector<256x3xf32>
    %div3A_125 = arith.constant 1.00000501 : f32
    %div3A_126 = vector.broadcast %div3A_125 : f32 to vector<256x3xf32>
    %div3A_127 = arith.divf %mul3A_124, %div3A_126 : vector<256x3xf32>
    %ge3A_128 = arith.constant 0.000000e+00 : f32
    %ge3A_129 = vector.broadcast %ge3A_128 : f32 to vector<256x3xf32>
    %ge3A_130 = arith.cmpf oge, %div3A_127, %ge3A_129 : vector<256x3xf32>
    %mul3A_131 = arith.constant 2.000000e-01 : f32
    %mul3A_132 = vector.broadcast %mul3A_131 : f32 to vector<256x3xf32>
    %mul3A_133 = arith.mulf %mul3A_132, %div3A_127 : vector<256x3xf32>
    %select_n3A_134 = arith.select %ge3A_130, %div3A_127, %mul3A_133 : vector<256x3xi1>, vector<256x3xf32>
    %dot_general3A_135 = arith.constant dense<0.000000e+00> : vector<256x64xf32>
    %dot_general3A_136 = tpu.matmul %select_n3A_134, %get3A_12, %dot_general3A_135 {dimension_numbers = #tpu.dot_dimension_numbers<[1], [0], [0], [1], [0, 0, 1, 1], [], []>, transpose_lhs_hint = false} : vector<256x3xf32>, vector<3x64xf32>, vector<256x64xf32> -> vector<256x64xf32>
    %max3A_137 = arith.maximumf %max3A_114, %dot_general3A_136 : vector<256x64xf32>
    %get3A_138 = arith.constant 0 : index
    %get3A_139 = arith.constant 5 : index
    %get3A_140 = arith.constant 0 : index
    %get3A_141 = arith.constant 0 : index
    %get3A_142 = vector.load %arg2[%get3A_138, %get3A_139, %get3A_140, %get3A_141] : memref<1x10x256x16xf32, #tpu.memory_space<vmem>>, vector<1x1x256x16xf32>
    %get3A_143 = vector.shape_cast %get3A_142 : vector<1x1x256x16xf32> to vector<256x16xf32>
    %slice3A_144 = vector.extract_strided_slice %get3A_143 {offsets = [0, 0], sizes = [256, 3], strides = [1, 1]} : vector<256x16xf32> to vector<256x3xf32>
    %sub3A_145 = arith.subf %slice3A_144, %get3A_3 : vector<256x3xf32>
    %mul3A_146 = vector.broadcast %get3A_6 : vector<1x3xf32> to vector<256x3xf32>
    %mul3A_147 = arith.mulf %sub3A_145, %mul3A_146 : vector<256x3xf32>
    %div3A_148 = arith.constant 1.00000501 : f32
    %div3A_149 = vector.broadcast %div3A_148 : f32 to vector<256x3xf32>
    %div3A_150 = arith.divf %mul3A_147, %div3A_149 : vector<256x3xf32>
    %ge3A_151 = arith.constant 0.000000e+00 : f32
    %ge3A_152 = vector.broadcast %ge3A_151 : f32 to vector<256x3xf32>
    %ge3A_153 = arith.cmpf oge, %div3A_150, %ge3A_152 : vector<256x3xf32>
    %mul3A_154 = arith.constant 2.000000e-01 : f32
    %mul3A_155 = vector.broadcast %mul3A_154 : f32 to vector<256x3xf32>
    %mul3A_156 = arith.mulf %mul3A_155, %div3A_150 : vector<256x3xf32>
    %select_n3A_157 = arith.select %ge3A_153, %div3A_150, %mul3A_156 : vector<256x3xi1>, vector<256x3xf32>
    %dot_general3A_158 = arith.constant dense<0.000000e+00> : vector<256x64xf32>
    %dot_general3A_159 = tpu.matmul %select_n3A_157, %get3A_12, %dot_general3A_158 {dimension_numbers = #tpu.dot_dimension_numbers<[1], [0], [0], [1], [0, 0, 1, 1], [], []>, transpose_lhs_hint = false} : vector<256x3xf32>, vector<3x64xf32>, vector<256x64xf32> -> vector<256x64xf32>
    %max3A_160 = arith.maximumf %max3A_137, %dot_general3A_159 : vector<256x64xf32>
    %get3A_161 = arith.constant 0 : index
    %get3A_162 = arith.constant 6 : index
    %get3A_163 = arith.constant 0 : index
    %get3A_164 = arith.constant 0 : index
    %get3A_165 = vector.load %arg2[%get3A_161, %get3A_162, %get3A_163, %get3A_164] : memref<1x10x256x16xf32, #tpu.memory_space<vmem>>, vector<1x1x256x16xf32>
    %get3A_166 = vector.shape_cast %get3A_165 : vector<1x1x256x16xf32> to vector<256x16xf32>
    %slice3A_167 = vector.extract_strided_slice %get3A_166 {offsets = [0, 0], sizes = [256, 3], strides = [1, 1]} : vector<256x16xf32> to vector<256x3xf32>
    %sub3A_168 = arith.subf %slice3A_167, %get3A_3 : vector<256x3xf32>
    %mul3A_169 = vector.broadcast %get3A_6 : vector<1x3xf32> to vector<256x3xf32>
    %mul3A_170 = arith.mulf %sub3A_168, %mul3A_169 : vector<256x3xf32>
    %div3A_171 = arith.constant 1.00000501 : f32
    %div3A_172 = vector.broadcast %div3A_171 : f32 to vector<256x3xf32>
    %div3A_173 = arith.divf %mul3A_170, %div3A_172 : vector<256x3xf32>
    %ge3A_174 = arith.constant 0.000000e+00 : f32
    %ge3A_175 = vector.broadcast %ge3A_174 : f32 to vector<256x3xf32>
    %ge3A_176 = arith.cmpf oge, %div3A_173, %ge3A_175 : vector<256x3xf32>
    %mul3A_177 = arith.constant 2.000000e-01 : f32
    %mul3A_178 = vector.broadcast %mul3A_177 : f32 to vector<256x3xf32>
    %mul3A_179 = arith.mulf %mul3A_178, %div3A_173 : vector<256x3xf32>
    %select_n3A_180 = arith.select %ge3A_176, %div3A_173, %mul3A_179 : vector<256x3xi1>, vector<256x3xf32>
    %dot_general3A_181 = arith.constant dense<0.000000e+00> : vector<256x64xf32>
    %dot_general3A_182 = tpu.matmul %select_n3A_180, %get3A_12, %dot_general3A_181 {dimension_numbers = #tpu.dot_dimension_numbers<[1], [0], [0], [1], [0, 0, 1, 1], [], []>, transpose_lhs_hint = false} : vector<256x3xf32>, vector<3x64xf32>, vector<256x64xf32> -> vector<256x64xf32>
    %max3A_183 = arith.maximumf %max3A_160, %dot_general3A_182 : vector<256x64xf32>
    %get3A_184 = arith.constant 0 : index
    %get3A_185 = arith.constant 7 : index
    %get3A_186 = arith.constant 0 : index
    %get3A_187 = arith.constant 0 : index
    %get3A_188 = vector.load %arg2[%get3A_184, %get3A_185, %get3A_186, %get3A_187] : memref<1x10x256x16xf32, #tpu.memory_space<vmem>>, vector<1x1x256x16xf32>
    %get3A_189 = vector.shape_cast %get3A_188 : vector<1x1x256x16xf32> to vector<256x16xf32>
    %slice3A_190 = vector.extract_strided_slice %get3A_189 {offsets = [0, 0], sizes = [256, 3], strides = [1, 1]} : vector<256x16xf32> to vector<256x3xf32>
    %sub3A_191 = arith.subf %slice3A_190, %get3A_3 : vector<256x3xf32>
    %mul3A_192 = vector.broadcast %get3A_6 : vector<1x3xf32> to vector<256x3xf32>
    %mul3A_193 = arith.mulf %sub3A_191, %mul3A_192 : vector<256x3xf32>
    %div3A_194 = arith.constant 1.00000501 : f32
    %div3A_195 = vector.broadcast %div3A_194 : f32 to vector<256x3xf32>
    %div3A_196 = arith.divf %mul3A_193, %div3A_195 : vector<256x3xf32>
    %ge3A_197 = arith.constant 0.000000e+00 : f32
    %ge3A_198 = vector.broadcast %ge3A_197 : f32 to vector<256x3xf32>
    %ge3A_199 = arith.cmpf oge, %div3A_196, %ge3A_198 : vector<256x3xf32>
    %mul3A_200 = arith.constant 2.000000e-01 : f32
    %mul3A_201 = vector.broadcast %mul3A_200 : f32 to vector<256x3xf32>
    %mul3A_202 = arith.mulf %mul3A_201, %div3A_196 : vector<256x3xf32>
    %select_n3A_203 = arith.select %ge3A_199, %div3A_196, %mul3A_202 : vector<256x3xi1>, vector<256x3xf32>
    %dot_general3A_204 = arith.constant dense<0.000000e+00> : vector<256x64xf32>
    %dot_general3A_205 = tpu.matmul %select_n3A_203, %get3A_12, %dot_general3A_204 {dimension_numbers = #tpu.dot_dimension_numbers<[1], [0], [0], [1], [0, 0, 1, 1], [], []>, transpose_lhs_hint = false} : vector<256x3xf32>, vector<3x64xf32>, vector<256x64xf32> -> vector<256x64xf32>
    %max3A_206 = arith.maximumf %max3A_183, %dot_general3A_205 : vector<256x64xf32>
    %get3A_207 = arith.constant 0 : index
    %get3A_208 = arith.constant 8 : index
    %get3A_209 = arith.constant 0 : index
    %get3A_210 = arith.constant 0 : index
    %get3A_211 = vector.load %arg2[%get3A_207, %get3A_208, %get3A_209, %get3A_210] : memref<1x10x256x16xf32, #tpu.memory_space<vmem>>, vector<1x1x256x16xf32>
    %get3A_212 = vector.shape_cast %get3A_211 : vector<1x1x256x16xf32> to vector<256x16xf32>
    %slice3A_213 = vector.extract_strided_slice %get3A_212 {offsets = [0, 0], sizes = [256, 3], strides = [1, 1]} : vector<256x16xf32> to vector<256x3xf32>
    %sub3A_214 = arith.subf %slice3A_213, %get3A_3 : vector<256x3xf32>
    %mul3A_215 = vector.broadcast %get3A_6 : vector<1x3xf32> to vector<256x3xf32>
    %mul3A_216 = arith.mulf %sub3A_214, %mul3A_215 : vector<256x3xf32>
    %div3A_217 = arith.constant 1.00000501 : f32
    %div3A_218 = vector.broadcast %div3A_217 : f32 to vector<256x3xf32>
    %div3A_219 = arith.divf %mul3A_216, %div3A_218 : vector<256x3xf32>
    %ge3A_220 = arith.constant 0.000000e+00 : f32
    %ge3A_221 = vector.broadcast %ge3A_220 : f32 to vector<256x3xf32>
    %ge3A_222 = arith.cmpf oge, %div3A_219, %ge3A_221 : vector<256x3xf32>
    %mul3A_223 = arith.constant 2.000000e-01 : f32
    %mul3A_224 = vector.broadcast %mul3A_223 : f32 to vector<256x3xf32>
    %mul3A_225 = arith.mulf %mul3A_224, %div3A_219 : vector<256x3xf32>
    %select_n3A_226 = arith.select %ge3A_222, %div3A_219, %mul3A_225 : vector<256x3xi1>, vector<256x3xf32>
    %dot_general3A_227 = arith.constant dense<0.000000e+00> : vector<256x64xf32>
    %dot_general3A_228 = tpu.matmul %select_n3A_226, %get3A_12, %dot_general3A_227 {dimension_numbers = #tpu.dot_dimension_numbers<[1], [0], [0], [1], [0, 0, 1, 1], [], []>, transpose_lhs_hint = false} : vector<256x3xf32>, vector<3x64xf32>, vector<256x64xf32> -> vector<256x64xf32>
    %max3A_229 = arith.maximumf %max3A_206, %dot_general3A_228 : vector<256x64xf32>
    %get3A_230 = arith.constant 0 : index
    %get3A_231 = arith.constant 9 : index
    %get3A_232 = arith.constant 0 : index
    %get3A_233 = arith.constant 0 : index
    %get3A_234 = vector.load %arg2[%get3A_230, %get3A_231, %get3A_232, %get3A_233] : memref<1x10x256x16xf32, #tpu.memory_space<vmem>>, vector<1x1x256x16xf32>
    %get3A_235 = vector.shape_cast %get3A_234 : vector<1x1x256x16xf32> to vector<256x16xf32>
    %slice3A_236 = vector.extract_strided_slice %get3A_235 {offsets = [0, 0], sizes = [256, 3], strides = [1, 1]} : vector<256x16xf32> to vector<256x3xf32>
    %sub3A_237 = arith.subf %slice3A_236, %get3A_3 : vector<256x3xf32>
    %mul3A_238 = vector.broadcast %get3A_6 : vector<1x3xf32> to vector<256x3xf32>
    %mul3A_239 = arith.mulf %sub3A_237, %mul3A_238 : vector<256x3xf32>
    %div3A_240 = arith.constant 1.00000501 : f32
    %div3A_241 = vector.broadcast %div3A_240 : f32 to vector<256x3xf32>
    %div3A_242 = arith.divf %mul3A_239, %div3A_241 : vector<256x3xf32>
    %ge3A_243 = arith.constant 0.000000e+00 : f32
    %ge3A_244 = vector.broadcast %ge3A_243 : f32 to vector<256x3xf32>
    %ge3A_245 = arith.cmpf oge, %div3A_242, %ge3A_244 : vector<256x3xf32>
    %mul3A_246 = arith.constant 2.000000e-01 : f32
    %mul3A_247 = vector.broadcast %mul3A_246 : f32 to vector<256x3xf32>
    %mul3A_248 = arith.mulf %mul3A_247, %div3A_242 : vector<256x3xf32>
    %select_n3A_249 = arith.select %ge3A_245, %div3A_242, %mul3A_248 : vector<256x3xi1>, vector<256x3xf32>
    %dot_general3A_250 = arith.constant dense<0.000000e+00> : vector<256x64xf32>
    %dot_general3A_251 = tpu.matmul %select_n3A_249, %get3A_12, %dot_general3A_250 {dimension_numbers = #tpu.dot_dimension_numbers<[1], [0], [0], [1], [0, 0, 1, 1], [], []>, transpose_lhs_hint = false} : vector<256x3xf32>, vector<3x64xf32>, vector<256x64xf32> -> vector<256x64xf32>
    %max3A_252 = arith.maximumf %max3A_229, %dot_general3A_251 : vector<256x64xf32>
    %add3A = arith.addf %max3A_252, %dot_general3A_24 : vector<256x64xf32>
    %swap3A = arith.constant 0 : index
    %swap3A_253 = arith.constant 0 : index
    %swap3A_254 = arith.constant 0 : index
    %swap3A_255 = vector.load %arg8[%swap3A, %swap3A_253, %swap3A_254] : memref<1x256x64xf32, #tpu.memory_space<vmem>>, vector<1x256x64xf32>
    %swap3A_256 = vector.shape_cast %swap3A_255 : vector<1x256x64xf32> to vector<256x64xf32>
    %swap3A_257 = vector.shape_cast %add3A : vector<256x64xf32> to vector<1x256x64xf32>
    tpu.vector_store %arg8[%swap3A, %swap3A_253, %swap3A_254], %swap3A_257 {strides = array<i32>} : memref<1x256x64xf32, #tpu.memory_space<vmem>>, vector<1x256x64xf32>,
    return
  }
  func.func @transform_0(%arg0: i32, %arg1: i32) -> (i32, i32, i32, i32) {
    %c0_i32 = arith.constant 0 : i32
    %c0_i32_0 = arith.constant 0 : i32
    %c0_i32_1 = arith.constant 0 : i32
    return %arg0, %c0_i32, %arg1, %c0_i32_0 : i32, i32, i32, i32
  }
  func.func @transform_1(%arg0: i32, %arg1: i32) -> (i32, i32, i32) {
    %c0_i32 = arith.constant 0 : i32
    %c0_i32_0 = arith.constant 0 : i32
    return %arg0, %arg1, %c0_i32 : i32, i32, i32
  }
  func.func @transform_2(%arg0: i32, %arg1: i32) -> (i32, i32) {
    %c0_i32 = arith.constant 0 : i32
    %c0_i32_0 = arith.constant 0 : i32
    %c0_i32_1 = arith.constant 0 : i32
    return %c0_i32, %c0_i32_0 : i32, i32
  }
  func.func @transform_3(%arg0: i32, %arg1: i32) -> (i32, i32) {
    %c0_i32 = arith.constant 0 : i32
    %c0_i32_0 = arith.constant 0 : i32
    %c0_i32_1 = arith.constant 0 : i32
    return %c0_i32, %c0_i32_0 : i32, i32
  }
  func.func @transform_4(%arg0: i32, %arg1: i32) -> (i32, i32) {
    %c0_i32 = arith.constant 0 : i32
    %c0_i32_0 = arith.constant 0 : i32
    %c0_i32_1 = arith.constant 0 : i32
    return %c0_i32, %c0_i32_0 : i32, i32
  }
  func.func @transform_5(%arg0: i32, %arg1: i32) -> (i32, i32) {
    %c0_i32 = arith.constant 0 : i32
    %c0_i32_0 = arith.constant 0 : i32
    %c0_i32_1 = arith.constant 0 : i32
    return %c0_i32, %c0_i32_0 : i32, i32
  }
  func.func @transform_6(%arg0: i32, %arg1: i32) -> (i32, i32, i32) {
    %c0_i32 = arith.constant 0 : i32
    %c0_i32_0 = arith.constant 0 : i32
    return %arg0, %arg1, %c0_i32 : i32, i32, i32
  }
}

module attributes {stable_mosaic.version = 14 : i64} {
  func.func @_conv_body(%arg0: i32, %arg1: i32, %arg2: memref<1x10x256x64xf32, #tpu.memory_space<vmem>>, %arg3: memref<1x256x64xf32, #tpu.memory_space<vmem>>, %arg4: memref<1x64xf32, #tpu.memory_space<vmem>>, %arg5: memref<1x64xf32, #tpu.memory_space<vmem>>, %arg6: memref<64x64xf32, #tpu.memory_space<vmem>>, %arg7: memref<64x64xf32, #tpu.memory_space<vmem>>, %arg8: memref<1x256x64xf32, #tpu.memory_space<vmem>>) attributes {dimension_semantics = [#tpu.dimension_semantics<arbitrary>, #tpu.dimension_semantics<arbitrary>], iteration_bounds = array<i64: 16, 4>, scalar_prefetch = 0 : i64, scratch_operands = 0 : i64, tpu.core_type = #tpu.core_type<tc>, window_params = [{transform_indices = @transform_0, window_bounds = array<i64: 1, 10, 256, 64>}, {transform_indices = @transform_1, window_bounds = array<i64: 1, 256, 64>}, {pipeline_mode = #tpu.pipeline_mode<synchronous>, transform_indices = @transform_2, window_bounds = array<i64: 1, 64>}, {pipeline_mode = #tpu.pipeline_mode<synchronous>, transform_indices = @transform_3, window_bounds = array<i64: 1, 64>}, {pipeline_mode = #tpu.pipeline_mode<synchronous>, transform_indices = @transform_4, window_bounds = array<i64: 64, 64>}, {pipeline_mode = #tpu.pipeline_mode<synchronous>, transform_indices = @transform_5, window_bounds = array<i64: 64, 64>}, {transform_indices = @transform_6, window_bounds = array<i64: 1, 256, 64>}]} {
    %get3A = arith.constant 0 : index
    %get3A_0 = arith.constant 0 : index
    %get3A_1 = arith.constant 0 : index
    %get3A_2 = vector.load %arg3[%get3A, %get3A_0, %get3A_1] : memref<1x256x64xf32, #tpu.memory_space<vmem>>, vector<1x256x64xf32>
    %get3A_3 = vector.shape_cast %get3A_2 : vector<1x256x64xf32> to vector<256x64xf32>
    %get3A_4 = arith.constant 0 : index
    %get3A_5 = arith.constant 0 : index
    %get3A_6 = vector.load %arg4[%get3A_4, %get3A_5] : memref<1x64xf32, #tpu.memory_space<vmem>>, vector<1x64xf32>
    %get3A_7 = arith.constant 0 : index
    %get3A_8 = arith.constant 0 : index
    %get3A_9 = vector.load %arg5[%get3A_7, %get3A_8] : memref<1x64xf32, #tpu.memory_space<vmem>>, vector<1x64xf32>
    %get3A_10 = arith.constant 0 : index
    %get3A_11 = arith.constant 0 : index
    %get3A_12 = vector.load %arg6[%get3A_10, %get3A_11] : memref<64x64xf32, #tpu.memory_space<vmem>>, vector<64x64xf32>
    %get3A_13 = arith.constant 0 : index
    %get3A_14 = arith.constant 0 : index
    %get3A_15 = vector.load %arg7[%get3A_13, %get3A_14] : memref<64x64xf32, #tpu.memory_space<vmem>>, vector<64x64xf32>
    %mul3A = vector.broadcast %get3A_9 : vector<1x64xf32> to vector<256x64xf32>
    %mul3A_16 = arith.mulf %get3A_3, %mul3A : vector<256x64xf32>
    %div3A = arith.constant 1.00000501 : f32
    %div3A_17 = vector.broadcast %div3A : f32 to vector<256x64xf32>
    %div3A_18 = arith.divf %mul3A_16, %div3A_17 : vector<256x64xf32>
    %ge3A = arith.constant 0.000000e+00 : f32
    %ge3A_19 = vector.broadcast %ge3A : f32 to vector<256x64xf32>
    %ge3A_20 = arith.cmpf oge, %div3A_18, %ge3A_19 : vector<256x64xf32>
    %mul3A_21 = arith.constant 2.000000e-01 : f32
    %mul3A_22 = vector.broadcast %mul3A_21 : f32 to vector<256x64xf32>
    %mul3A_23 = arith.mulf %mul3A_22, %div3A_18 : vector<256x64xf32>
    %select_n3A = arith.select %ge3A_20, %div3A_18, %mul3A_23 : vector<256x64xi1>, vector<256x64xf32>
    %dot_general3A = arith.constant dense<0.000000e+00> : vector<256x64xf32>
    %dot_general3A_24 = tpu.matmul %select_n3A, %get3A_15, %dot_general3A {dimension_numbers = #tpu.dot_dimension_numbers<[1], [0], [0], [1], [0, 0, 1, 1], [], []>, transpose_lhs_hint = false} : vector<256x64xf32>, vector<64x64xf32>, vector<256x64xf32> -> vector<256x64xf32>
    %broadcast_in_dim3A = arith.constant 0xFF800000 : f32
    %broadcast_in_dim3A_25 = vector.broadcast %broadcast_in_dim3A : f32 to vector<256x64xf32>
    %get3A_26 = arith.constant 0 : index
    %get3A_27 = arith.constant 0 : index
    %get3A_28 = arith.constant 0 : index
    %get3A_29 = arith.constant 0 : index
    %get3A_30 = vector.load %arg2[%get3A_26, %get3A_27, %get3A_28, %get3A_29] : memref<1x10x256x64xf32, #tpu.memory_space<vmem>>, vector<1x1x256x64xf32>
    %get3A_31 = vector.shape_cast %get3A_30 : vector<1x1x256x64xf32> to vector<256x64xf32>
    %sub3A = arith.subf %get3A_31, %get3A_3 : vector<256x64xf32>
    %mul3A_32 = vector.broadcast %get3A_6 : vector<1x64xf32> to vector<256x64xf32>
    %mul3A_33 = arith.mulf %sub3A, %mul3A_32 : vector<256x64xf32>
    %div3A_34 = arith.constant 1.00000501 : f32
    %div3A_35 = vector.broadcast %div3A_34 : f32 to vector<256x64xf32>
    %div3A_36 = arith.divf %mul3A_33, %div3A_35 : vector<256x64xf32>
    %ge3A_37 = arith.constant 0.000000e+00 : f32
    %ge3A_38 = vector.broadcast %ge3A_37 : f32 to vector<256x64xf32>
    %ge3A_39 = arith.cmpf oge, %div3A_36, %ge3A_38 : vector<256x64xf32>
    %mul3A_40 = arith.constant 2.000000e-01 : f32
    %mul3A_41 = vector.broadcast %mul3A_40 : f32 to vector<256x64xf32>
    %mul3A_42 = arith.mulf %mul3A_41, %div3A_36 : vector<256x64xf32>
    %select_n3A_43 = arith.select %ge3A_39, %div3A_36, %mul3A_42 : vector<256x64xi1>, vector<256x64xf32>
    %dot_general3A_44 = arith.constant dense<0.000000e+00> : vector<256x64xf32>
    %dot_general3A_45 = tpu.matmul %select_n3A_43, %get3A_12, %dot_general3A_44 {dimension_numbers = #tpu.dot_dimension_numbers<[1], [0], [0], [1], [0, 0, 1, 1], [], []>, transpose_lhs_hint = false} : vector<256x64xf32>, vector<64x64xf32>, vector<256x64xf32> -> vector<256x64xf32>
    %max3A = arith.maximumf %broadcast_in_dim3A_25, %dot_general3A_45 : vector<256x64xf32>
    %get3A_46 = arith.constant 0 : index
    %get3A_47 = arith.constant 1 : index
    %get3A_48 = arith.constant 0 : index
    %get3A_49 = arith.constant 0 : index
    %get3A_50 = vector.load %arg2[%get3A_46, %get3A_47, %get3A_48, %get3A_49] : memref<1x10x256x64xf32, #tpu.memory_space<vmem>>, vector<1x1x256x64xf32>
    %get3A_51 = vector.shape_cast %get3A_50 : vector<1x1x256x64xf32> to vector<256x64xf32>
    %sub3A_52 = arith.subf %get3A_51, %get3A_3 : vector<256x64xf32>
    %mul3A_53 = vector.broadcast %get3A_6 : vector<1x64xf32> to vector<256x64xf32>
    %mul3A_54 = arith.mulf %sub3A_52, %mul3A_53 : vector<256x64xf32>
    %div3A_55 = arith.constant 1.00000501 : f32
    %div3A_56 = vector.broadcast %div3A_55 : f32 to vector<256x64xf32>
    %div3A_57 = arith.divf %mul3A_54, %div3A_56 : vector<256x64xf32>
    %ge3A_58 = arith.constant 0.000000e+00 : f32
    %ge3A_59 = vector.broadcast %ge3A_58 : f32 to vector<256x64xf32>
    %ge3A_60 = arith.cmpf oge, %div3A_57, %ge3A_59 : vector<256x64xf32>
    %mul3A_61 = arith.constant 2.000000e-01 : f32
    %mul3A_62 = vector.broadcast %mul3A_61 : f32 to vector<256x64xf32>
    %mul3A_63 = arith.mulf %mul3A_62, %div3A_57 : vector<256x64xf32>
    %select_n3A_64 = arith.select %ge3A_60, %div3A_57, %mul3A_63 : vector<256x64xi1>, vector<256x64xf32>
    %dot_general3A_65 = arith.constant dense<0.000000e+00> : vector<256x64xf32>
    %dot_general3A_66 = tpu.matmul %select_n3A_64, %get3A_12, %dot_general3A_65 {dimension_numbers = #tpu.dot_dimension_numbers<[1], [0], [0], [1], [0, 0, 1, 1], [], []>, transpose_lhs_hint = false} : vector<256x64xf32>, vector<64x64xf32>, vector<256x64xf32> -> vector<256x64xf32>
    %max3A_67 = arith.maximumf %max3A, %dot_general3A_66 : vector<256x64xf32>
    %get3A_68 = arith.constant 0 : index
    %get3A_69 = arith.constant 2 : index
    %get3A_70 = arith.constant 0 : index
    %get3A_71 = arith.constant 0 : index
    %get3A_72 = vector.load %arg2[%get3A_68, %get3A_69, %get3A_70, %get3A_71] : memref<1x10x256x64xf32, #tpu.memory_space<vmem>>, vector<1x1x256x64xf32>
    %get3A_73 = vector.shape_cast %get3A_72 : vector<1x1x256x64xf32> to vector<256x64xf32>
    %sub3A_74 = arith.subf %get3A_73, %get3A_3 : vector<256x64xf32>
    %mul3A_75 = vector.broadcast %get3A_6 : vector<1x64xf32> to vector<256x64xf32>
    %mul3A_76 = arith.mulf %sub3A_74, %mul3A_75 : vector<256x64xf32>
    %div3A_77 = arith.constant 1.00000501 : f32
    %div3A_78 = vector.broadcast %div3A_77 : f32 to vector<256x64xf32>
    %div3A_79 = arith.divf %mul3A_76, %div3A_78 : vector<256x64xf32>
    %ge3A_80 = arith.constant 0.000000e+00 : f32
    %ge3A_81 = vector.broadcast %ge3A_80 : f32 to vector<256x64xf32>
    %ge3A_82 = arith.cmpf oge, %div3A_79, %ge3A_81 : vector<256x64xf32>
    %mul3A_83 = arith.constant 2.000000e-01 : f32
    %mul3A_84 = vector.broadcast %mul3A_83 : f32 to vector<256x64xf32>
    %mul3A_85 = arith.mulf %mul3A_84, %div3A_79 : vector<256x64xf32>
    %select_n3A_86 = arith.select %ge3A_82, %div3A_79, %mul3A_85 : vector<256x64xi1>, vector<256x64xf32>
    %dot_general3A_87 = arith.constant dense<0.000000e+00> : vector<256x64xf32>
    %dot_general3A_88 = tpu.matmul %select_n3A_86, %get3A_12, %dot_general3A_87 {dimension_numbers = #tpu.dot_dimension_numbers<[1], [0], [0], [1], [0, 0, 1, 1], [], []>, transpose_lhs_hint = false} : vector<256x64xf32>, vector<64x64xf32>, vector<256x64xf32> -> vector<256x64xf32>
    %max3A_89 = arith.maximumf %max3A_67, %dot_general3A_88 : vector<256x64xf32>
    %get3A_90 = arith.constant 0 : index
    %get3A_91 = arith.constant 3 : index
    %get3A_92 = arith.constant 0 : index
    %get3A_93 = arith.constant 0 : index
    %get3A_94 = vector.load %arg2[%get3A_90, %get3A_91, %get3A_92, %get3A_93] : memref<1x10x256x64xf32, #tpu.memory_space<vmem>>, vector<1x1x256x64xf32>
    %get3A_95 = vector.shape_cast %get3A_94 : vector<1x1x256x64xf32> to vector<256x64xf32>
    %sub3A_96 = arith.subf %get3A_95, %get3A_3 : vector<256x64xf32>
    %mul3A_97 = vector.broadcast %get3A_6 : vector<1x64xf32> to vector<256x64xf32>
    %mul3A_98 = arith.mulf %sub3A_96, %mul3A_97 : vector<256x64xf32>
    %div3A_99 = arith.constant 1.00000501 : f32
    %div3A_100 = vector.broadcast %div3A_99 : f32 to vector<256x64xf32>
    %div3A_101 = arith.divf %mul3A_98, %div3A_100 : vector<256x64xf32>
    %ge3A_102 = arith.constant 0.000000e+00 : f32
    %ge3A_103 = vector.broadcast %ge3A_102 : f32 to vector<256x64xf32>
    %ge3A_104 = arith.cmpf oge, %div3A_101, %ge3A_103 : vector<256x64xf32>
    %mul3A_105 = arith.constant 2.000000e-01 : f32
    %mul3A_106 = vector.broadcast %mul3A_105 : f32 to vector<256x64xf32>
    %mul3A_107 = arith.mulf %mul3A_106, %div3A_101 : vector<256x64xf32>
    %select_n3A_108 = arith.select %ge3A_104, %div3A_101, %mul3A_107 : vector<256x64xi1>, vector<256x64xf32>
    %dot_general3A_109 = arith.constant dense<0.000000e+00> : vector<256x64xf32>
    %dot_general3A_110 = tpu.matmul %select_n3A_108, %get3A_12, %dot_general3A_109 {dimension_numbers = #tpu.dot_dimension_numbers<[1], [0], [0], [1], [0, 0, 1, 1], [], []>, transpose_lhs_hint = false} : vector<256x64xf32>, vector<64x64xf32>, vector<256x64xf32> -> vector<256x64xf32>
    %max3A_111 = arith.maximumf %max3A_89, %dot_general3A_110 : vector<256x64xf32>
    %get3A_112 = arith.constant 0 : index
    %get3A_113 = arith.constant 4 : index
    %get3A_114 = arith.constant 0 : index
    %get3A_115 = arith.constant 0 : index
    %get3A_116 = vector.load %arg2[%get3A_112, %get3A_113, %get3A_114, %get3A_115] : memref<1x10x256x64xf32, #tpu.memory_space<vmem>>, vector<1x1x256x64xf32>
    %get3A_117 = vector.shape_cast %get3A_116 : vector<1x1x256x64xf32> to vector<256x64xf32>
    %sub3A_118 = arith.subf %get3A_117, %get3A_3 : vector<256x64xf32>
    %mul3A_119 = vector.broadcast %get3A_6 : vector<1x64xf32> to vector<256x64xf32>
    %mul3A_120 = arith.mulf %sub3A_118, %mul3A_119 : vector<256x64xf32>
    %div3A_121 = arith.constant 1.00000501 : f32
    %div3A_122 = vector.broadcast %div3A_121 : f32 to vector<256x64xf32>
    %div3A_123 = arith.divf %mul3A_120, %div3A_122 : vector<256x64xf32>
    %ge3A_124 = arith.constant 0.000000e+00 : f32
    %ge3A_125 = vector.broadcast %ge3A_124 : f32 to vector<256x64xf32>
    %ge3A_126 = arith.cmpf oge, %div3A_123, %ge3A_125 : vector<256x64xf32>
    %mul3A_127 = arith.constant 2.000000e-01 : f32
    %mul3A_128 = vector.broadcast %mul3A_127 : f32 to vector<256x64xf32>
    %mul3A_129 = arith.mulf %mul3A_128, %div3A_123 : vector<256x64xf32>
    %select_n3A_130 = arith.select %ge3A_126, %div3A_123, %mul3A_129 : vector<256x64xi1>, vector<256x64xf32>
    %dot_general3A_131 = arith.constant dense<0.000000e+00> : vector<256x64xf32>
    %dot_general3A_132 = tpu.matmul %select_n3A_130, %get3A_12, %dot_general3A_131 {dimension_numbers = #tpu.dot_dimension_numbers<[1], [0], [0], [1], [0, 0, 1, 1], [], []>, transpose_lhs_hint = false} : vector<256x64xf32>, vector<64x64xf32>, vector<256x64xf32> -> vector<256x64xf32>
    %max3A_133 = arith.maximumf %max3A_111, %dot_general3A_132 : vector<256x64xf32>
    %get3A_134 = arith.constant 0 : index
    %get3A_135 = arith.constant 5 : index
    %get3A_136 = arith.constant 0 : index
    %get3A_137 = arith.constant 0 : index
    %get3A_138 = vector.load %arg2[%get3A_134, %get3A_135, %get3A_136, %get3A_137] : memref<1x10x256x64xf32, #tpu.memory_space<vmem>>, vector<1x1x256x64xf32>
    %get3A_139 = vector.shape_cast %get3A_138 : vector<1x1x256x64xf32> to vector<256x64xf32>
    %sub3A_140 = arith.subf %get3A_139, %get3A_3 : vector<256x64xf32>
    %mul3A_141 = vector.broadcast %get3A_6 : vector<1x64xf32> to vector<256x64xf32>
    %mul3A_142 = arith.mulf %sub3A_140, %mul3A_141 : vector<256x64xf32>
    %div3A_143 = arith.constant 1.00000501 : f32
    %div3A_144 = vector.broadcast %div3A_143 : f32 to vector<256x64xf32>
    %div3A_145 = arith.divf %mul3A_142, %div3A_144 : vector<256x64xf32>
    %ge3A_146 = arith.constant 0.000000e+00 : f32
    %ge3A_147 = vector.broadcast %ge3A_146 : f32 to vector<256x64xf32>
    %ge3A_148 = arith.cmpf oge, %div3A_145, %ge3A_147 : vector<256x64xf32>
    %mul3A_149 = arith.constant 2.000000e-01 : f32
    %mul3A_150 = vector.broadcast %mul3A_149 : f32 to vector<256x64xf32>
    %mul3A_151 = arith.mulf %mul3A_150, %div3A_145 : vector<256x64xf32>
    %select_n3A_152 = arith.select %ge3A_148, %div3A_145, %mul3A_151 : vector<256x64xi1>, vector<256x64xf32>
    %dot_general3A_153 = arith.constant dense<0.000000e+00> : vector<256x64xf32>
    %dot_general3A_154 = tpu.matmul %select_n3A_152, %get3A_12, %dot_general3A_153 {dimension_numbers = #tpu.dot_dimension_numbers<[1], [0], [0], [1], [0, 0, 1, 1], [], []>, transpose_lhs_hint = false} : vector<256x64xf32>, vector<64x64xf32>, vector<256x64xf32> -> vector<256x64xf32>
    %max3A_155 = arith.maximumf %max3A_133, %dot_general3A_154 : vector<256x64xf32>
    %get3A_156 = arith.constant 0 : index
    %get3A_157 = arith.constant 6 : index
    %get3A_158 = arith.constant 0 : index
    %get3A_159 = arith.constant 0 : index
    %get3A_160 = vector.load %arg2[%get3A_156, %get3A_157, %get3A_158, %get3A_159] : memref<1x10x256x64xf32, #tpu.memory_space<vmem>>, vector<1x1x256x64xf32>
    %get3A_161 = vector.shape_cast %get3A_160 : vector<1x1x256x64xf32> to vector<256x64xf32>
    %sub3A_162 = arith.subf %get3A_161, %get3A_3 : vector<256x64xf32>
    %mul3A_163 = vector.broadcast %get3A_6 : vector<1x64xf32> to vector<256x64xf32>
    %mul3A_164 = arith.mulf %sub3A_162, %mul3A_163 : vector<256x64xf32>
    %div3A_165 = arith.constant 1.00000501 : f32
    %div3A_166 = vector.broadcast %div3A_165 : f32 to vector<256x64xf32>
    %div3A_167 = arith.divf %mul3A_164, %div3A_166 : vector<256x64xf32>
    %ge3A_168 = arith.constant 0.000000e+00 : f32
    %ge3A_169 = vector.broadcast %ge3A_168 : f32 to vector<256x64xf32>
    %ge3A_170 = arith.cmpf oge, %div3A_167, %ge3A_169 : vector<256x64xf32>
    %mul3A_171 = arith.constant 2.000000e-01 : f32
    %mul3A_172 = vector.broadcast %mul3A_171 : f32 to vector<256x64xf32>
    %mul3A_173 = arith.mulf %mul3A_172, %div3A_167 : vector<256x64xf32>
    %select_n3A_174 = arith.select %ge3A_170, %div3A_167, %mul3A_173 : vector<256x64xi1>, vector<256x64xf32>
    %dot_general3A_175 = arith.constant dense<0.000000e+00> : vector<256x64xf32>
    %dot_general3A_176 = tpu.matmul %select_n3A_174, %get3A_12, %dot_general3A_175 {dimension_numbers = #tpu.dot_dimension_numbers<[1], [0], [0], [1], [0, 0, 1, 1], [], []>, transpose_lhs_hint = false} : vector<256x64xf32>, vector<64x64xf32>, vector<256x64xf32> -> vector<256x64xf32>
    %max3A_177 = arith.maximumf %max3A_155, %dot_general3A_176 : vector<256x64xf32>
    %get3A_178 = arith.constant 0 : index
    %get3A_179 = arith.constant 7 : index
    %get3A_180 = arith.constant 0 : index
    %get3A_181 = arith.constant 0 : index
    %get3A_182 = vector.load %arg2[%get3A_178, %get3A_179, %get3A_180, %get3A_181] : memref<1x10x256x64xf32, #tpu.memory_space<vmem>>, vector<1x1x256x64xf32>
    %get3A_183 = vector.shape_cast %get3A_182 : vector<1x1x256x64xf32> to vector<256x64xf32>
    %sub3A_184 = arith.subf %get3A_183, %get3A_3 : vector<256x64xf32>
    %mul3A_185 = vector.broadcast %get3A_6 : vector<1x64xf32> to vector<256x64xf32>
    %mul3A_186 = arith.mulf %sub3A_184, %mul3A_185 : vector<256x64xf32>
    %div3A_187 = arith.constant 1.00000501 : f32
    %div3A_188 = vector.broadcast %div3A_187 : f32 to vector<256x64xf32>
    %div3A_189 = arith.divf %mul3A_186, %div3A_188 : vector<256x64xf32>
    %ge3A_190 = arith.constant 0.000000e+00 : f32
    %ge3A_191 = vector.broadcast %ge3A_190 : f32 to vector<256x64xf32>
    %ge3A_192 = arith.cmpf oge, %div3A_189, %ge3A_191 : vector<256x64xf32>
    %mul3A_193 = arith.constant 2.000000e-01 : f32
    %mul3A_194 = vector.broadcast %mul3A_193 : f32 to vector<256x64xf32>
    %mul3A_195 = arith.mulf %mul3A_194, %div3A_189 : vector<256x64xf32>
    %select_n3A_196 = arith.select %ge3A_192, %div3A_189, %mul3A_195 : vector<256x64xi1>, vector<256x64xf32>
    %dot_general3A_197 = arith.constant dense<0.000000e+00> : vector<256x64xf32>
    %dot_general3A_198 = tpu.matmul %select_n3A_196, %get3A_12, %dot_general3A_197 {dimension_numbers = #tpu.dot_dimension_numbers<[1], [0], [0], [1], [0, 0, 1, 1], [], []>, transpose_lhs_hint = false} : vector<256x64xf32>, vector<64x64xf32>, vector<256x64xf32> -> vector<256x64xf32>
    %max3A_199 = arith.maximumf %max3A_177, %dot_general3A_198 : vector<256x64xf32>
    %get3A_200 = arith.constant 0 : index
    %get3A_201 = arith.constant 8 : index
    %get3A_202 = arith.constant 0 : index
    %get3A_203 = arith.constant 0 : index
    %get3A_204 = vector.load %arg2[%get3A_200, %get3A_201, %get3A_202, %get3A_203] : memref<1x10x256x64xf32, #tpu.memory_space<vmem>>, vector<1x1x256x64xf32>
    %get3A_205 = vector.shape_cast %get3A_204 : vector<1x1x256x64xf32> to vector<256x64xf32>
    %sub3A_206 = arith.subf %get3A_205, %get3A_3 : vector<256x64xf32>
    %mul3A_207 = vector.broadcast %get3A_6 : vector<1x64xf32> to vector<256x64xf32>
    %mul3A_208 = arith.mulf %sub3A_206, %mul3A_207 : vector<256x64xf32>
    %div3A_209 = arith.constant 1.00000501 : f32
    %div3A_210 = vector.broadcast %div3A_209 : f32 to vector<256x64xf32>
    %div3A_211 = arith.divf %mul3A_208, %div3A_210 : vector<256x64xf32>
    %ge3A_212 = arith.constant 0.000000e+00 : f32
    %ge3A_213 = vector.broadcast %ge3A_212 : f32 to vector<256x64xf32>
    %ge3A_214 = arith.cmpf oge, %div3A_211, %ge3A_213 : vector<256x64xf32>
    %mul3A_215 = arith.constant 2.000000e-01 : f32
    %mul3A_216 = vector.broadcast %mul3A_215 : f32 to vector<256x64xf32>
    %mul3A_217 = arith.mulf %mul3A_216, %div3A_211 : vector<256x64xf32>
    %select_n3A_218 = arith.select %ge3A_214, %div3A_211, %mul3A_217 : vector<256x64xi1>, vector<256x64xf32>
    %dot_general3A_219 = arith.constant dense<0.000000e+00> : vector<256x64xf32>
    %dot_general3A_220 = tpu.matmul %select_n3A_218, %get3A_12, %dot_general3A_219 {dimension_numbers = #tpu.dot_dimension_numbers<[1], [0], [0], [1], [0, 0, 1, 1], [], []>, transpose_lhs_hint = false} : vector<256x64xf32>, vector<64x64xf32>, vector<256x64xf32> -> vector<256x64xf32>
    %max3A_221 = arith.maximumf %max3A_199, %dot_general3A_220 : vector<256x64xf32>
    %get3A_222 = arith.constant 0 : index
    %get3A_223 = arith.constant 9 : index
    %get3A_224 = arith.constant 0 : index
    %get3A_225 = arith.constant 0 : index
    %get3A_226 = vector.load %arg2[%get3A_222, %get3A_223, %get3A_224, %get3A_225] : memref<1x10x256x64xf32, #tpu.memory_space<vmem>>, vector<1x1x256x64xf32>
    %get3A_227 = vector.shape_cast %get3A_226 : vector<1x1x256x64xf32> to vector<256x64xf32>
    %sub3A_228 = arith.subf %get3A_227, %get3A_3 : vector<256x64xf32>
    %mul3A_229 = vector.broadcast %get3A_6 : vector<1x64xf32> to vector<256x64xf32>
    %mul3A_230 = arith.mulf %sub3A_228, %mul3A_229 : vector<256x64xf32>
    %div3A_231 = arith.constant 1.00000501 : f32
    %div3A_232 = vector.broadcast %div3A_231 : f32 to vector<256x64xf32>
    %div3A_233 = arith.divf %mul3A_230, %div3A_232 : vector<256x64xf32>
    %ge3A_234 = arith.constant 0.000000e+00 : f32
    %ge3A_235 = vector.broadcast %ge3A_234 : f32 to vector<256x64xf32>
    %ge3A_236 = arith.cmpf oge, %div3A_233, %ge3A_235 : vector<256x64xf32>
    %mul3A_237 = arith.constant 2.000000e-01 : f32
    %mul3A_238 = vector.broadcast %mul3A_237 : f32 to vector<256x64xf32>
    %mul3A_239 = arith.mulf %mul3A_238, %div3A_233 : vector<256x64xf32>
    %select_n3A_240 = arith.select %ge3A_236, %div3A_233, %mul3A_239 : vector<256x64xi1>, vector<256x64xf32>
    %dot_general3A_241 = arith.constant dense<0.000000e+00> : vector<256x64xf32>
    %dot_general3A_242 = tpu.matmul %select_n3A_240, %get3A_12, %dot_general3A_241 {dimension_numbers = #tpu.dot_dimension_numbers<[1], [0], [0], [1], [0, 0, 1, 1], [], []>, transpose_lhs_hint = false} : vector<256x64xf32>, vector<64x64xf32>, vector<256x64xf32> -> vector<256x64xf32>
    %max3A_243 = arith.maximumf %max3A_221, %dot_general3A_242 : vector<256x64xf32>
    %add3A = arith.addf %max3A_243, %dot_general3A_24 : vector<256x64xf32>
    %swap3A = arith.constant 0 : index
    %swap3A_244 = arith.constant 0 : index
    %swap3A_245 = arith.constant 0 : index
    %swap3A_246 = vector.load %arg8[%swap3A, %swap3A_244, %swap3A_245] : memref<1x256x64xf32, #tpu.memory_space<vmem>>, vector<1x256x64xf32>
    %swap3A_247 = vector.shape_cast %swap3A_246 : vector<1x256x64xf32> to vector<256x64xf32>
    %swap3A_248 = vector.shape_cast %add3A : vector<256x64xf32> to vector<1x256x64xf32>
    tpu.vector_store %arg8[%swap3A, %swap3A_244, %swap3A_245], %swap3A_248 {strides = array<i32>} : memref<1x256x64xf32, #tpu.memory_space<vmem>>, vector<1x256x64xf32>,
    return
  }
  func.func @transform_0(%arg0: i32, %arg1: i32) -> (i32, i32, i32, i32) {
    %c0_i32 = arith.constant 0 : i32
    %c0_i32_0 = arith.constant 0 : i32
    %c0_i32_1 = arith.constant 0 : i32
    return %arg0, %c0_i32, %arg1, %c0_i32_0 : i32, i32, i32, i32
  }
  func.func @transform_1(%arg0: i32, %arg1: i32) -> (i32, i32, i32) {
    %c0_i32 = arith.constant 0 : i32
    %c0_i32_0 = arith.constant 0 : i32
    return %arg0, %arg1, %c0_i32 : i32, i32, i32
  }
  func.func @transform_2(%arg0: i32, %arg1: i32) -> (i32, i32) {
    %c0_i32 = arith.constant 0 : i32
    %c0_i32_0 = arith.constant 0 : i32
    %c0_i32_1 = arith.constant 0 : i32
    return %c0_i32, %c0_i32_0 : i32, i32
  }
  func.func @transform_3(%arg0: i32, %arg1: i32) -> (i32, i32) {
    %c0_i32 = arith.constant 0 : i32
    %c0_i32_0 = arith.constant 0 : i32
    %c0_i32_1 = arith.constant 0 : i32
    return %c0_i32, %c0_i32_0 : i32, i32
  }
  func.func @transform_4(%arg0: i32, %arg1: i32) -> (i32, i32) {
    %c0_i32 = arith.constant 0 : i32
    %c0_i32_0 = arith.constant 0 : i32
    %c0_i32_1 = arith.constant 0 : i32
    return %c0_i32, %c0_i32_0 : i32, i32
  }
  func.func @transform_5(%arg0: i32, %arg1: i32) -> (i32, i32) {
    %c0_i32 = arith.constant 0 : i32
    %c0_i32_0 = arith.constant 0 : i32
    %c0_i32_1 = arith.constant 0 : i32
    return %c0_i32, %c0_i32_0 : i32, i32
  }
  func.func @transform_6(%arg0: i32, %arg1: i32) -> (i32, i32, i32) {
    %c0_i32 = arith.constant 0 : i32
    %c0_i32_0 = arith.constant 0 : i32
    return %arg0, %arg1, %c0_i32 : i32, i32, i32
  }
}

module attributes {stable_mosaic.version = 14 : i64} {
  func.func @_conv_body(%arg0: i32, %arg1: i32, %arg2: memref<1x10x256x64xf32, #tpu.memory_space<vmem>>, %arg3: memref<1x256x64xf32, #tpu.memory_space<vmem>>, %arg4: memref<1x64xf32, #tpu.memory_space<vmem>>, %arg5: memref<1x64xf32, #tpu.memory_space<vmem>>, %arg6: memref<64x128xf32, #tpu.memory_space<vmem>>, %arg7: memref<64x128xf32, #tpu.memory_space<vmem>>, %arg8: memref<1x256x128xf32, #tpu.memory_space<vmem>>) attributes {dimension_semantics = [#tpu.dimension_semantics<arbitrary>, #tpu.dimension_semantics<arbitrary>], iteration_bounds = array<i64: 16, 4>, scalar_prefetch = 0 : i64, scratch_operands = 0 : i64, tpu.core_type = #tpu.core_type<tc>, window_params = [{transform_indices = @transform_0, window_bounds = array<i64: 1, 10, 256, 64>}, {transform_indices = @transform_1, window_bounds = array<i64: 1, 256, 64>}, {pipeline_mode = #tpu.pipeline_mode<synchronous>, transform_indices = @transform_2, window_bounds = array<i64: 1, 64>}, {pipeline_mode = #tpu.pipeline_mode<synchronous>, transform_indices = @transform_3, window_bounds = array<i64: 1, 64>}, {pipeline_mode = #tpu.pipeline_mode<synchronous>, transform_indices = @transform_4, window_bounds = array<i64: 64, 128>}, {pipeline_mode = #tpu.pipeline_mode<synchronous>, transform_indices = @transform_5, window_bounds = array<i64: 64, 128>}, {transform_indices = @transform_6, window_bounds = array<i64: 1, 256, 128>}]} {
    %get3A = arith.constant 0 : index
    %get3A_0 = arith.constant 0 : index
    %get3A_1 = arith.constant 0 : index
    %get3A_2 = vector.load %arg3[%get3A, %get3A_0, %get3A_1] : memref<1x256x64xf32, #tpu.memory_space<vmem>>, vector<1x256x64xf32>
    %get3A_3 = vector.shape_cast %get3A_2 : vector<1x256x64xf32> to vector<256x64xf32>
    %get3A_4 = arith.constant 0 : index
    %get3A_5 = arith.constant 0 : index
    %get3A_6 = vector.load %arg4[%get3A_4, %get3A_5] : memref<1x64xf32, #tpu.memory_space<vmem>>, vector<1x64xf32>
    %get3A_7 = arith.constant 0 : index
    %get3A_8 = arith.constant 0 : index
    %get3A_9 = vector.load %arg5[%get3A_7, %get3A_8] : memref<1x64xf32, #tpu.memory_space<vmem>>, vector<1x64xf32>
    %get3A_10 = arith.constant 0 : index
    %get3A_11 = arith.constant 0 : index
    %get3A_12 = vector.load %arg6[%get3A_10, %get3A_11] : memref<64x128xf32, #tpu.memory_space<vmem>>, vector<64x128xf32>
    %get3A_13 = arith.constant 0 : index
    %get3A_14 = arith.constant 0 : index
    %get3A_15 = vector.load %arg7[%get3A_13, %get3A_14] : memref<64x128xf32, #tpu.memory_space<vmem>>, vector<64x128xf32>
    %mul3A = vector.broadcast %get3A_9 : vector<1x64xf32> to vector<256x64xf32>
    %mul3A_16 = arith.mulf %get3A_3, %mul3A : vector<256x64xf32>
    %div3A = arith.constant 1.00000501 : f32
    %div3A_17 = vector.broadcast %div3A : f32 to vector<256x64xf32>
    %div3A_18 = arith.divf %mul3A_16, %div3A_17 : vector<256x64xf32>
    %ge3A = arith.constant 0.000000e+00 : f32
    %ge3A_19 = vector.broadcast %ge3A : f32 to vector<256x64xf32>
    %ge3A_20 = arith.cmpf oge, %div3A_18, %ge3A_19 : vector<256x64xf32>
    %mul3A_21 = arith.constant 2.000000e-01 : f32
    %mul3A_22 = vector.broadcast %mul3A_21 : f32 to vector<256x64xf32>
    %mul3A_23 = arith.mulf %mul3A_22, %div3A_18 : vector<256x64xf32>
    %select_n3A = arith.select %ge3A_20, %div3A_18, %mul3A_23 : vector<256x64xi1>, vector<256x64xf32>
    %dot_general3A = arith.constant dense<0.000000e+00> : vector<256x128xf32>
    %dot_general3A_24 = tpu.matmul %select_n3A, %get3A_15, %dot_general3A {dimension_numbers = #tpu.dot_dimension_numbers<[1], [0], [0], [1], [0, 0, 1, 1], [], []>, transpose_lhs_hint = false} : vector<256x64xf32>, vector<64x128xf32>, vector<256x128xf32> -> vector<256x128xf32>
    %broadcast_in_dim3A = arith.constant 0xFF800000 : f32
    %broadcast_in_dim3A_25 = vector.broadcast %broadcast_in_dim3A : f32 to vector<256x128xf32>
    %get3A_26 = arith.constant 0 : index
    %get3A_27 = arith.constant 0 : index
    %get3A_28 = arith.constant 0 : index
    %get3A_29 = arith.constant 0 : index
    %get3A_30 = vector.load %arg2[%get3A_26, %get3A_27, %get3A_28, %get3A_29] : memref<1x10x256x64xf32, #tpu.memory_space<vmem>>, vector<1x1x256x64xf32>
    %get3A_31 = vector.shape_cast %get3A_30 : vector<1x1x256x64xf32> to vector<256x64xf32>
    %sub3A = arith.subf %get3A_31, %get3A_3 : vector<256x64xf32>
    %mul3A_32 = vector.broadcast %get3A_6 : vector<1x64xf32> to vector<256x64xf32>
    %mul3A_33 = arith.mulf %sub3A, %mul3A_32 : vector<256x64xf32>
    %div3A_34 = arith.constant 1.00000501 : f32
    %div3A_35 = vector.broadcast %div3A_34 : f32 to vector<256x64xf32>
    %div3A_36 = arith.divf %mul3A_33, %div3A_35 : vector<256x64xf32>
    %ge3A_37 = arith.constant 0.000000e+00 : f32
    %ge3A_38 = vector.broadcast %ge3A_37 : f32 to vector<256x64xf32>
    %ge3A_39 = arith.cmpf oge, %div3A_36, %ge3A_38 : vector<256x64xf32>
    %mul3A_40 = arith.constant 2.000000e-01 : f32
    %mul3A_41 = vector.broadcast %mul3A_40 : f32 to vector<256x64xf32>
    %mul3A_42 = arith.mulf %mul3A_41, %div3A_36 : vector<256x64xf32>
    %select_n3A_43 = arith.select %ge3A_39, %div3A_36, %mul3A_42 : vector<256x64xi1>, vector<256x64xf32>
    %dot_general3A_44 = arith.constant dense<0.000000e+00> : vector<256x128xf32>
    %dot_general3A_45 = tpu.matmul %select_n3A_43, %get3A_12, %dot_general3A_44 {dimension_numbers = #tpu.dot_dimension_numbers<[1], [0], [0], [1], [0, 0, 1, 1], [], []>, transpose_lhs_hint = false} : vector<256x64xf32>, vector<64x128xf32>, vector<256x128xf32> -> vector<256x128xf32>
    %max3A = arith.maximumf %broadcast_in_dim3A_25, %dot_general3A_45 : vector<256x128xf32>
    %get3A_46 = arith.constant 0 : index
    %get3A_47 = arith.constant 1 : index
    %get3A_48 = arith.constant 0 : index
    %get3A_49 = arith.constant 0 : index
    %get3A_50 = vector.load %arg2[%get3A_46, %get3A_47, %get3A_48, %get3A_49] : memref<1x10x256x64xf32, #tpu.memory_space<vmem>>, vector<1x1x256x64xf32>
    %get3A_51 = vector.shape_cast %get3A_50 : vector<1x1x256x64xf32> to vector<256x64xf32>
    %sub3A_52 = arith.subf %get3A_51, %get3A_3 : vector<256x64xf32>
    %mul3A_53 = vector.broadcast %get3A_6 : vector<1x64xf32> to vector<256x64xf32>
    %mul3A_54 = arith.mulf %sub3A_52, %mul3A_53 : vector<256x64xf32>
    %div3A_55 = arith.constant 1.00000501 : f32
    %div3A_56 = vector.broadcast %div3A_55 : f32 to vector<256x64xf32>
    %div3A_57 = arith.divf %mul3A_54, %div3A_56 : vector<256x64xf32>
    %ge3A_58 = arith.constant 0.000000e+00 : f32
    %ge3A_59 = vector.broadcast %ge3A_58 : f32 to vector<256x64xf32>
    %ge3A_60 = arith.cmpf oge, %div3A_57, %ge3A_59 : vector<256x64xf32>
    %mul3A_61 = arith.constant 2.000000e-01 : f32
    %mul3A_62 = vector.broadcast %mul3A_61 : f32 to vector<256x64xf32>
    %mul3A_63 = arith.mulf %mul3A_62, %div3A_57 : vector<256x64xf32>
    %select_n3A_64 = arith.select %ge3A_60, %div3A_57, %mul3A_63 : vector<256x64xi1>, vector<256x64xf32>
    %dot_general3A_65 = arith.constant dense<0.000000e+00> : vector<256x128xf32>
    %dot_general3A_66 = tpu.matmul %select_n3A_64, %get3A_12, %dot_general3A_65 {dimension_numbers = #tpu.dot_dimension_numbers<[1], [0], [0], [1], [0, 0, 1, 1], [], []>, transpose_lhs_hint = false} : vector<256x64xf32>, vector<64x128xf32>, vector<256x128xf32> -> vector<256x128xf32>
    %max3A_67 = arith.maximumf %max3A, %dot_general3A_66 : vector<256x128xf32>
    %get3A_68 = arith.constant 0 : index
    %get3A_69 = arith.constant 2 : index
    %get3A_70 = arith.constant 0 : index
    %get3A_71 = arith.constant 0 : index
    %get3A_72 = vector.load %arg2[%get3A_68, %get3A_69, %get3A_70, %get3A_71] : memref<1x10x256x64xf32, #tpu.memory_space<vmem>>, vector<1x1x256x64xf32>
    %get3A_73 = vector.shape_cast %get3A_72 : vector<1x1x256x64xf32> to vector<256x64xf32>
    %sub3A_74 = arith.subf %get3A_73, %get3A_3 : vector<256x64xf32>
    %mul3A_75 = vector.broadcast %get3A_6 : vector<1x64xf32> to vector<256x64xf32>
    %mul3A_76 = arith.mulf %sub3A_74, %mul3A_75 : vector<256x64xf32>
    %div3A_77 = arith.constant 1.00000501 : f32
    %div3A_78 = vector.broadcast %div3A_77 : f32 to vector<256x64xf32>
    %div3A_79 = arith.divf %mul3A_76, %div3A_78 : vector<256x64xf32>
    %ge3A_80 = arith.constant 0.000000e+00 : f32
    %ge3A_81 = vector.broadcast %ge3A_80 : f32 to vector<256x64xf32>
    %ge3A_82 = arith.cmpf oge, %div3A_79, %ge3A_81 : vector<256x64xf32>
    %mul3A_83 = arith.constant 2.000000e-01 : f32
    %mul3A_84 = vector.broadcast %mul3A_83 : f32 to vector<256x64xf32>
    %mul3A_85 = arith.mulf %mul3A_84, %div3A_79 : vector<256x64xf32>
    %select_n3A_86 = arith.select %ge3A_82, %div3A_79, %mul3A_85 : vector<256x64xi1>, vector<256x64xf32>
    %dot_general3A_87 = arith.constant dense<0.000000e+00> : vector<256x128xf32>
    %dot_general3A_88 = tpu.matmul %select_n3A_86, %get3A_12, %dot_general3A_87 {dimension_numbers = #tpu.dot_dimension_numbers<[1], [0], [0], [1], [0, 0, 1, 1], [], []>, transpose_lhs_hint = false} : vector<256x64xf32>, vector<64x128xf32>, vector<256x128xf32> -> vector<256x128xf32>
    %max3A_89 = arith.maximumf %max3A_67, %dot_general3A_88 : vector<256x128xf32>
    %get3A_90 = arith.constant 0 : index
    %get3A_91 = arith.constant 3 : index
    %get3A_92 = arith.constant 0 : index
    %get3A_93 = arith.constant 0 : index
    %get3A_94 = vector.load %arg2[%get3A_90, %get3A_91, %get3A_92, %get3A_93] : memref<1x10x256x64xf32, #tpu.memory_space<vmem>>, vector<1x1x256x64xf32>
    %get3A_95 = vector.shape_cast %get3A_94 : vector<1x1x256x64xf32> to vector<256x64xf32>
    %sub3A_96 = arith.subf %get3A_95, %get3A_3 : vector<256x64xf32>
    %mul3A_97 = vector.broadcast %get3A_6 : vector<1x64xf32> to vector<256x64xf32>
    %mul3A_98 = arith.mulf %sub3A_96, %mul3A_97 : vector<256x64xf32>
    %div3A_99 = arith.constant 1.00000501 : f32
    %div3A_100 = vector.broadcast %div3A_99 : f32 to vector<256x64xf32>
    %div3A_101 = arith.divf %mul3A_98, %div3A_100 : vector<256x64xf32>
    %ge3A_102 = arith.constant 0.000000e+00 : f32
    %ge3A_103 = vector.broadcast %ge3A_102 : f32 to vector<256x64xf32>
    %ge3A_104 = arith.cmpf oge, %div3A_101, %ge3A_103 : vector<256x64xf32>
    %mul3A_105 = arith.constant 2.000000e-01 : f32
    %mul3A_106 = vector.broadcast %mul3A_105 : f32 to vector<256x64xf32>
    %mul3A_107 = arith.mulf %mul3A_106, %div3A_101 : vector<256x64xf32>
    %select_n3A_108 = arith.select %ge3A_104, %div3A_101, %mul3A_107 : vector<256x64xi1>, vector<256x64xf32>
    %dot_general3A_109 = arith.constant dense<0.000000e+00> : vector<256x128xf32>
    %dot_general3A_110 = tpu.matmul %select_n3A_108, %get3A_12, %dot_general3A_109 {dimension_numbers = #tpu.dot_dimension_numbers<[1], [0], [0], [1], [0, 0, 1, 1], [], []>, transpose_lhs_hint = false} : vector<256x64xf32>, vector<64x128xf32>, vector<256x128xf32> -> vector<256x128xf32>
    %max3A_111 = arith.maximumf %max3A_89, %dot_general3A_110 : vector<256x128xf32>
    %get3A_112 = arith.constant 0 : index
    %get3A_113 = arith.constant 4 : index
    %get3A_114 = arith.constant 0 : index
    %get3A_115 = arith.constant 0 : index
    %get3A_116 = vector.load %arg2[%get3A_112, %get3A_113, %get3A_114, %get3A_115] : memref<1x10x256x64xf32, #tpu.memory_space<vmem>>, vector<1x1x256x64xf32>
    %get3A_117 = vector.shape_cast %get3A_116 : vector<1x1x256x64xf32> to vector<256x64xf32>
    %sub3A_118 = arith.subf %get3A_117, %get3A_3 : vector<256x64xf32>
    %mul3A_119 = vector.broadcast %get3A_6 : vector<1x64xf32> to vector<256x64xf32>
    %mul3A_120 = arith.mulf %sub3A_118, %mul3A_119 : vector<256x64xf32>
    %div3A_121 = arith.constant 1.00000501 : f32
    %div3A_122 = vector.broadcast %div3A_121 : f32 to vector<256x64xf32>
    %div3A_123 = arith.divf %mul3A_120, %div3A_122 : vector<256x64xf32>
    %ge3A_124 = arith.constant 0.000000e+00 : f32
    %ge3A_125 = vector.broadcast %ge3A_124 : f32 to vector<256x64xf32>
    %ge3A_126 = arith.cmpf oge, %div3A_123, %ge3A_125 : vector<256x64xf32>
    %mul3A_127 = arith.constant 2.000000e-01 : f32
    %mul3A_128 = vector.broadcast %mul3A_127 : f32 to vector<256x64xf32>
    %mul3A_129 = arith.mulf %mul3A_128, %div3A_123 : vector<256x64xf32>
    %select_n3A_130 = arith.select %ge3A_126, %div3A_123, %mul3A_129 : vector<256x64xi1>, vector<256x64xf32>
    %dot_general3A_131 = arith.constant dense<0.000000e+00> : vector<256x128xf32>
    %dot_general3A_132 = tpu.matmul %select_n3A_130, %get3A_12, %dot_general3A_131 {dimension_numbers = #tpu.dot_dimension_numbers<[1], [0], [0], [1], [0, 0, 1, 1], [], []>, transpose_lhs_hint = false} : vector<256x64xf32>, vector<64x128xf32>, vector<256x128xf32> -> vector<256x128xf32>
    %max3A_133 = arith.maximumf %max3A_111, %dot_general3A_132 : vector<256x128xf32>
    %get3A_134 = arith.constant 0 : index
    %get3A_135 = arith.constant 5 : index
    %get3A_136 = arith.constant 0 : index
    %get3A_137 = arith.constant 0 : index
    %get3A_138 = vector.load %arg2[%get3A_134, %get3A_135, %get3A_136, %get3A_137] : memref<1x10x256x64xf32, #tpu.memory_space<vmem>>, vector<1x1x256x64xf32>
    %get3A_139 = vector.shape_cast %get3A_138 : vector<1x1x256x64xf32> to vector<256x64xf32>
    %sub3A_140 = arith.subf %get3A_139, %get3A_3 : vector<256x64xf32>
    %mul3A_141 = vector.broadcast %get3A_6 : vector<1x64xf32> to vector<256x64xf32>
    %mul3A_142 = arith.mulf %sub3A_140, %mul3A_141 : vector<256x64xf32>
    %div3A_143 = arith.constant 1.00000501 : f32
    %div3A_144 = vector.broadcast %div3A_143 : f32 to vector<256x64xf32>
    %div3A_145 = arith.divf %mul3A_142, %div3A_144 : vector<256x64xf32>
    %ge3A_146 = arith.constant 0.000000e+00 : f32
    %ge3A_147 = vector.broadcast %ge3A_146 : f32 to vector<256x64xf32>
    %ge3A_148 = arith.cmpf oge, %div3A_145, %ge3A_147 : vector<256x64xf32>
    %mul3A_149 = arith.constant 2.000000e-01 : f32
    %mul3A_150 = vector.broadcast %mul3A_149 : f32 to vector<256x64xf32>
    %mul3A_151 = arith.mulf %mul3A_150, %div3A_145 : vector<256x64xf32>
    %select_n3A_152 = arith.select %ge3A_148, %div3A_145, %mul3A_151 : vector<256x64xi1>, vector<256x64xf32>
    %dot_general3A_153 = arith.constant dense<0.000000e+00> : vector<256x128xf32>
    %dot_general3A_154 = tpu.matmul %select_n3A_152, %get3A_12, %dot_general3A_153 {dimension_numbers = #tpu.dot_dimension_numbers<[1], [0], [0], [1], [0, 0, 1, 1], [], []>, transpose_lhs_hint = false} : vector<256x64xf32>, vector<64x128xf32>, vector<256x128xf32> -> vector<256x128xf32>
    %max3A_155 = arith.maximumf %max3A_133, %dot_general3A_154 : vector<256x128xf32>
    %get3A_156 = arith.constant 0 : index
    %get3A_157 = arith.constant 6 : index
    %get3A_158 = arith.constant 0 : index
    %get3A_159 = arith.constant 0 : index
    %get3A_160 = vector.load %arg2[%get3A_156, %get3A_157, %get3A_158, %get3A_159] : memref<1x10x256x64xf32, #tpu.memory_space<vmem>>, vector<1x1x256x64xf32>
    %get3A_161 = vector.shape_cast %get3A_160 : vector<1x1x256x64xf32> to vector<256x64xf32>
    %sub3A_162 = arith.subf %get3A_161, %get3A_3 : vector<256x64xf32>
    %mul3A_163 = vector.broadcast %get3A_6 : vector<1x64xf32> to vector<256x64xf32>
    %mul3A_164 = arith.mulf %sub3A_162, %mul3A_163 : vector<256x64xf32>
    %div3A_165 = arith.constant 1.00000501 : f32
    %div3A_166 = vector.broadcast %div3A_165 : f32 to vector<256x64xf32>
    %div3A_167 = arith.divf %mul3A_164, %div3A_166 : vector<256x64xf32>
    %ge3A_168 = arith.constant 0.000000e+00 : f32
    %ge3A_169 = vector.broadcast %ge3A_168 : f32 to vector<256x64xf32>
    %ge3A_170 = arith.cmpf oge, %div3A_167, %ge3A_169 : vector<256x64xf32>
    %mul3A_171 = arith.constant 2.000000e-01 : f32
    %mul3A_172 = vector.broadcast %mul3A_171 : f32 to vector<256x64xf32>
    %mul3A_173 = arith.mulf %mul3A_172, %div3A_167 : vector<256x64xf32>
    %select_n3A_174 = arith.select %ge3A_170, %div3A_167, %mul3A_173 : vector<256x64xi1>, vector<256x64xf32>
    %dot_general3A_175 = arith.constant dense<0.000000e+00> : vector<256x128xf32>
    %dot_general3A_176 = tpu.matmul %select_n3A_174, %get3A_12, %dot_general3A_175 {dimension_numbers = #tpu.dot_dimension_numbers<[1], [0], [0], [1], [0, 0, 1, 1], [], []>, transpose_lhs_hint = false} : vector<256x64xf32>, vector<64x128xf32>, vector<256x128xf32> -> vector<256x128xf32>
    %max3A_177 = arith.maximumf %max3A_155, %dot_general3A_176 : vector<256x128xf32>
    %get3A_178 = arith.constant 0 : index
    %get3A_179 = arith.constant 7 : index
    %get3A_180 = arith.constant 0 : index
    %get3A_181 = arith.constant 0 : index
    %get3A_182 = vector.load %arg2[%get3A_178, %get3A_179, %get3A_180, %get3A_181] : memref<1x10x256x64xf32, #tpu.memory_space<vmem>>, vector<1x1x256x64xf32>
    %get3A_183 = vector.shape_cast %get3A_182 : vector<1x1x256x64xf32> to vector<256x64xf32>
    %sub3A_184 = arith.subf %get3A_183, %get3A_3 : vector<256x64xf32>
    %mul3A_185 = vector.broadcast %get3A_6 : vector<1x64xf32> to vector<256x64xf32>
    %mul3A_186 = arith.mulf %sub3A_184, %mul3A_185 : vector<256x64xf32>
    %div3A_187 = arith.constant 1.00000501 : f32
    %div3A_188 = vector.broadcast %div3A_187 : f32 to vector<256x64xf32>
    %div3A_189 = arith.divf %mul3A_186, %div3A_188 : vector<256x64xf32>
    %ge3A_190 = arith.constant 0.000000e+00 : f32
    %ge3A_191 = vector.broadcast %ge3A_190 : f32 to vector<256x64xf32>
    %ge3A_192 = arith.cmpf oge, %div3A_189, %ge3A_191 : vector<256x64xf32>
    %mul3A_193 = arith.constant 2.000000e-01 : f32
    %mul3A_194 = vector.broadcast %mul3A_193 : f32 to vector<256x64xf32>
    %mul3A_195 = arith.mulf %mul3A_194, %div3A_189 : vector<256x64xf32>
    %select_n3A_196 = arith.select %ge3A_192, %div3A_189, %mul3A_195 : vector<256x64xi1>, vector<256x64xf32>
    %dot_general3A_197 = arith.constant dense<0.000000e+00> : vector<256x128xf32>
    %dot_general3A_198 = tpu.matmul %select_n3A_196, %get3A_12, %dot_general3A_197 {dimension_numbers = #tpu.dot_dimension_numbers<[1], [0], [0], [1], [0, 0, 1, 1], [], []>, transpose_lhs_hint = false} : vector<256x64xf32>, vector<64x128xf32>, vector<256x128xf32> -> vector<256x128xf32>
    %max3A_199 = arith.maximumf %max3A_177, %dot_general3A_198 : vector<256x128xf32>
    %get3A_200 = arith.constant 0 : index
    %get3A_201 = arith.constant 8 : index
    %get3A_202 = arith.constant 0 : index
    %get3A_203 = arith.constant 0 : index
    %get3A_204 = vector.load %arg2[%get3A_200, %get3A_201, %get3A_202, %get3A_203] : memref<1x10x256x64xf32, #tpu.memory_space<vmem>>, vector<1x1x256x64xf32>
    %get3A_205 = vector.shape_cast %get3A_204 : vector<1x1x256x64xf32> to vector<256x64xf32>
    %sub3A_206 = arith.subf %get3A_205, %get3A_3 : vector<256x64xf32>
    %mul3A_207 = vector.broadcast %get3A_6 : vector<1x64xf32> to vector<256x64xf32>
    %mul3A_208 = arith.mulf %sub3A_206, %mul3A_207 : vector<256x64xf32>
    %div3A_209 = arith.constant 1.00000501 : f32
    %div3A_210 = vector.broadcast %div3A_209 : f32 to vector<256x64xf32>
    %div3A_211 = arith.divf %mul3A_208, %div3A_210 : vector<256x64xf32>
    %ge3A_212 = arith.constant 0.000000e+00 : f32
    %ge3A_213 = vector.broadcast %ge3A_212 : f32 to vector<256x64xf32>
    %ge3A_214 = arith.cmpf oge, %div3A_211, %ge3A_213 : vector<256x64xf32>
    %mul3A_215 = arith.constant 2.000000e-01 : f32
    %mul3A_216 = vector.broadcast %mul3A_215 : f32 to vector<256x64xf32>
    %mul3A_217 = arith.mulf %mul3A_216, %div3A_211 : vector<256x64xf32>
    %select_n3A_218 = arith.select %ge3A_214, %div3A_211, %mul3A_217 : vector<256x64xi1>, vector<256x64xf32>
    %dot_general3A_219 = arith.constant dense<0.000000e+00> : vector<256x128xf32>
    %dot_general3A_220 = tpu.matmul %select_n3A_218, %get3A_12, %dot_general3A_219 {dimension_numbers = #tpu.dot_dimension_numbers<[1], [0], [0], [1], [0, 0, 1, 1], [], []>, transpose_lhs_hint = false} : vector<256x64xf32>, vector<64x128xf32>, vector<256x128xf32> -> vector<256x128xf32>
    %max3A_221 = arith.maximumf %max3A_199, %dot_general3A_220 : vector<256x128xf32>
    %get3A_222 = arith.constant 0 : index
    %get3A_223 = arith.constant 9 : index
    %get3A_224 = arith.constant 0 : index
    %get3A_225 = arith.constant 0 : index
    %get3A_226 = vector.load %arg2[%get3A_222, %get3A_223, %get3A_224, %get3A_225] : memref<1x10x256x64xf32, #tpu.memory_space<vmem>>, vector<1x1x256x64xf32>
    %get3A_227 = vector.shape_cast %get3A_226 : vector<1x1x256x64xf32> to vector<256x64xf32>
    %sub3A_228 = arith.subf %get3A_227, %get3A_3 : vector<256x64xf32>
    %mul3A_229 = vector.broadcast %get3A_6 : vector<1x64xf32> to vector<256x64xf32>
    %mul3A_230 = arith.mulf %sub3A_228, %mul3A_229 : vector<256x64xf32>
    %div3A_231 = arith.constant 1.00000501 : f32
    %div3A_232 = vector.broadcast %div3A_231 : f32 to vector<256x64xf32>
    %div3A_233 = arith.divf %mul3A_230, %div3A_232 : vector<256x64xf32>
    %ge3A_234 = arith.constant 0.000000e+00 : f32
    %ge3A_235 = vector.broadcast %ge3A_234 : f32 to vector<256x64xf32>
    %ge3A_236 = arith.cmpf oge, %div3A_233, %ge3A_235 : vector<256x64xf32>
    %mul3A_237 = arith.constant 2.000000e-01 : f32
    %mul3A_238 = vector.broadcast %mul3A_237 : f32 to vector<256x64xf32>
    %mul3A_239 = arith.mulf %mul3A_238, %div3A_233 : vector<256x64xf32>
    %select_n3A_240 = arith.select %ge3A_236, %div3A_233, %mul3A_239 : vector<256x64xi1>, vector<256x64xf32>
    %dot_general3A_241 = arith.constant dense<0.000000e+00> : vector<256x128xf32>
    %dot_general3A_242 = tpu.matmul %select_n3A_240, %get3A_12, %dot_general3A_241 {dimension_numbers = #tpu.dot_dimension_numbers<[1], [0], [0], [1], [0, 0, 1, 1], [], []>, transpose_lhs_hint = false} : vector<256x64xf32>, vector<64x128xf32>, vector<256x128xf32> -> vector<256x128xf32>
    %max3A_243 = arith.maximumf %max3A_221, %dot_general3A_242 : vector<256x128xf32>
    %add3A = arith.addf %max3A_243, %dot_general3A_24 : vector<256x128xf32>
    %swap3A = arith.constant 0 : index
    %swap3A_244 = arith.constant 0 : index
    %swap3A_245 = arith.constant 0 : index
    %swap3A_246 = vector.load %arg8[%swap3A, %swap3A_244, %swap3A_245] : memref<1x256x128xf32, #tpu.memory_space<vmem>>, vector<1x256x128xf32>
    %swap3A_247 = vector.shape_cast %swap3A_246 : vector<1x256x128xf32> to vector<256x128xf32>
    %swap3A_248 = vector.shape_cast %add3A : vector<256x128xf32> to vector<1x256x128xf32>
    tpu.vector_store %arg8[%swap3A, %swap3A_244, %swap3A_245], %swap3A_248 {strides = array<i32>} : memref<1x256x128xf32, #tpu.memory_space<vmem>>, vector<1x256x128xf32>,
    return
  }
  func.func @transform_0(%arg0: i32, %arg1: i32) -> (i32, i32, i32, i32) {
    %c0_i32 = arith.constant 0 : i32
    %c0_i32_0 = arith.constant 0 : i32
    %c0_i32_1 = arith.constant 0 : i32
    return %arg0, %c0_i32, %arg1, %c0_i32_0 : i32, i32, i32, i32
  }
  func.func @transform_1(%arg0: i32, %arg1: i32) -> (i32, i32, i32) {
    %c0_i32 = arith.constant 0 : i32
    %c0_i32_0 = arith.constant 0 : i32
    return %arg0, %arg1, %c0_i32 : i32, i32, i32
  }
  func.func @transform_2(%arg0: i32, %arg1: i32) -> (i32, i32) {
    %c0_i32 = arith.constant 0 : i32
    %c0_i32_0 = arith.constant 0 : i32
    %c0_i32_1 = arith.constant 0 : i32
    return %c0_i32, %c0_i32_0 : i32, i32
  }
  func.func @transform_3(%arg0: i32, %arg1: i32) -> (i32, i32) {
    %c0_i32 = arith.constant 0 : i32
    %c0_i32_0 = arith.constant 0 : i32
    %c0_i32_1 = arith.constant 0 : i32
    return %c0_i32, %c0_i32_0 : i32, i32
  }
  func.func @transform_4(%arg0: i32, %arg1: i32) -> (i32, i32) {
    %c0_i32 = arith.constant 0 : i32
    %c0_i32_0 = arith.constant 0 : i32
    %c0_i32_1 = arith.constant 0 : i32
    return %c0_i32, %c0_i32_0 : i32, i32
  }
  func.func @transform_5(%arg0: i32, %arg1: i32) -> (i32, i32) {
    %c0_i32 = arith.constant 0 : i32
    %c0_i32_0 = arith.constant 0 : i32
    %c0_i32_1 = arith.constant 0 : i32
    return %c0_i32, %c0_i32_0 : i32, i32
  }
  func.func @transform_6(%arg0: i32, %arg1: i32) -> (i32, i32, i32) {
    %c0_i32 = arith.constant 0 : i32
    %c0_i32_0 = arith.constant 0 : i32
    return %arg0, %arg1, %c0_i32 : i32, i32, i32
  }
}

module attributes {stable_mosaic.version = 14 : i64} {
  func.func @_fuse_body(%arg0: i32, %arg1: memref<1x1024x64xf32, #tpu.memory_space<vmem>>, %arg2: memref<1x1024x64xf32, #tpu.memory_space<vmem>>, %arg3: memref<1x1024x128xf32, #tpu.memory_space<vmem>>, %arg4: memref<64x1024xf32, #tpu.memory_space<vmem>>, %arg5: memref<64x1024xf32, #tpu.memory_space<vmem>>, %arg6: memref<128x1024xf32, #tpu.memory_space<vmem>>, %arg7: memref<1x1x2048xf32, #tpu.memory_space<vmem>>) attributes {dimension_semantics = [#tpu.dimension_semantics<arbitrary>], iteration_bounds = array<i64: 16>, scalar_prefetch = 0 : i64, scratch_operands = 0 : i64, tpu.core_type = #tpu.core_type<tc>, window_params = [{transform_indices = @transform_0, window_bounds = array<i64: 1, 1024, 64>}, {transform_indices = @transform_1, window_bounds = array<i64: 1, 1024, 64>}, {transform_indices = @transform_2, window_bounds = array<i64: 1, 1024, 128>}, {pipeline_mode = #tpu.pipeline_mode<synchronous>, transform_indices = @transform_3, window_bounds = array<i64: 64, 1024>}, {pipeline_mode = #tpu.pipeline_mode<synchronous>, transform_indices = @transform_4, window_bounds = array<i64: 64, 1024>}, {pipeline_mode = #tpu.pipeline_mode<synchronous>, transform_indices = @transform_5, window_bounds = array<i64: 128, 1024>}, {transform_indices = @transform_6, window_bounds = array<i64: 1, 1, 2048>}]} {
    %get3A = arith.constant 0 : index
    %get3A_0 = arith.constant 0 : index
    %get3A_1 = arith.constant 0 : index
    %get3A_2 = vector.load %arg1[%get3A, %get3A_0, %get3A_1] : memref<1x1024x64xf32, #tpu.memory_space<vmem>>, vector<1x1024x64xf32>
    %get3A_3 = vector.shape_cast %get3A_2 : vector<1x1024x64xf32> to vector<1024x64xf32>
    %get3A_4 = arith.constant 0 : index
    %get3A_5 = arith.constant 0 : index
    %get3A_6 = vector.load %arg4[%get3A_4, %get3A_5] : memref<64x1024xf32, #tpu.memory_space<vmem>>, vector<64x1024xf32>
    %dot_general3A = arith.constant dense<0.000000e+00> : vector<1024x1024xf32>
    %dot_general3A_7 = tpu.matmul %get3A_3, %get3A_6, %dot_general3A {dimension_numbers = #tpu.dot_dimension_numbers<[1], [0], [0], [1], [0, 0, 1, 1], [], []>, transpose_lhs_hint = false} : vector<1024x64xf32>, vector<64x1024xf32>, vector<1024x1024xf32> -> vector<1024x1024xf32>
    %get3A_8 = arith.constant 0 : index
    %get3A_9 = arith.constant 0 : index
    %get3A_10 = arith.constant 0 : index
    %get3A_11 = vector.load %arg2[%get3A_8, %get3A_9, %get3A_10] : memref<1x1024x64xf32, #tpu.memory_space<vmem>>, vector<1x1024x64xf32>
    %get3A_12 = vector.shape_cast %get3A_11 : vector<1x1024x64xf32> to vector<1024x64xf32>
    %get3A_13 = arith.constant 0 : index
    %get3A_14 = arith.constant 0 : index
    %get3A_15 = vector.load %arg5[%get3A_13, %get3A_14] : memref<64x1024xf32, #tpu.memory_space<vmem>>, vector<64x1024xf32>
    %dot_general3A_16 = arith.constant dense<0.000000e+00> : vector<1024x1024xf32>
    %dot_general3A_17 = tpu.matmul %get3A_12, %get3A_15, %dot_general3A_16 {dimension_numbers = #tpu.dot_dimension_numbers<[1], [0], [0], [1], [0, 0, 1, 1], [], []>, transpose_lhs_hint = false} : vector<1024x64xf32>, vector<64x1024xf32>, vector<1024x1024xf32> -> vector<1024x1024xf32>
    %add3A = arith.addf %dot_general3A_7, %dot_general3A_17 : vector<1024x1024xf32>
    %get3A_18 = arith.constant 0 : index
    %get3A_19 = arith.constant 0 : index
    %get3A_20 = arith.constant 0 : index
    %get3A_21 = vector.load %arg3[%get3A_18, %get3A_19, %get3A_20] : memref<1x1024x128xf32, #tpu.memory_space<vmem>>, vector<1x1024x128xf32>
    %get3A_22 = vector.shape_cast %get3A_21 : vector<1x1024x128xf32> to vector<1024x128xf32>
    %get3A_23 = arith.constant 0 : index
    %get3A_24 = arith.constant 0 : index
    %get3A_25 = vector.load %arg6[%get3A_23, %get3A_24] : memref<128x1024xf32, #tpu.memory_space<vmem>>, vector<128x1024xf32>
    %dot_general3A_26 = arith.constant dense<0.000000e+00> : vector<1024x1024xf32>
    %dot_general3A_27 = tpu.matmul %get3A_22, %get3A_25, %dot_general3A_26 {dimension_numbers = #tpu.dot_dimension_numbers<[1], [0], [0], [1], [0, 0, 1, 1], [], []>, transpose_lhs_hint = false} : vector<1024x128xf32>, vector<128x1024xf32>, vector<1024x1024xf32> -> vector<1024x1024xf32>
    %add3A_28 = arith.addf %add3A, %dot_general3A_27 : vector<1024x1024xf32>
    %div3A = arith.constant 1.00000501 : f32
    %div3A_29 = vector.broadcast %div3A : f32 to vector<1024x1024xf32>
    %div3A_30 = arith.divf %add3A_28, %div3A_29 : vector<1024x1024xf32>
    %ge3A = arith.constant 0.000000e+00 : f32
    %ge3A_31 = vector.broadcast %ge3A : f32 to vector<1024x1024xf32>
    %ge3A_32 = arith.cmpf oge, %div3A_30, %ge3A_31 : vector<1024x1024xf32>
    %mul3A = arith.constant 2.000000e-01 : f32
    %mul3A_33 = vector.broadcast %mul3A : f32 to vector<1024x1024xf32>
    %mul3A_34 = arith.mulf %mul3A_33, %div3A_30 : vector<1024x1024xf32>
    %select_n3A = arith.select %ge3A_32, %div3A_30, %mul3A_34 : vector<1024x1024xi1>, vector<1024x1024xf32>
    %reduce_max3A = arith.constant dense<0xFF800000> : vector<1024xf32>
    %reduce_max3A_35 = vector.multi_reduction <maximumf>, %select_n3A, %reduce_max3A [0] : vector<1024x1024xf32> to vector<1024xf32>
    %broadcast_in_dim3A = vector.shape_cast %reduce_max3A_35 : vector<1024xf32> to vector<1x1024xf32>
    %reduce_sum3A = arith.constant dense<0.000000e+00> : vector<1024xf32>
    %reduce_sum3A_36 = vector.multi_reduction <add>, %select_n3A, %reduce_sum3A [0] : vector<1024x1024xf32> to vector<1024xf32>
    %broadcast_in_dim3A_37 = vector.shape_cast %reduce_sum3A_36 : vector<1024xf32> to vector<1x1024xf32>
    %div3A_38 = arith.constant 1.024000e+03 : f32
    %div3A_39 = vector.broadcast %div3A_38 : f32 to vector<1x1024xf32>
    %div3A_40 = arith.divf %broadcast_in_dim3A_37, %div3A_39 : vector<1x1024xf32>
    %concatenate3A = tpu.concatenate %broadcast_in_dim3A, %div3A_40 in 1 : vector<1x1024xf32>, vector<1x1024xf32> -> vector<1x2048xf32>
    %swap3A = arith.constant 0 : index
    %swap3A_41 = arith.constant 0 : index
    %swap3A_42 = arith.constant 0 : index
    %swap3A_43 = vector.load %arg7[%swap3A, %swap3A_41, %swap3A_42] : memref<1x1x2048xf32, #tpu.memory_space<vmem>>, vector<1x1x2048xf32>
    %swap3A_44 = vector.shape_cast %swap3A_43 : vector<1x1x2048xf32> to vector<1x2048xf32>
    %swap3A_45 = vector.shape_cast %concatenate3A : vector<1x2048xf32> to vector<1x1x2048xf32>
    tpu.vector_store %arg7[%swap3A, %swap3A_41, %swap3A_42], %swap3A_45 {strides = array<i32>} : memref<1x1x2048xf32, #tpu.memory_space<vmem>>, vector<1x1x2048xf32>,
    return
  }
  func.func @transform_0(%arg0: i32) -> (i32, i32, i32) {
    %c0_i32 = arith.constant 0 : i32
    %c0_i32_0 = arith.constant 0 : i32
    %c0_i32_1 = arith.constant 0 : i32
    return %arg0, %c0_i32, %c0_i32_0 : i32, i32, i32
  }
  func.func @transform_1(%arg0: i32) -> (i32, i32, i32) {
    %c0_i32 = arith.constant 0 : i32
    %c0_i32_0 = arith.constant 0 : i32
    %c0_i32_1 = arith.constant 0 : i32
    return %arg0, %c0_i32, %c0_i32_0 : i32, i32, i32
  }
  func.func @transform_2(%arg0: i32) -> (i32, i32, i32) {
    %c0_i32 = arith.constant 0 : i32
    %c0_i32_0 = arith.constant 0 : i32
    %c0_i32_1 = arith.constant 0 : i32
    return %arg0, %c0_i32, %c0_i32_0 : i32, i32, i32
  }
  func.func @transform_3(%arg0: i32) -> (i32, i32) {
    %c0_i32 = arith.constant 0 : i32
    %c0_i32_0 = arith.constant 0 : i32
    %c0_i32_1 = arith.constant 0 : i32
    return %c0_i32, %c0_i32_0 : i32, i32
  }
  func.func @transform_4(%arg0: i32) -> (i32, i32) {
    %c0_i32 = arith.constant 0 : i32
    %c0_i32_0 = arith.constant 0 : i32
    %c0_i32_1 = arith.constant 0 : i32
    return %c0_i32, %c0_i32_0 : i32, i32
  }
  func.func @transform_5(%arg0: i32) -> (i32, i32) {
    %c0_i32 = arith.constant 0 : i32
    %c0_i32_0 = arith.constant 0 : i32
    %c0_i32_1 = arith.constant 0 : i32
    return %c0_i32, %c0_i32_0 : i32, i32
  }
  func.func @transform_6(%arg0: i32) -> (i32, i32, i32) {
    %c0_i32 = arith.constant 0 : i32
    %c0_i32_0 = arith.constant 0 : i32
    %c0_i32_1 = arith.constant 0 : i32
    return %arg0, %c0_i32, %c0_i32_0 : i32, i32, i32
  }
}

module attributes {stable_mosaic.version = 14 : i64} {
  func.func @_mlp_body(%arg0: memref<16x2048xf32, #tpu.memory_space<vmem>>, %arg1: memref<2048x512xf32, #tpu.memory_space<vmem>>, %arg2: memref<512x256xf32, #tpu.memory_space<vmem>>, %arg3: memref<1x256xf32, #tpu.memory_space<vmem>>, %arg4: memref<256x5xf32, #tpu.memory_space<vmem>>, %arg5: memref<1x5xf32, #tpu.memory_space<vmem>>, %arg6: memref<16x5xf32, #tpu.memory_space<vmem>>) attributes {dimension_semantics = [], scalar_prefetch = 0 : i64, scratch_operands = 0 : i64, tpu.core_type = #tpu.core_type<tc>} {
    %get3A = arith.constant 0 : index
    %get3A_0 = arith.constant 0 : index
    %get3A_1 = vector.load %arg0[%get3A, %get3A_0] : memref<16x2048xf32, #tpu.memory_space<vmem>>, vector<16x2048xf32>
    %get3A_2 = arith.constant 0 : index
    %get3A_3 = arith.constant 0 : index
    %get3A_4 = vector.load %arg1[%get3A_2, %get3A_3] : memref<2048x512xf32, #tpu.memory_space<vmem>>, vector<2048x512xf32>
    %dot_general3A = arith.constant dense<0.000000e+00> : vector<16x512xf32>
    %dot_general3A_5 = tpu.matmul %get3A_1, %get3A_4, %dot_general3A {dimension_numbers = #tpu.dot_dimension_numbers<[1], [0], [0], [1], [0, 0, 1, 1], [], []>, transpose_lhs_hint = false} : vector<16x2048xf32>, vector<2048x512xf32>, vector<16x512xf32> -> vector<16x512xf32>
    %div3A = arith.constant 1.00000501 : f32
    %div3A_6 = vector.broadcast %div3A : f32 to vector<16x512xf32>
    %div3A_7 = arith.divf %dot_general3A_5, %div3A_6 : vector<16x512xf32>
    %ge3A = arith.constant 0.000000e+00 : f32
    %ge3A_8 = vector.broadcast %ge3A : f32 to vector<16x512xf32>
    %ge3A_9 = arith.cmpf oge, %div3A_7, %ge3A_8 : vector<16x512xf32>
    %mul3A = arith.constant 2.000000e-01 : f32
    %mul3A_10 = vector.broadcast %mul3A : f32 to vector<16x512xf32>
    %mul3A_11 = arith.mulf %mul3A_10, %div3A_7 : vector<16x512xf32>
    %select_n3A = arith.select %ge3A_9, %div3A_7, %mul3A_11 : vector<16x512xi1>, vector<16x512xf32>
    %get3A_12 = arith.constant 0 : index
    %get3A_13 = arith.constant 0 : index
    %get3A_14 = vector.load %arg2[%get3A_12, %get3A_13] : memref<512x256xf32, #tpu.memory_space<vmem>>, vector<512x256xf32>
    %dot_general3A_15 = arith.constant dense<0.000000e+00> : vector<16x256xf32>
    %dot_general3A_16 = tpu.matmul %select_n3A, %get3A_14, %dot_general3A_15 {dimension_numbers = #tpu.dot_dimension_numbers<[1], [0], [0], [1], [0, 0, 1, 1], [], []>, transpose_lhs_hint = false} : vector<16x512xf32>, vector<512x256xf32>, vector<16x256xf32> -> vector<16x256xf32>
    %get3A_17 = arith.constant 0 : index
    %get3A_18 = arith.constant 0 : index
    %get3A_19 = vector.load %arg3[%get3A_17, %get3A_18] : memref<1x256xf32, #tpu.memory_space<vmem>>, vector<1x256xf32>
    %add3A = vector.broadcast %get3A_19 : vector<1x256xf32> to vector<16x256xf32>
    %add3A_20 = arith.addf %dot_general3A_16, %add3A : vector<16x256xf32>
    %div3A_21 = arith.constant 1.00000501 : f32
    %div3A_22 = vector.broadcast %div3A_21 : f32 to vector<16x256xf32>
    %div3A_23 = arith.divf %add3A_20, %div3A_22 : vector<16x256xf32>
    %ge3A_24 = arith.constant 0.000000e+00 : f32
    %ge3A_25 = vector.broadcast %ge3A_24 : f32 to vector<16x256xf32>
    %ge3A_26 = arith.cmpf oge, %div3A_23, %ge3A_25 : vector<16x256xf32>
    %mul3A_27 = arith.constant 2.000000e-01 : f32
    %mul3A_28 = vector.broadcast %mul3A_27 : f32 to vector<16x256xf32>
    %mul3A_29 = arith.mulf %mul3A_28, %div3A_23 : vector<16x256xf32>
    %select_n3A_30 = arith.select %ge3A_26, %div3A_23, %mul3A_29 : vector<16x256xi1>, vector<16x256xf32>
    %get3A_31 = arith.constant 0 : index
    %get3A_32 = arith.constant 0 : index
    %get3A_33 = vector.load %arg4[%get3A_31, %get3A_32] : memref<256x5xf32, #tpu.memory_space<vmem>>, vector<256x5xf32>
    %dot_general3A_34 = arith.constant dense<0.000000e+00> : vector<16x5xf32>
    %dot_general3A_35 = tpu.matmul %select_n3A_30, %get3A_33, %dot_general3A_34 {dimension_numbers = #tpu.dot_dimension_numbers<[1], [0], [0], [1], [0, 0, 1, 1], [], []>, transpose_lhs_hint = false} : vector<16x256xf32>, vector<256x5xf32>, vector<16x5xf32> -> vector<16x5xf32>
    %get3A_36 = arith.constant 0 : index
    %get3A_37 = arith.constant 0 : index
    %get3A_38 = vector.load %arg5[%get3A_36, %get3A_37] : memref<1x5xf32, #tpu.memory_space<vmem>>, vector<1x5xf32>
    %add3A_39 = vector.broadcast %get3A_38 : vector<1x5xf32> to vector<16x5xf32>
    %add3A_40 = arith.addf %dot_general3A_35, %add3A_39 : vector<16x5xf32>
    %swap3A = arith.constant 0 : index
    %swap3A_41 = arith.constant 0 : index
    %swap3A_42 = vector.load %arg6[%swap3A, %swap3A_41] : memref<16x5xf32, #tpu.memory_space<vmem>>, vector<16x5xf32>
    tpu.vector_store %arg6[%swap3A, %swap3A_41], %add3A_40 {strides = array<i32>} : memref<16x5xf32, #tpu.memory_space<vmem>>, vector<16x5xf32>,
    return
  }
}

</mosaic_0001>

<sc_bundles>
// kernel: kernel.11.cloned.1.call-start
scs
__scs_entry_jumppad:
0x0: {  	(pc) =	sbr.rel $0x88, $3  }
0x1: {  	(tag) =	ssettag $0x0;
	lr =	simm.s32 $0x1  }
0x2: {  	[smem:$0x3F94] =	sst lr;
	_ =	strace $0xD0000000  }
0x3: {  	_ = 	snop  }
0x4: {  	_ = 	snop  }
0x5: {  	_ = 	snop  }
0x6: {  	_ = 	snop  }
0x7: {  	_ = 	snop  }
__scs_overlays_trampoline_lowered:
0x8: {  	[smem:$0x3FA3] =	sst s0  }
0x9: {  	[smem:$0x3FA4] =	sst s1  }
0xa: {  	[smem:$0x3FA5] =	sst s2  }
0xb: {  	[smem:$0x3FA6] =	sst s3  }
0xc: {  	[smem:$0x3FA7] =	sst s4  }
0xd: {  	[smem:$0x3FA8] =	sst s5  }
0xe: {  	[smem:$0x3FA9] =	sst s6  }
0xf: {  	[smem:$0x3FAA] =	sst s7  }
0x10: {  	[smem:$0x3FAB] =	sst s8  }
0x11: {  	[smem:$0x3FAC] =	sst s9;
	s0 =	simm.s32 @!p0 $0x0  }
0x12: {  	s1 =	sld [smem:$0x3F92];
	s0 =	simm.s32 @p0 $0x1  }
0x13: {  	[smem:$0x3FAD] =	sst s0;
	s0 =	simm.s32 @!p1 $0x0  }
0x14: {  	s2 =	sld [smem:$0x3F91];
	s0 =	simm.s32 @p1 $0x1  }
0x15: {  	[smem:$0x3FAE] =	sst s0;
	s0 =	simm.s32 @!p2 $0x0  }
0x16: {  	s3 =	sld [smem:$0x3FDB];
	s0 =	simm.s32 @p2 $0x1  }
0x17: {  	s4 =	simm.s32 $0x1BF5;
	[smem:$0x3FB0] =	sst s0  }
0x18: {  	s0 =	sld [smem:$0x3F93];
	_ =	swait.ge [sflag:s4], $0x0  }
0x19: {  	s7 =	sld [smem:$0x3F94]  }
0x1a: {  	s8 =	sadd.s32 $0xFFFFE003, lr  }
0x1b: {  	s9 =	sadd.s32 $0xFFFFFEF7, lr;
	s5 =	simm.s32 $0xFFFFFFFF;
	p2 =	slt.u32 s8, $0xFFFFF086  }
0x1c: {  	p1 =	slt.u32 s9, $0xF7A;
	s5 =	simm.s32 @!p2 $0x0  }
0x1d: {  	s5 =	simm.s32 @p1 $0x1;
	p0 =	seq.s32 s7, s2  }
0x1e: {  	s7 =	smul.u32 @!p0 $0xF7A, s2;
	p2 =	seq.s32 @!p0 s5, $0x0  }
0x1f: {  	s9 =	smul.u32 $0xF7A, s1;
	s8 =	simm.s32 @!p0 $0x1BF5;
	p2 =	por !p2, p0  }
0x20: {  	[sflag:s8] =	ssyncset.s32 @!p0 $0xFFFFF086;
	s6 =	sadd.s32 @!p0 s3, s7;
	s7 =	simm.s32 @!p0 $0x108  }
0x21: {  	s3 =	sadd.s32 s3, s9;
	s6 =	sadd.s32 @!p0 $0x88, s6;
	s7 =	simm.s32 @p2 $0x1082  }
0x22: {  	[simem:s7], [sflag:s8] =	dma.local @!p0 [hbm:s6], $0xF7A  }
0x23: {  	s9 =	sor.u32 $0xD0000000, s2;
	s6 =	simm.s32 $0x108;
	_ =	swait.ge @!p0 [sflag:s8], $0x0  }
0x24: {  	s3 =	sadd.s32 $0x88, s3;
	s6 =	simm.s32 @!p1 $0x1082;
	[sflag:s4] =	ssyncset.s32 $0xFFFFF086  }
0x25: {  	[simem:s6], [sflag:s4] =	dma.local [hbm:s3], $0xF7A  }
0x26: {  	[smem:$0x3F94] =	sst s1;
	(tag) =	ssettag s2;
	_ =	strace s9  }
0x27: {  	s1 =	sld [smem:$0x3FA4]  }
0x28: {  	s2 =	sld [smem:$0x3FA5]  }
0x29: {  	s4 =	sld [smem:$0x3FA7]  }
0x2a: {  	p0 =	seq.s32 s5, $0x0;
	s5 =	sld [smem:$0x3FA8]  }
0x2b: {  	s6 =	sld [smem:$0x3FA9]  }
0x2c: {  	s7 =	sld [smem:$0x3FAA]  }
0x2d: {  	s3 =	simm.s32 $0x108;
	s8 =	sld [smem:$0x3FAB]  }
0x2e: {  	s3 =	simm.s32 @!p0 $0x1082;
	s9 =	sld [smem:$0x3FAC]  }
0x2f: {  	lr =	sadd.s32 s0, s3;
	s0 =	sld [smem:$0x3FA3]  }
0x30: {  	s3 =	sld [smem:$0x3FA6]  }
0x31: {  	[smem:$0x3FAF] =	sst s10  }
0x32: {  	s10 =	sld [smem:$0x3FAD];
	_ =	sdelay $0x3  }
0x33: {  	p0 =	seq.s32 s10, $0x1;
	s10 =	sld [smem:$0x3FAF];
	_ =	sdelay $0x3  }
0x34: {  	[smem:$0x3FAF] =	sst s10  }
0x35: {  	s10 =	sld [smem:$0x3FAE];
	_ =	sdelay $0x3  }
0x36: {  	p1 =	seq.s32 s10, $0x1;
	s10 =	sld [smem:$0x3FAF];
	_ =	sdelay $0x3  }
0x37: {  	[smem:$0x3FAF] =	sst s10  }
0x38: {  	s10 =	sld [smem:$0x3FB0]  }
0x39: {  	_ = 	snop;
	(pc) =	sbr.ind lr, $3  }
0x3a: {  	_ = 	snop  }
0x3b: {  	_ = 	snop  }
0x3c: {  	p2 =	seq.s32 s10, $0x1;
	s10 =	sld [smem:$0x3FAF]  }
0x3d: {  	_ =	shalt  }
0x3e: {  	_ =	shalt  }
0x3f: {  	_ =	shalt  }
0x40: {  	_ =	shalt  }
0x41: {  	_ =	shalt  }
0x42: {  	_ =	shalt  }
0x43: {  	_ =	shalt  }
0x44: {  	_ =	shalt  }
0x45: {  	_ =	shalt  }
0x46: {  	_ =	shalt  }
0x47: {  	_ =	shalt  }
0x48: {  	_ =	shalt  }
0x49: {  	_ =	shalt  }
0x4a: {  	_ =	shalt  }
0x4b: {  	_ =	shalt  }
0x4c: {  	_ =	shalt  }
0x4d: {  	_ =	shalt  }
0x4e: {  	_ =	shalt  }
0x4f: {  	_ =	shalt  }
0x50: {  	_ =	shalt  }
0x51: {  	_ =	shalt  }
0x52: {  	_ =	shalt  }
0x53: {  	_ =	shalt  }
0x54: {  	_ =	shalt  }
0x55: {  	_ =	shalt  }
0x56: {  	_ =	shalt  }
0x57: {  	_ =	shalt  }
0x58: {  	_ =	shalt  }
0x59: {  	_ =	shalt  }
0x5a: {  	_ =	shalt  }
0x5b: {  	_ =	shalt  }
0x5c: {  	_ =	shalt  }
0x5d: {  	_ =	shalt  }
0x5e: {  	_ =	shalt  }
0x5f: {  	_ =	shalt  }
0x60: {  	_ =	shalt  }
0x61: {  	_ =	shalt  }
0x62: {  	_ =	shalt  }
0x63: {  	_ =	shalt  }
0x64: {  	_ =	shalt  }
0x65: {  	_ =	shalt  }
0x66: {  	_ =	shalt  }
0x67: {  	_ =	shalt  }
0x68: {  	_ =	shalt  }
0x69: {  	_ =	shalt  }
0x6a: {  	_ =	shalt  }
0x6b: {  	_ =	shalt  }
0x6c: {  	_ =	shalt  }
0x6d: {  	_ =	shalt  }
0x6e: {  	_ =	shalt  }
0x6f: {  	_ =	shalt  }
0x70: {  	_ =	shalt  }
0x71: {  	_ =	shalt  }
0x72: {  	_ =	shalt  }
0x73: {  	_ =	shalt  }
0x74: {  	_ =	shalt  }
0x75: {  	_ =	shalt  }
0x76: {  	_ =	shalt  }
0x77: {  	_ =	shalt  }
0x78: {  	_ =	shalt  }
0x79: {  	_ =	shalt  }
0x7a: {  	_ =	shalt  }
0x7b: {  	_ =	shalt  }
0x7c: {  	_ =	shalt  }
0x7d: {  	_ =	shalt  }
0x7e: {  	_ =	shalt  }
0x7f: {  	_ =	shalt  }
0x80: {  	_ =	shalt  }
0x81: {  	_ =	shalt  }
0x82: {  	_ =	shalt  }
0x83: {  	_ =	shalt  }
0x84: {  	_ =	shalt  }
0x85: {  	_ =	shalt  }
0x86: {  	_ =	shalt  }
0x87: {  	_ =	shalt  }
.Lfunc_end0:
.L_simem_size_0:
called_computation_lowered:
.L_overlay_start_0:
0x88: {  	s2 =	sld [smem:$0x3FD9]  }
0x89: {  	s3 =	sld [smem:$0x3FFE];
	_ =	sdelay $0x1  }
0x8a: {  	s1 =	srdreg.scid  }
0x8b: {  	s0 =	sand.u32 $0x1, s1  }
0x8c: {  	s16 =	sshll.u32 s0, $0xA;
	s2 =	sadd.s32 s3, s2  }
0x8d: {  	s2 =	sadd.s32 s2, s16  }
0x8e: {  	[smem:$0x3FBB] =	sst s2  }
0x8f: {  	_ = 	snop  }
0x90: {  	(tm) =	ssettm $0x1  }
0x91: {  	s17 =	sld [smem:$0x3FFB];
	_ =	sdelay $0x3  }
0x92: {  	_ =	strace s17  }
0x93: {  	s2 =	sld [smem:$0x3FFC];
	_ =	sdelay $0x3  }
0x94: {  	_ =	strace s2  }
0x95: {  	s2 =	sld [smem:$0x3FFD];
	_ =	sdelay $0x3  }
0x96: {  	_ =	strace s2  }
0x97: {  	_ =	strace $0x8FFFFFFF  }
0x98: {  	s18 =	sld [smem:$0x3FDB];
	_ =	sdelay $0x1  }
0x99: {  	s19 =	simm.s32 $_scs_section_size  }
0x9a: {  	s4 =	simm.s32 $_size__tile_overlayer_lowered;
	s5 =	simm.s32 $_tile_overlayer_lowered  }
0x9b: {  	s22 =	simm.s32 $0x1BFF;
	s21 =	sshll.u32 s5, $0x1;
	s2 =	sadd.s32 s19, s18  }
0x9c: {  	s6 =	simm.s32 $0x0;
	s20 =	sshll.u32 s4, $0x1;
	s4 =	sadd.s32 s21, s2  }
0x9d: {  	[timem:s6], [sflag:s22] =	dma.local [hbm:s4], s20  }
0x9e: {  	_ =	swait.ge [sflag:s22], s20  }
0x9f: {  	s3 =	ssub.s32 $0x0, s20;
	[sflag:s22] =	ssyncset.done $0x0  }
0xa0: {  	[sflag:s22] =	ssyncadd.s32 s3;
	_ =	sdelay $0x1  }
0xa1: {  	s23 =	simm.s32 $0x1B8B  }
0xa2: {  	_ =	swait.ge [sflag:s23], $0x1  }
0xa3: {  	[sflag:s23] =	ssyncset.done $0x0  }
0xa4: {  	s25 =	simm.s32 $0x1B8E;
	s24 =	sld [smem:$0x3FFE];
	[sflag:s23] =	ssyncadd.s32 $0xFFFFFFFF  }
0xa5: {  	s26 =	simm.s32 $execute0_lowered;
	[smem:$0x3FD2] =	sst s25  }
0xa6: {  	s4 =	sshll.u32 s26, $0x1;
	_ =	strace $0x80000046;
	[dreg:$0x1] =	wrdreg $0xFFFFFFFF  }
0xa7: {  	s28 =	simm.s32 $_size_execute0_lowered;
	s2 =	sadd.s32 s2, s4;
	[dreg:$0x0] =	wrdreg $0x0  }
0xa8: {  	s4 =	sshll.u32 s28, $0x1;
	[dreg:$0x2] =	wrdreg s2  }
0xa9: {  	[dreg:$0x3] =	wrdreg s4  }
0xaa: {  	[dreg:$0x4] =	wrdreg $0xC0  }
0xab: {  	_ =	task [dreg:s6], $0x5FFFF  }
0xac: {  	[dreg:$0x1] =	wrdreg $0xFFFFFFFF  }
0xad: {  	[dreg:$0x0] =	wrdreg $0x60  }
0xae: {  	[dreg:$0x2] =	wrdreg s24  }
0xaf: {  	[dreg:$0x3] =	wrdreg $0x9  }
0xb0: {  	_ =	task.clear_ibuf [dreg:s6], $0x4FFFF;
	_ =	strace $0x90000046  }
0xb1: {  	s29 =	simm.s32 $0x9;
	_ =	strace $0x80000048  }
0xb2: {  	_ =	swait.ge [sflag:s29], $0x1  }
0xb3: {  	[sflag:s29] =	ssyncadd.s32 $0xFFFFFFFF  }
0xb4: {  	_ =	strace $0x90000048  }
0xb5: {  	_ =	sfence  }
0xb6: {  	s30 =	sld [smem:$0x0];
	_ =	sdelay $0x2  }
0xb7: {  	s31 =	sshll.u32 s1, $0xD;
	s1 =	sshrl.u32 s1, $0x2  }
0xb8: {  	s3 =	sand.u32 $0x4000, s31;
	s1 =	sadd.s32 s1, s30  }
0xb9: {  	s0 =	sor.u32 s3, s0;
	s1 =	sshll.u32 s1, $0x11  }
0xba: {  	s0 =	sor.u32 s1, s0  }
0xbb: {  	s0 =	sadd.s32 $0x8F2B, s0  }
0xbc: {  	[sflag:s0] =	ssyncadd.remote.s32 $0x1  }
0xbd: {  	_ =	sfence.sel $0xFFFF  }
0xbe: {  	[dreg:$0x0] =	wrdreg $0xFFFFFFFF;
	(pc) =	sbr.abs _section_cstart, $3  }
0xbf: {  	[dreg:$0x1] =	wrdreg $0xFFFFFFFF  }
0xc0: {  	_ =	task.clear_ibuf [dreg:s6], $0x2FFFF;
	_ =	strace $0x9FFFFFFF  }
0xc1: {  	(tm) =	ssettm $0x7FFFFFFF  }
tec
execute0_lowered:
.L_overlay_start_1:
0x0: {  	(tag) =	ssettag $0x1  }
0x1: {  	s6 =	rddreg [dreg:$0x0]  }
0x2: {  	s0 =	rddreg [dreg:$0x1];
	s1 =	stileid.u32  }
0x3: {  	s2 =	simm.s32 $0x0;
	s3 =	srdreg.scid;
	s4 =	smul.u32 $0x5000, s1  }
0x4: {  	[smem:$0x7FF] =	sst s2;
	s5 =	sand.u32 $0x1, s3;
	s7 =	smul.u32 $0x2800, s1  }
0x5: {  	s3 =	sadd.s32 $0x5000, s6;
	s8 =	ssub.s32 $0x2, s5;
	s9 =	smul.u32 $0x1400, s5  }
0x6: {  	_ =	strace $0x80000047;
	s5 =	smul.u32 $0x2800, s5;
	s10 =	sshrl.u32 s8, $0x1  }
0x7: {  	s11 =	sadd.s32 s4, s6;
	s31 =	ssub.s32 s8, s10;
	s7 =	sadd.s32 s9, s7  }
0x8: {  	s5 =	sadd.s32 s5, s11;
	s8 =	simm.s32 $0x80;
	s9 =	simm.s32 $0x1  }
0x9: {  	s10 =	simm.s32 $0x0;
	s4 =	smax.u32 s31, $0x1;
	s7 =	sshrl.u32 s7, $0x3  }
0xa: {  	s5 =	sadd.s32 $0xD000, s5;
	s6 =	sadd.s32 s7, s6;
	s7 =	simm.s32 $0x2  }
.LBB2_1:
0xb: {  	s11 =	sadd.s32 $0x0, s6  }
0xc: {  	[tilespmem:s2], [sflag:$0x2] =	stream.linear.gather [hbm4b:s11+s2], $0x80, $0x38;
	[tilespmem:$0x880] =	vst v63  }
0xd: {  	_ =	swait.ge [sflag:s7], $0x80  }
0xe: {  	[sflag:s7] =	ssyncset.done $0x0  }
0xf: {  	[sflag:s7] =	ssyncadd.s32 $0xFFFFFF80  }
0x10: {  	[tilespmem:s8], [sflag:$0x1] =	stream.indirect.gather [hbm4b:s3+s8], $0x10, s2, s8, $0xb8;
	[tilespmem:$0x880] =	vst v63  }
0x11: {  	_ =	swait.ge [sflag:s9], $0x800  }
0x12: {  	[sflag:s9] =	ssyncset.done $0x0  }
0x13: {  	[sflag:s9] =	ssyncadd.s32 $0xFFFFF800  }
0x14: {  	[hbm4b:s5+s2] =	stream.linear.scatter [tilespmem:s8], [sflag:$0x2], $0x800, $0x38;
	[tilespmem:$0x880] =	vst v63  }
0x15: {  	s12 =	simm.s32 $0x10;
	_ =	swait.ge [sflag:s7], $0x800  }
0x16: {  	s13 =	simm.s32 $0x20;
	s11 =	sadd.s32 $0x100, s5;
	[sflag:s7] =	ssyncset.done $0x0  }
.LBB2_2:
0x17: {  	s14 =	sadd.s32 s12, s6  }
0x18: {  	[sflag:s7] =	ssyncadd.s32 $0xFFFFF800;
	s12 =	smov.u32 s13;
	s15 =	sadd.s32 $0x10, s13  }
0x19: {  	[tilespmem:s2], [sflag:$0x2] =	stream.linear.gather [hbm4b:s14+s2], $0x80, $0x38;
	[tilespmem:$0x880] =	vst v63  }
0x1a: {  	p0 =	sne.s32 s13, $0x270;
	_ =	swait.ge [sflag:s7], $0x80  }
0x1b: {  	[sflag:s7] =	ssyncset.done $0x0  }
0x1c: {  	[sflag:s7] =	ssyncadd.s32 $0xFFFFFF80  }
0x1d: {  	[tilespmem:s8], [sflag:$0x1] =	stream.indirect.gather [hbm4b:s3+s8], $0x10, s2, s8, $0xb8;
	[tilespmem:$0x880] =	vst v63  }
0x1e: {  	_ =	swait.ge [sflag:s9], $0x800  }
.Ltmp0:
0x1f: {  	[sflag:s9] =	ssyncset.done $0x0;
	(pc) =	sbr.rel @p0 .LBB2_2-.Ltmp0, $4  }
0x20: {  	[sflag:s9] =	ssyncadd.s32 $0xFFFFF800  }
0x21: {  	[hbm4b:s11+s2] =	stream.linear.scatter [tilespmem:s8], [sflag:$0x2], $0x800, $0x38;
	[tilespmem:$0x880] =	vst v63  }
0x22: {  	_ =	swait.ge [sflag:s7], $0x800  }
0x23: {  	s13 =	smov.u32 s15;
	s11 =	sadd.s32 $0x100, s11;
	[sflag:s7] =	ssyncset.done $0x0  }
0x24: {  	s12 =	sadd.s32 s12, s6;
	[sflag:s7] =	ssyncadd.s32 $0xFFFFF800  }
0x25: {  	[tilespmem:s2], [sflag:$0x2] =	stream.linear.gather [hbm4b:s12+s2], $0x80, $0x38;
	[tilespmem:$0x880] =	vst v63  }
0x26: {  	_ =	swait.ge [sflag:s7], $0x80  }
0x27: {  	[sflag:s7] =	ssyncset.done $0x0  }
0x28: {  	[sflag:s7] =	ssyncadd.s32 $0xFFFFFF80  }
0x29: {  	[tilespmem:s8], [sflag:$0x1] =	stream.indirect.gather [hbm4b:s3+s8], $0x10, s2, s8, $0xb8;
	[tilespmem:$0x880] =	vst v63  }
0x2a: {  	s10 =	sadd.s32 $0x1, s10;
	_ =	swait.ge [sflag:s9], $0x800  }
0x2b: {  	p0 =	sne.s32 s10, s4;
	[sflag:s9] =	ssyncset.done $0x0  }
.Ltmp1:
0x2c: {  	[sflag:s9] =	ssyncadd.s32 $0xFFFFF800;
	(pc) =	sbr.rel @p0 .LBB2_1-.Ltmp1, $4  }
0x2d: {  	[hbm4b:s11+s2] =	stream.linear.scatter [tilespmem:s8], [sflag:$0x2], $0x800, $0x38;
	[tilespmem:$0x880] =	vst v63  }
0x2e: {  	_ =	swait.ge [sflag:s7], $0x800  }
0x2f: {  	[sflag:s7] =	ssyncset.done $0x0  }
0x30: {  	[sflag:s7] =	ssyncadd.s32 $0xFFFFF800  }
0x31: {  	_ =	sfence.sel $0x180000  }
0x32: {  	[bflag:$0x0] =	sbarrier.arrive $0xFFFF  }
0x33: {  	p0 =	sne.s32 s1, $0x0;
	_ =	strace $0x90000047  }
0x34: {  	s0 =	sadd.s32 @!p0 $0x100000, s0;
	[bflag:$0x2] =	sbarrier.arrive $0xFFFF  }
0x35: {  	[sflag:s0] =	ssyncadd.tile.s32 @!p0 $0x1;
	_ =	shalt  }
.Lfunc_end2:
_tile_overlayer_lowered:
.L_overlay_start_2:
0x36: {  	(tag) =	ssettag $0x2  }
0x37: {  	s0 =	rddreg [dreg:$0x0];
	s2 =	stileid.u32  }
0x38: {  	s1 =	rddreg [dreg:$0x1];
	p0 =	sne.s32 s2, $0x0  }
0x39: {  	s3 =	rddreg [dreg:$0x2];
	[bflag:$0x3] =	sbarrier.arrive $0xFFFF;
	s2 =	simm.s32 @!p0 $0x1C02  }
0x3a: {  	[timem:s3], [sflag:s2] =	dma.local @!p0 [hbm:s0], s1  }
0x3b: {  	s0 =	simm.s32 @!p0 $0x2  }
0x3c: {  	_ =	swait.ge @!p0 [sflag:s0], s1  }
0x3d: {  	s1 =	ssub.s32 @!p0 $0x0, s1;
	[sflag:s0] =	ssyncset.done @!p0 $0x0  }
0x3e: {  	[sflag:s0] =	ssyncadd.s32 @!p0 s1  }
0x3f: {  	[bflag:$0x3] =	sbarrier.arrive $0xFFFF  }
0x40: {  	_ =	shalt  }

// kernel: kernel.14.cloned.1.call-start
scs
__scs_entry_jumppad:
0x0: {  	(pc) =	sbr.rel $0x88, $3  }
0x1: {  	(tag) =	ssettag $0x0;
	lr =	simm.s32 $0x1  }
0x2: {  	[smem:$0x3F94] =	sst lr;
	_ =	strace $0xD0000000  }
0x3: {  	_ = 	snop  }
0x4: {  	_ = 	snop  }
0x5: {  	_ = 	snop  }
0x6: {  	_ = 	snop  }
0x7: {  	_ = 	snop  }
__scs_overlays_trampoline_lowered:
0x8: {  	[smem:$0x3FA3] =	sst s0  }
0x9: {  	[smem:$0x3FA4] =	sst s1  }
0xa: {  	[smem:$0x3FA5] =	sst s2  }
0xb: {  	[smem:$0x3FA6] =	sst s3  }
0xc: {  	[smem:$0x3FA7] =	sst s4  }
0xd: {  	[smem:$0x3FA8] =	sst s5  }
0xe: {  	[smem:$0x3FA9] =	sst s6  }
0xf: {  	[smem:$0x3FAA] =	sst s7  }
0x10: {  	[smem:$0x3FAB] =	sst s8  }
0x11: {  	[smem:$0x3FAC] =	sst s9;
	s0 =	simm.s32 @!p0 $0x0  }
0x12: {  	s1 =	sld [smem:$0x3F92];
	s0 =	simm.s32 @p0 $0x1  }
0x13: {  	[smem:$0x3FAD] =	sst s0;
	s0 =	simm.s32 @!p1 $0x0  }
0x14: {  	s2 =	sld [smem:$0x3F91];
	s0 =	simm.s32 @p1 $0x1  }
0x15: {  	[smem:$0x3FAE] =	sst s0;
	s0 =	simm.s32 @!p2 $0x0  }
0x16: {  	s3 =	sld [smem:$0x3FDB];
	s0 =	simm.s32 @p2 $0x1  }
0x17: {  	s4 =	simm.s32 $0x1BF5;
	[smem:$0x3FB0] =	sst s0  }
0x18: {  	s0 =	sld [smem:$0x3F93];
	_ =	swait.ge [sflag:s4], $0x0  }
0x19: {  	s7 =	sld [smem:$0x3F94]  }
0x1a: {  	s8 =	sadd.s32 $0xFFFFE003, lr  }
0x1b: {  	s9 =	sadd.s32 $0xFFFFFEF7, lr;
	s5 =	simm.s32 $0xFFFFFFFF;
	p2 =	slt.u32 s8, $0xFFFFF086  }
0x1c: {  	p1 =	slt.u32 s9, $0xF7A;
	s5 =	simm.s32 @!p2 $0x0  }
0x1d: {  	s5 =	simm.s32 @p1 $0x1;
	p0 =	seq.s32 s7, s2  }
0x1e: {  	s7 =	smul.u32 @!p0 $0xF7A, s2;
	p2 =	seq.s32 @!p0 s5, $0x0  }
0x1f: {  	s9 =	smul.u32 $0xF7A, s1;
	s8 =	simm.s32 @!p0 $0x1BF5;
	p2 =	por !p2, p0  }
0x20: {  	[sflag:s8] =	ssyncset.s32 @!p0 $0xFFFFF086;
	s6 =	sadd.s32 @!p0 s3, s7;
	s7 =	simm.s32 @!p0 $0x108  }
0x21: {  	s3 =	sadd.s32 s3, s9;
	s6 =	sadd.s32 @!p0 $0x88, s6;
	s7 =	simm.s32 @p2 $0x1082  }
0x22: {  	[simem:s7], [sflag:s8] =	dma.local @!p0 [hbm:s6], $0xF7A  }
0x23: {  	s9 =	sor.u32 $0xD0000000, s2;
	s6 =	simm.s32 $0x108;
	_ =	swait.ge @!p0 [sflag:s8], $0x0  }
0x24: {  	s3 =	sadd.s32 $0x88, s3;
	s6 =	simm.s32 @!p1 $0x1082;
	[sflag:s4] =	ssyncset.s32 $0xFFFFF086  }
0x25: {  	[simem:s6], [sflag:s4] =	dma.local [hbm:s3], $0xF7A  }
0x26: {  	[smem:$0x3F94] =	sst s1;
	(tag) =	ssettag s2;
	_ =	strace s9  }
0x27: {  	s1 =	sld [smem:$0x3FA4]  }
0x28: {  	s2 =	sld [smem:$0x3FA5]  }
0x29: {  	s4 =	sld [smem:$0x3FA7]  }
0x2a: {  	p0 =	seq.s32 s5, $0x0;
	s5 =	sld [smem:$0x3FA8]  }
0x2b: {  	s6 =	sld [smem:$0x3FA9]  }
0x2c: {  	s7 =	sld [smem:$0x3FAA]  }
0x2d: {  	s3 =	simm.s32 $0x108;
	s8 =	sld [smem:$0x3FAB]  }
0x2e: {  	s3 =	simm.s32 @!p0 $0x1082;
	s9 =	sld [smem:$0x3FAC]  }
0x2f: {  	lr =	sadd.s32 s0, s3;
	s0 =	sld [smem:$0x3FA3]  }
0x30: {  	s3 =	sld [smem:$0x3FA6]  }
0x31: {  	[smem:$0x3FAF] =	sst s10  }
0x32: {  	s10 =	sld [smem:$0x3FAD];
	_ =	sdelay $0x3  }
0x33: {  	p0 =	seq.s32 s10, $0x1;
	s10 =	sld [smem:$0x3FAF];
	_ =	sdelay $0x3  }
0x34: {  	[smem:$0x3FAF] =	sst s10  }
0x35: {  	s10 =	sld [smem:$0x3FAE];
	_ =	sdelay $0x3  }
0x36: {  	p1 =	seq.s32 s10, $0x1;
	s10 =	sld [smem:$0x3FAF];
	_ =	sdelay $0x3  }
0x37: {  	[smem:$0x3FAF] =	sst s10  }
0x38: {  	s10 =	sld [smem:$0x3FB0]  }
0x39: {  	_ = 	snop;
	(pc) =	sbr.ind lr, $3  }
0x3a: {  	_ = 	snop  }
0x3b: {  	_ = 	snop  }
0x3c: {  	p2 =	seq.s32 s10, $0x1;
	s10 =	sld [smem:$0x3FAF]  }
0x3d: {  	_ =	shalt  }
0x3e: {  	_ =	shalt  }
0x3f: {  	_ =	shalt  }
0x40: {  	_ =	shalt  }
0x41: {  	_ =	shalt  }
0x42: {  	_ =	shalt  }
0x43: {  	_ =	shalt  }
0x44: {  	_ =	shalt  }
0x45: {  	_ =	shalt  }
0x46: {  	_ =	shalt  }
0x47: {  	_ =	shalt  }
0x48: {  	_ =	shalt  }
0x49: {  	_ =	shalt  }
0x4a: {  	_ =	shalt  }
0x4b: {  	_ =	shalt  }
0x4c: {  	_ =	shalt  }
0x4d: {  	_ =	shalt  }
0x4e: {  	_ =	shalt  }
0x4f: {  	_ =	shalt  }
0x50: {  	_ =	shalt  }
0x51: {  	_ =	shalt  }
0x52: {  	_ =	shalt  }
0x53: {  	_ =	shalt  }
0x54: {  	_ =	shalt  }
0x55: {  	_ =	shalt  }
0x56: {  	_ =	shalt  }
0x57: {  	_ =	shalt  }
0x58: {  	_ =	shalt  }
0x59: {  	_ =	shalt  }
0x5a: {  	_ =	shalt  }
0x5b: {  	_ =	shalt  }
0x5c: {  	_ =	shalt  }
0x5d: {  	_ =	shalt  }
0x5e: {  	_ =	shalt  }
0x5f: {  	_ =	shalt  }
0x60: {  	_ =	shalt  }
0x61: {  	_ =	shalt  }
0x62: {  	_ =	shalt  }
0x63: {  	_ =	shalt  }
0x64: {  	_ =	shalt  }
0x65: {  	_ =	shalt  }
0x66: {  	_ =	shalt  }
0x67: {  	_ =	shalt  }
0x68: {  	_ =	shalt  }
0x69: {  	_ =	shalt  }
0x6a: {  	_ =	shalt  }
0x6b: {  	_ =	shalt  }
0x6c: {  	_ =	shalt  }
0x6d: {  	_ =	shalt  }
0x6e: {  	_ =	shalt  }
0x6f: {  	_ =	shalt  }
0x70: {  	_ =	shalt  }
0x71: {  	_ =	shalt  }
0x72: {  	_ =	shalt  }
0x73: {  	_ =	shalt  }
0x74: {  	_ =	shalt  }
0x75: {  	_ =	shalt  }
0x76: {  	_ =	shalt  }
0x77: {  	_ =	shalt  }
0x78: {  	_ =	shalt  }
0x79: {  	_ =	shalt  }
0x7a: {  	_ =	shalt  }
0x7b: {  	_ =	shalt  }
0x7c: {  	_ =	shalt  }
0x7d: {  	_ =	shalt  }
0x7e: {  	_ =	shalt  }
0x7f: {  	_ =	shalt  }
0x80: {  	_ =	shalt  }
0x81: {  	_ =	shalt  }
0x82: {  	_ =	shalt  }
0x83: {  	_ =	shalt  }
0x84: {  	_ =	shalt  }
0x85: {  	_ =	shalt  }
0x86: {  	_ =	shalt  }
0x87: {  	_ =	shalt  }
.Lfunc_end0:
.L_simem_size_0:
called_computation.1_lowered:
.L_overlay_start_0:
0x88: {  	s2 =	sld [smem:$0x3FD9]  }
0x89: {  	s3 =	sld [smem:$0x3FFE];
	_ =	sdelay $0x1  }
0x8a: {  	s1 =	srdreg.scid  }
0x8b: {  	s0 =	sand.u32 $0x1, s1  }
0x8c: {  	s16 =	sshll.u32 s0, $0xA;
	s2 =	sadd.s32 s3, s2  }
0x8d: {  	s2 =	sadd.s32 s2, s16  }
0x8e: {  	[smem:$0x3FBB] =	sst s2  }
0x8f: {  	_ = 	snop  }
0x90: {  	(tm) =	ssettm $0x1  }
0x91: {  	s17 =	sld [smem:$0x3FFB];
	_ =	sdelay $0x3  }
0x92: {  	_ =	strace s17  }
0x93: {  	s2 =	sld [smem:$0x3FFC];
	_ =	sdelay $0x3  }
0x94: {  	_ =	strace s2  }
0x95: {  	s2 =	sld [smem:$0x3FFD];
	_ =	sdelay $0x3  }
0x96: {  	_ =	strace s2  }
0x97: {  	_ =	strace $0x8FFFFFFF  }
0x98: {  	s18 =	sld [smem:$0x3FDB];
	_ =	sdelay $0x1  }
0x99: {  	s19 =	simm.s32 $_scs_section_size  }
0x9a: {  	s4 =	simm.s32 $_size__tile_overlayer_lowered;
	s5 =	simm.s32 $_tile_overlayer_lowered  }
0x9b: {  	s22 =	simm.s32 $0x1BFF;
	s21 =	sshll.u32 s5, $0x1;
	s2 =	sadd.s32 s19, s18  }
0x9c: {  	s6 =	simm.s32 $0x0;
	s20 =	sshll.u32 s4, $0x1;
	s4 =	sadd.s32 s21, s2  }
0x9d: {  	[timem:s6], [sflag:s22] =	dma.local [hbm:s4], s20  }
0x9e: {  	_ =	swait.ge [sflag:s22], s20  }
0x9f: {  	s3 =	ssub.s32 $0x0, s20;
	[sflag:s22] =	ssyncset.done $0x0  }
0xa0: {  	[sflag:s22] =	ssyncadd.s32 s3;
	_ =	sdelay $0x1  }
0xa1: {  	s23 =	simm.s32 $0x1B8B  }
0xa2: {  	_ =	swait.ge [sflag:s23], $0x1  }
0xa3: {  	[sflag:s23] =	ssyncset.done $0x0  }
0xa4: {  	s25 =	simm.s32 $0x1B8E;
	s24 =	sld [smem:$0x3FFE];
	[sflag:s23] =	ssyncadd.s32 $0xFFFFFFFF  }
0xa5: {  	s26 =	simm.s32 $execute0_lowered;
	[smem:$0x3FD2] =	sst s25  }
0xa6: {  	s4 =	sshll.u32 s26, $0x1;
	_ =	strace $0x80000049;
	[dreg:$0x1] =	wrdreg $0xFFFFFFFF  }
0xa7: {  	s28 =	simm.s32 $_size_execute0_lowered;
	s2 =	sadd.s32 s2, s4;
	[dreg:$0x0] =	wrdreg $0x0  }
0xa8: {  	s4 =	sshll.u32 s28, $0x1;
	[dreg:$0x2] =	wrdreg s2  }
0xa9: {  	[dreg:$0x3] =	wrdreg s4  }
0xaa: {  	[dreg:$0x4] =	wrdreg $0xC0  }
0xab: {  	_ =	task [dreg:s6], $0x5FFFF  }
0xac: {  	[dreg:$0x1] =	wrdreg $0xFFFFFFFF  }
0xad: {  	[dreg:$0x0] =	wrdreg $0x60  }
0xae: {  	[dreg:$0x2] =	wrdreg s24  }
0xaf: {  	[dreg:$0x3] =	wrdreg $0x9  }
0xb0: {  	_ =	task.clear_ibuf [dreg:s6], $0x4FFFF;
	_ =	strace $0x90000049  }
0xb1: {  	s29 =	simm.s32 $0x9;
	_ =	strace $0x8000004B  }
0xb2: {  	_ =	swait.ge [sflag:s29], $0x1  }
0xb3: {  	[sflag:s29] =	ssyncadd.s32 $0xFFFFFFFF  }
0xb4: {  	_ =	strace $0x9000004B  }
0xb5: {  	_ =	sfence  }
0xb6: {  	s30 =	sld [smem:$0x0];
	_ =	sdelay $0x2  }
0xb7: {  	s31 =	sshll.u32 s1, $0xD;
	s1 =	sshrl.u32 s1, $0x2  }
0xb8: {  	s3 =	sand.u32 $0x4000, s31;
	s1 =	sadd.s32 s1, s30  }
0xb9: {  	s0 =	sor.u32 s3, s0;
	s1 =	sshll.u32 s1, $0x11  }
0xba: {  	s0 =	sor.u32 s1, s0  }
0xbb: {  	s0 =	sadd.s32 $0x8F2B, s0  }
0xbc: {  	[sflag:s0] =	ssyncadd.remote.s32 $0x1  }
0xbd: {  	_ =	sfence.sel $0xFFFF  }
0xbe: {  	[dreg:$0x0] =	wrdreg $0xFFFFFFFF;
	(pc) =	sbr.abs _section_cstart, $3  }
0xbf: {  	[dreg:$0x1] =	wrdreg $0xFFFFFFFF  }
0xc0: {  	_ =	task.clear_ibuf [dreg:s6], $0x2FFFF;
	_ =	strace $0x9FFFFFFF  }
0xc1: {  	(tm) =	ssettm $0x7FFFFFFF  }
tec
execute0_lowered:
.L_overlay_start_1:
0x0: {  	(tag) =	ssettag $0x1  }
0x1: {  	s4 =	rddreg [dreg:$0x0]  }
0x2: {  	s0 =	rddreg [dreg:$0x1];
	s2 =	simm.s32 $0x0;
	s1 =	stileid.u32  }
0x3: {  	s3 =	srdreg.scid;
	s10 =	simm.s32 $0x0;
	s6 =	smul.u32 $0x2800, s1  }
0x4: {  	[smem:$0x7FF] =	sst s2;
	s5 =	sand.u32 $0x1, s3;
	s8 =	smul.u32 $0x14000, s1  }
0x5: {  	s3 =	sadd.s32 $0x62000, s4;
	s7 =	smul.u32 $0x1400, s5;
	s9 =	ssub.s32 $0x2, s5  }
0x6: {  	_ =	strace $0x8000004A;
	s5 =	smul.u32 $0xA000, s5;
	s31 =	sshrl.u32 s9, $0x1  }
0x7: {  	s8 =	sadd.s32 s8, s4;
	s6 =	sadd.s32 s7, s6;
	s7 =	ssub.s32 s9, s31  }
0x8: {  	s5 =	sadd.s32 s5, s8;
	s8 =	simm.s32 $0x80;
	s6 =	sshrl.u32 s6, $0x3  }
0x9: {  	s9 =	simm.s32 $0x1;
	s5 =	sadd.s32 $0x82000, s5;
	s6 =	sadd.s32 s6, s4  }
0xa: {  	s4 =	smax.u32 s7, $0x1;
	s7 =	simm.s32 $0x2;
	s6 =	sadd.s32 $0x5D000, s6  }
.LBB2_1:
0xb: {  	s11 =	sadd.s32 $0x0, s6  }
0xc: {  	[tilespmem:s2], [sflag:$0x2] =	stream.linear.gather [hbm4b:s11+s2], $0x80, $0x38;
	[tilespmem:$0x2080] =	vst v63  }
0xd: {  	_ =	swait.ge [sflag:s7], $0x80  }
0xe: {  	[sflag:s7] =	ssyncset.done $0x0  }
0xf: {  	[sflag:s7] =	ssyncadd.s32 $0xFFFFFF80  }
0x10: {  	[tilespmem:s8], [sflag:$0x1] =	stream.indirect.gather [hbm4b:s3+s8], $0x40, s2, s8, $0xb8;
	[tilespmem:$0x2080] =	vst v63  }
0x11: {  	_ =	swait.ge [sflag:s9], $0x2000  }
0x12: {  	[sflag:s9] =	ssyncset.done $0x0  }
0x13: {  	[sflag:s9] =	ssyncadd.s32 $0xFFFFE000  }
0x14: {  	[hbm4b:s5+s2] =	stream.linear.scatter [tilespmem:s8], [sflag:$0x2], $0x2000, $0x38;
	[tilespmem:$0x2080] =	vst v63  }
0x15: {  	s12 =	simm.s32 $0x10;
	_ =	swait.ge [sflag:s7], $0x2000  }
0x16: {  	s13 =	simm.s32 $0x20;
	s11 =	sadd.s32 $0x400, s5;
	[sflag:s7] =	ssyncset.done $0x0  }
.LBB2_2:
0x17: {  	s14 =	sadd.s32 s12, s6  }
0x18: {  	[sflag:s7] =	ssyncadd.s32 $0xFFFFE000;
	s12 =	smov.u32 s13;
	s15 =	sadd.s32 $0x10, s13  }
0x19: {  	[tilespmem:s2], [sflag:$0x2] =	stream.linear.gather [hbm4b:s14+s2], $0x80, $0x38;
	[tilespmem:$0x2080] =	vst v63  }
0x1a: {  	p0 =	sne.s32 s13, $0x270;
	_ =	swait.ge [sflag:s7], $0x80  }
0x1b: {  	[sflag:s7] =	ssyncset.done $0x0  }
0x1c: {  	[sflag:s7] =	ssyncadd.s32 $0xFFFFFF80  }
0x1d: {  	[tilespmem:s8], [sflag:$0x1] =	stream.indirect.gather [hbm4b:s3+s8], $0x40, s2, s8, $0xb8;
	[tilespmem:$0x2080] =	vst v63  }
0x1e: {  	_ =	swait.ge [sflag:s9], $0x2000  }
.Ltmp0:
0x1f: {  	[sflag:s9] =	ssyncset.done $0x0;
	(pc) =	sbr.rel @p0 .LBB2_2-.Ltmp0, $4  }
0x20: {  	[sflag:s9] =	ssyncadd.s32 $0xFFFFE000  }
0x21: {  	[hbm4b:s11+s2] =	stream.linear.scatter [tilespmem:s8], [sflag:$0x2], $0x2000, $0x38;
	[tilespmem:$0x2080] =	vst v63  }
0x22: {  	_ =	swait.ge [sflag:s7], $0x2000  }
0x23: {  	s13 =	smov.u32 s15;
	s11 =	sadd.s32 $0x400, s11;
	[sflag:s7] =	ssyncset.done $0x0  }
0x24: {  	s12 =	sadd.s32 s12, s6;
	[sflag:s7] =	ssyncadd.s32 $0xFFFFE000  }
0x25: {  	[tilespmem:s2], [sflag:$0x2] =	stream.linear.gather [hbm4b:s12+s2], $0x80, $0x38;
	[tilespmem:$0x2080] =	vst v63  }
0x26: {  	_ =	swait.ge [sflag:s7], $0x80  }
0x27: {  	[sflag:s7] =	ssyncset.done $0x0  }
0x28: {  	[sflag:s7] =	ssyncadd.s32 $0xFFFFFF80  }
0x29: {  	[tilespmem:s8], [sflag:$0x1] =	stream.indirect.gather [hbm4b:s3+s8], $0x40, s2, s8, $0xb8;
	[tilespmem:$0x2080] =	vst v63  }
0x2a: {  	s10 =	sadd.s32 $0x1, s10;
	_ =	swait.ge [sflag:s9], $0x2000  }
0x2b: {  	p0 =	sne.s32 s10, s4;
	[sflag:s9] =	ssyncset.done $0x0  }
.Ltmp1:
0x2c: {  	[sflag:s9] =	ssyncadd.s32 $0xFFFFE000;
	(pc) =	sbr.rel @p0 .LBB2_1-.Ltmp1, $4  }
0x2d: {  	[hbm4b:s11+s2] =	stream.linear.scatter [tilespmem:s8], [sflag:$0x2], $0x2000, $0x38;
	[tilespmem:$0x2080] =	vst v63  }
0x2e: {  	_ =	swait.ge [sflag:s7], $0x2000  }
0x2f: {  	[sflag:s7] =	ssyncset.done $0x0  }
0x30: {  	[sflag:s7] =	ssyncadd.s32 $0xFFFFE000  }
0x31: {  	_ =	sfence.sel $0x180000  }
0x32: {  	[bflag:$0x0] =	sbarrier.arrive $0xFFFF  }
0x33: {  	p0 =	sne.s32 s1, $0x0;
	_ =	strace $0x9000004A  }
0x34: {  	s0 =	sadd.s32 @!p0 $0x100000, s0;
	[bflag:$0x2] =	sbarrier.arrive $0xFFFF  }
0x35: {  	[sflag:s0] =	ssyncadd.tile.s32 @!p0 $0x1;
	_ =	shalt  }
.Lfunc_end2:
_tile_overlayer_lowered:
.L_overlay_start_2:
0x36: {  	(tag) =	ssettag $0x2  }
0x37: {  	s0 =	rddreg [dreg:$0x0];
	s2 =	stileid.u32  }
0x38: {  	s1 =	rddreg [dreg:$0x1];
	p0 =	sne.s32 s2, $0x0  }
0x39: {  	s3 =	rddreg [dreg:$0x2];
	[bflag:$0x3] =	sbarrier.arrive $0xFFFF;
	s2 =	simm.s32 @!p0 $0x1C02  }
0x3a: {  	[timem:s3], [sflag:s2] =	dma.local @!p0 [hbm:s0], s1  }
0x3b: {  	s0 =	simm.s32 @!p0 $0x2  }
0x3c: {  	_ =	swait.ge @!p0 [sflag:s0], s1  }
0x3d: {  	s1 =	ssub.s32 @!p0 $0x0, s1;
	[sflag:s0] =	ssyncset.done @!p0 $0x0  }
0x3e: {  	[sflag:s0] =	ssyncadd.s32 @!p0 s1  }
0x3f: {  	[bflag:$0x3] =	sbarrier.arrive $0xFFFF  }
0x40: {  	_ =	shalt  }

// kernel: kernel.17.cloned.1.call-start
scs
__scs_entry_jumppad:
0x0: {  	(pc) =	sbr.rel $0x88, $3  }
0x1: {  	(tag) =	ssettag $0x0;
	lr =	simm.s32 $0x1  }
0x2: {  	[smem:$0x3F94] =	sst lr;
	_ =	strace $0xD0000000  }
0x3: {  	_ = 	snop  }
0x4: {  	_ = 	snop  }
0x5: {  	_ = 	snop  }
0x6: {  	_ = 	snop  }
0x7: {  	_ = 	snop  }
__scs_overlays_trampoline_lowered:
0x8: {  	[smem:$0x3FA3] =	sst s0  }
0x9: {  	[smem:$0x3FA4] =	sst s1  }
0xa: {  	[smem:$0x3FA5] =	sst s2  }
0xb: {  	[smem:$0x3FA6] =	sst s3  }
0xc: {  	[smem:$0x3FA7] =	sst s4  }
0xd: {  	[smem:$0x3FA8] =	sst s5  }
0xe: {  	[smem:$0x3FA9] =	sst s6  }
0xf: {  	[smem:$0x3FAA] =	sst s7  }
0x10: {  	[smem:$0x3FAB] =	sst s8  }
0x11: {  	[smem:$0x3FAC] =	sst s9;
	s0 =	simm.s32 @!p0 $0x0  }
0x12: {  	s1 =	sld [smem:$0x3F92];
	s0 =	simm.s32 @p0 $0x1  }
0x13: {  	[smem:$0x3FAD] =	sst s0;
	s0 =	simm.s32 @!p1 $0x0  }
0x14: {  	s2 =	sld [smem:$0x3F91];
	s0 =	simm.s32 @p1 $0x1  }
0x15: {  	[smem:$0x3FAE] =	sst s0;
	s0 =	simm.s32 @!p2 $0x0  }
0x16: {  	s3 =	sld [smem:$0x3FDB];
	s0 =	simm.s32 @p2 $0x1  }
0x17: {  	s4 =	simm.s32 $0x1BF5;
	[smem:$0x3FB0] =	sst s0  }
0x18: {  	s0 =	sld [smem:$0x3F93];
	_ =	swait.ge [sflag:s4], $0x0  }
0x19: {  	s7 =	sld [smem:$0x3F94]  }
0x1a: {  	s8 =	sadd.s32 $0xFFFFE003, lr  }
0x1b: {  	s9 =	sadd.s32 $0xFFFFFEF7, lr;
	s5 =	simm.s32 $0xFFFFFFFF;
	p2 =	slt.u32 s8, $0xFFFFF086  }
0x1c: {  	p1 =	slt.u32 s9, $0xF7A;
	s5 =	simm.s32 @!p2 $0x0  }
0x1d: {  	s5 =	simm.s32 @p1 $0x1;
	p0 =	seq.s32 s7, s2  }
0x1e: {  	s7 =	smul.u32 @!p0 $0xF7A, s2;
	p2 =	seq.s32 @!p0 s5, $0x0  }
0x1f: {  	s9 =	smul.u32 $0xF7A, s1;
	s8 =	simm.s32 @!p0 $0x1BF5;
	p2 =	por !p2, p0  }
0x20: {  	[sflag:s8] =	ssyncset.s32 @!p0 $0xFFFFF086;
	s6 =	sadd.s32 @!p0 s3, s7;
	s7 =	simm.s32 @!p0 $0x108  }
0x21: {  	s3 =	sadd.s32 s3, s9;
	s6 =	sadd.s32 @!p0 $0x88, s6;
	s7 =	simm.s32 @p2 $0x1082  }
0x22: {  	[simem:s7], [sflag:s8] =	dma.local @!p0 [hbm:s6], $0xF7A  }
0x23: {  	s9 =	sor.u32 $0xD0000000, s2;
	s6 =	simm.s32 $0x108;
	_ =	swait.ge @!p0 [sflag:s8], $0x0  }
0x24: {  	s3 =	sadd.s32 $0x88, s3;
	s6 =	simm.s32 @!p1 $0x1082;
	[sflag:s4] =	ssyncset.s32 $0xFFFFF086  }
0x25: {  	[simem:s6], [sflag:s4] =	dma.local [hbm:s3], $0xF7A  }
0x26: {  	[smem:$0x3F94] =	sst s1;
	(tag) =	ssettag s2;
	_ =	strace s9  }
0x27: {  	s1 =	sld [smem:$0x3FA4]  }
0x28: {  	s2 =	sld [smem:$0x3FA5]  }
0x29: {  	s4 =	sld [smem:$0x3FA7]  }
0x2a: {  	p0 =	seq.s32 s5, $0x0;
	s5 =	sld [smem:$0x3FA8]  }
0x2b: {  	s6 =	sld [smem:$0x3FA9]  }
0x2c: {  	s7 =	sld [smem:$0x3FAA]  }
0x2d: {  	s3 =	simm.s32 $0x108;
	s8 =	sld [smem:$0x3FAB]  }
0x2e: {  	s3 =	simm.s32 @!p0 $0x1082;
	s9 =	sld [smem:$0x3FAC]  }
0x2f: {  	lr =	sadd.s32 s0, s3;
	s0 =	sld [smem:$0x3FA3]  }
0x30: {  	s3 =	sld [smem:$0x3FA6]  }
0x31: {  	[smem:$0x3FAF] =	sst s10  }
0x32: {  	s10 =	sld [smem:$0x3FAD];
	_ =	sdelay $0x3  }
0x33: {  	p0 =	seq.s32 s10, $0x1;
	s10 =	sld [smem:$0x3FAF];
	_ =	sdelay $0x3  }
0x34: {  	[smem:$0x3FAF] =	sst s10  }
0x35: {  	s10 =	sld [smem:$0x3FAE];
	_ =	sdelay $0x3  }
0x36: {  	p1 =	seq.s32 s10, $0x1;
	s10 =	sld [smem:$0x3FAF];
	_ =	sdelay $0x3  }
0x37: {  	[smem:$0x3FAF] =	sst s10  }
0x38: {  	s10 =	sld [smem:$0x3FB0]  }
0x39: {  	_ = 	snop;
	(pc) =	sbr.ind lr, $3  }
0x3a: {  	_ = 	snop  }
0x3b: {  	_ = 	snop  }
0x3c: {  	p2 =	seq.s32 s10, $0x1;
	s10 =	sld [smem:$0x3FAF]  }
0x3d: {  	_ =	shalt  }
0x3e: {  	_ =	shalt  }
0x3f: {  	_ =	shalt  }
0x40: {  	_ =	shalt  }
0x41: {  	_ =	shalt  }
0x42: {  	_ =	shalt  }
0x43: {  	_ =	shalt  }
0x44: {  	_ =	shalt  }
0x45: {  	_ =	shalt  }
0x46: {  	_ =	shalt  }
0x47: {  	_ =	shalt  }
0x48: {  	_ =	shalt  }
0x49: {  	_ =	shalt  }
0x4a: {  	_ =	shalt  }
0x4b: {  	_ =	shalt  }
0x4c: {  	_ =	shalt  }
0x4d: {  	_ =	shalt  }
0x4e: {  	_ =	shalt  }
0x4f: {  	_ =	shalt  }
0x50: {  	_ =	shalt  }
0x51: {  	_ =	shalt  }
0x52: {  	_ =	shalt  }
0x53: {  	_ =	shalt  }
0x54: {  	_ =	shalt  }
0x55: {  	_ =	shalt  }
0x56: {  	_ =	shalt  }
0x57: {  	_ =	shalt  }
0x58: {  	_ =	shalt  }
0x59: {  	_ =	shalt  }
0x5a: {  	_ =	shalt  }
0x5b: {  	_ =	shalt  }
0x5c: {  	_ =	shalt  }
0x5d: {  	_ =	shalt  }
0x5e: {  	_ =	shalt  }
0x5f: {  	_ =	shalt  }
0x60: {  	_ =	shalt  }
0x61: {  	_ =	shalt  }
0x62: {  	_ =	shalt  }
0x63: {  	_ =	shalt  }
0x64: {  	_ =	shalt  }
0x65: {  	_ =	shalt  }
0x66: {  	_ =	shalt  }
0x67: {  	_ =	shalt  }
0x68: {  	_ =	shalt  }
0x69: {  	_ =	shalt  }
0x6a: {  	_ =	shalt  }
0x6b: {  	_ =	shalt  }
0x6c: {  	_ =	shalt  }
0x6d: {  	_ =	shalt  }
0x6e: {  	_ =	shalt  }
0x6f: {  	_ =	shalt  }
0x70: {  	_ =	shalt  }
0x71: {  	_ =	shalt  }
0x72: {  	_ =	shalt  }
0x73: {  	_ =	shalt  }
0x74: {  	_ =	shalt  }
0x75: {  	_ =	shalt  }
0x76: {  	_ =	shalt  }
0x77: {  	_ =	shalt  }
0x78: {  	_ =	shalt  }
0x79: {  	_ =	shalt  }
0x7a: {  	_ =	shalt  }
0x7b: {  	_ =	shalt  }
0x7c: {  	_ =	shalt  }
0x7d: {  	_ =	shalt  }
0x7e: {  	_ =	shalt  }
0x7f: {  	_ =	shalt  }
0x80: {  	_ =	shalt  }
0x81: {  	_ =	shalt  }
0x82: {  	_ =	shalt  }
0x83: {  	_ =	shalt  }
0x84: {  	_ =	shalt  }
0x85: {  	_ =	shalt  }
0x86: {  	_ =	shalt  }
0x87: {  	_ =	shalt  }
.Lfunc_end0:
.L_simem_size_0:
called_computation.2_lowered:
.L_overlay_start_0:
0x88: {  	s2 =	sld [smem:$0x3FD9]  }
0x89: {  	s3 =	sld [smem:$0x3FFE];
	_ =	sdelay $0x1  }
0x8a: {  	s1 =	srdreg.scid  }
0x8b: {  	s0 =	sand.u32 $0x1, s1  }
0x8c: {  	s16 =	sshll.u32 s0, $0xA;
	s2 =	sadd.s32 s3, s2  }
0x8d: {  	s2 =	sadd.s32 s2, s16  }
0x8e: {  	[smem:$0x3FBB] =	sst s2  }
0x8f: {  	_ = 	snop  }
0x90: {  	(tm) =	ssettm $0x1  }
0x91: {  	s17 =	sld [smem:$0x3FFB];
	_ =	sdelay $0x3  }
0x92: {  	_ =	strace s17  }
0x93: {  	s2 =	sld [smem:$0x3FFC];
	_ =	sdelay $0x3  }
0x94: {  	_ =	strace s2  }
0x95: {  	s2 =	sld [smem:$0x3FFD];
	_ =	sdelay $0x3  }
0x96: {  	_ =	strace s2  }
0x97: {  	_ =	strace $0x8FFFFFFF  }
0x98: {  	s18 =	sld [smem:$0x3FDB];
	_ =	sdelay $0x1  }
0x99: {  	s19 =	simm.s32 $_scs_section_size  }
0x9a: {  	s4 =	simm.s32 $_size__tile_overlayer_lowered;
	s5 =	simm.s32 $_tile_overlayer_lowered  }
0x9b: {  	s22 =	simm.s32 $0x1BFF;
	s21 =	sshll.u32 s5, $0x1;
	s2 =	sadd.s32 s19, s18  }
0x9c: {  	s6 =	simm.s32 $0x0;
	s20 =	sshll.u32 s4, $0x1;
	s4 =	sadd.s32 s21, s2  }
0x9d: {  	[timem:s6], [sflag:s22] =	dma.local [hbm:s4], s20  }
0x9e: {  	_ =	swait.ge [sflag:s22], s20  }
0x9f: {  	s3 =	ssub.s32 $0x0, s20;
	[sflag:s22] =	ssyncset.done $0x0  }
0xa0: {  	[sflag:s22] =	ssyncadd.s32 s3;
	_ =	sdelay $0x1  }
0xa1: {  	s23 =	simm.s32 $0x1B8B  }
0xa2: {  	_ =	swait.ge [sflag:s23], $0x1  }
0xa3: {  	[sflag:s23] =	ssyncset.done $0x0  }
0xa4: {  	s25 =	simm.s32 $0x1B8E;
	s24 =	sld [smem:$0x3FFE];
	[sflag:s23] =	ssyncadd.s32 $0xFFFFFFFF  }
0xa5: {  	s26 =	simm.s32 $execute0_lowered;
	[smem:$0x3FD2] =	sst s25  }
0xa6: {  	s4 =	sshll.u32 s26, $0x1;
	_ =	strace $0x8000004C;
	[dreg:$0x1] =	wrdreg $0xFFFFFFFF  }
0xa7: {  	s28 =	simm.s32 $_size_execute0_lowered;
	s2 =	sadd.s32 s2, s4;
	[dreg:$0x0] =	wrdreg $0x0  }
0xa8: {  	s4 =	sshll.u32 s28, $0x1;
	[dreg:$0x2] =	wrdreg s2  }
0xa9: {  	[dreg:$0x3] =	wrdreg s4  }
0xaa: {  	[dreg:$0x4] =	wrdreg $0xC0  }
0xab: {  	_ =	task [dreg:s6], $0x5FFFF  }
0xac: {  	[dreg:$0x1] =	wrdreg $0xFFFFFFFF  }
0xad: {  	[dreg:$0x0] =	wrdreg $0x60  }
0xae: {  	[dreg:$0x2] =	wrdreg s24  }
0xaf: {  	[dreg:$0x3] =	wrdreg $0x9  }
0xb0: {  	_ =	task.clear_ibuf [dreg:s6], $0x4FFFF;
	_ =	strace $0x9000004C  }
0xb1: {  	s29 =	simm.s32 $0x9;
	_ =	strace $0x8000004E  }
0xb2: {  	_ =	swait.ge [sflag:s29], $0x1  }
0xb3: {  	[sflag:s29] =	ssyncadd.s32 $0xFFFFFFFF  }
0xb4: {  	_ =	strace $0x9000004E  }
0xb5: {  	_ =	sfence  }
0xb6: {  	s30 =	sld [smem:$0x0];
	_ =	sdelay $0x2  }
0xb7: {  	s31 =	sshll.u32 s1, $0xD;
	s1 =	sshrl.u32 s1, $0x2  }
0xb8: {  	s3 =	sand.u32 $0x4000, s31;
	s1 =	sadd.s32 s1, s30  }
0xb9: {  	s0 =	sor.u32 s3, s0;
	s1 =	sshll.u32 s1, $0x11  }
0xba: {  	s0 =	sor.u32 s1, s0  }
0xbb: {  	s0 =	sadd.s32 $0x8F2B, s0  }
0xbc: {  	[sflag:s0] =	ssyncadd.remote.s32 $0x1  }
0xbd: {  	_ =	sfence.sel $0xFFFF  }
0xbe: {  	[dreg:$0x0] =	wrdreg $0xFFFFFFFF;
	(pc) =	sbr.abs _section_cstart, $3  }
0xbf: {  	[dreg:$0x1] =	wrdreg $0xFFFFFFFF  }
0xc0: {  	_ =	task.clear_ibuf [dreg:s6], $0x2FFFF;
	_ =	strace $0x9FFFFFFF  }
0xc1: {  	(tm) =	ssettm $0x7FFFFFFF  }
tec
execute0_lowered:
.L_overlay_start_1:
0x0: {  	(tag) =	ssettag $0x1  }
0x1: {  	s4 =	rddreg [dreg:$0x0]  }
0x2: {  	s0 =	rddreg [dreg:$0x1];
	s2 =	simm.s32 $0x0;
	s1 =	stileid.u32  }
0x3: {  	s3 =	srdreg.scid;
	s10 =	simm.s32 $0x0;
	s6 =	smul.u32 $0x2800, s1  }
0x4: {  	[smem:$0x7FF] =	sst s2;
	s5 =	sand.u32 $0x1, s3;
	s8 =	smul.u32 $0x14000, s1  }
0x5: {  	s3 =	sadd.s32 $0x45000, s4;
	s7 =	smul.u32 $0x1400, s5;
	s9 =	ssub.s32 $0x2, s5  }
0x6: {  	_ =	strace $0x8000004D;
	s5 =	smul.u32 $0xA000, s5;
	s31 =	sshrl.u32 s9, $0x1  }
0x7: {  	s8 =	sadd.s32 s8, s4;
	s6 =	sadd.s32 s7, s6;
	s7 =	ssub.s32 s9, s31  }
0x8: {  	s5 =	sadd.s32 s5, s8;
	s8 =	simm.s32 $0x80;
	s6 =	sshrl.u32 s6, $0x3  }
0x9: {  	s9 =	simm.s32 $0x1;
	s5 =	sadd.s32 $0x65000, s5;
	s6 =	sadd.s32 s6, s4  }
0xa: {  	s4 =	smax.u32 s7, $0x1;
	s7 =	simm.s32 $0x2;
	s6 =	sadd.s32 $0x40000, s6  }
.LBB2_1:
0xb: {  	s11 =	sadd.s32 $0x0, s6  }
0xc: {  	[tilespmem:s2], [sflag:$0x2] =	stream.linear.gather [hbm4b:s11+s2], $0x80, $0x38;
	[tilespmem:$0x2080] =	vst v63  }
0xd: {  	_ =	swait.ge [sflag:s7], $0x80  }
0xe: {  	[sflag:s7] =	ssyncset.done $0x0  }
0xf: {  	[sflag:s7] =	ssyncadd.s32 $0xFFFFFF80  }
0x10: {  	[tilespmem:s8], [sflag:$0x1] =	stream.indirect.gather [hbm4b:s3+s8], $0x40, s2, s8, $0xb8;
	[tilespmem:$0x2080] =	vst v63  }
0x11: {  	_ =	swait.ge [sflag:s9], $0x2000  }
0x12: {  	[sflag:s9] =	ssyncset.done $0x0  }
0x13: {  	[sflag:s9] =	ssyncadd.s32 $0xFFFFE000  }
0x14: {  	[hbm4b:s5+s2] =	stream.linear.scatter [tilespmem:s8], [sflag:$0x2], $0x2000, $0x38;
	[tilespmem:$0x2080] =	vst v63  }
0x15: {  	s12 =	simm.s32 $0x10;
	_ =	swait.ge [sflag:s7], $0x2000  }
0x16: {  	s13 =	simm.s32 $0x20;
	s11 =	sadd.s32 $0x400, s5;
	[sflag:s7] =	ssyncset.done $0x0  }
.LBB2_2:
0x17: {  	s14 =	sadd.s32 s12, s6  }
0x18: {  	[sflag:s7] =	ssyncadd.s32 $0xFFFFE000;
	s12 =	smov.u32 s13;
	s15 =	sadd.s32 $0x10, s13  }
0x19: {  	[tilespmem:s2], [sflag:$0x2] =	stream.linear.gather [hbm4b:s14+s2], $0x80, $0x38;
	[tilespmem:$0x2080] =	vst v63  }
0x1a: {  	p0 =	sne.s32 s13, $0x270;
	_ =	swait.ge [sflag:s7], $0x80  }
0x1b: {  	[sflag:s7] =	ssyncset.done $0x0  }
0x1c: {  	[sflag:s7] =	ssyncadd.s32 $0xFFFFFF80  }
0x1d: {  	[tilespmem:s8], [sflag:$0x1] =	stream.indirect.gather [hbm4b:s3+s8], $0x40, s2, s8, $0xb8;
	[tilespmem:$0x2080] =	vst v63  }
0x1e: {  	_ =	swait.ge [sflag:s9], $0x2000  }
.Ltmp0:
0x1f: {  	[sflag:s9] =	ssyncset.done $0x0;
	(pc) =	sbr.rel @p0 .LBB2_2-.Ltmp0, $4  }
0x20: {  	[sflag:s9] =	ssyncadd.s32 $0xFFFFE000  }
0x21: {  	[hbm4b:s11+s2] =	stream.linear.scatter [tilespmem:s8], [sflag:$0x2], $0x2000, $0x38;
	[tilespmem:$0x2080] =	vst v63  }
0x22: {  	_ =	swait.ge [sflag:s7], $0x2000  }
0x23: {  	s13 =	smov.u32 s15;
	s11 =	sadd.s32 $0x400, s11;
	[sflag:s7] =	ssyncset.done $0x0  }
0x24: {  	s12 =	sadd.s32 s12, s6;
	[sflag:s7] =	ssyncadd.s32 $0xFFFFE000  }
0x25: {  	[tilespmem:s2], [sflag:$0x2] =	stream.linear.gather [hbm4b:s12+s2], $0x80, $0x38;
	[tilespmem:$0x2080] =	vst v63  }
0x26: {  	_ =	swait.ge [sflag:s7], $0x80  }
0x27: {  	[sflag:s7] =	ssyncset.done $0x0  }
0x28: {  	[sflag:s7] =	ssyncadd.s32 $0xFFFFFF80  }
0x29: {  	[tilespmem:s8], [sflag:$0x1] =	stream.indirect.gather [hbm4b:s3+s8], $0x40, s2, s8, $0xb8;
	[tilespmem:$0x2080] =	vst v63  }
0x2a: {  	s10 =	sadd.s32 $0x1, s10;
	_ =	swait.ge [sflag:s9], $0x2000  }
0x2b: {  	p0 =	sne.s32 s10, s4;
	[sflag:s9] =	ssyncset.done $0x0  }
.Ltmp1:
0x2c: {  	[sflag:s9] =	ssyncadd.s32 $0xFFFFE000;
	(pc) =	sbr.rel @p0 .LBB2_1-.Ltmp1, $4  }
0x2d: {  	[hbm4b:s11+s2] =	stream.linear.scatter [tilespmem:s8], [sflag:$0x2], $0x2000, $0x38;
	[tilespmem:$0x2080] =	vst v63  }
0x2e: {  	_ =	swait.ge [sflag:s7], $0x2000  }
0x2f: {  	[sflag:s7] =	ssyncset.done $0x0  }
0x30: {  	[sflag:s7] =	ssyncadd.s32 $0xFFFFE000  }
0x31: {  	_ =	sfence.sel $0x180000  }
0x32: {  	[bflag:$0x0] =	sbarrier.arrive $0xFFFF  }
0x33: {  	p0 =	sne.s32 s1, $0x0;
	_ =	strace $0x9000004D  }
0x34: {  	s0 =	sadd.s32 @!p0 $0x100000, s0;
	[bflag:$0x2] =	sbarrier.arrive $0xFFFF  }
0x35: {  	[sflag:s0] =	ssyncadd.tile.s32 @!p0 $0x1;
	_ =	shalt  }
.Lfunc_end2:
_tile_overlayer_lowered:
.L_overlay_start_2:
0x36: {  	(tag) =	ssettag $0x2  }
0x37: {  	s0 =	rddreg [dreg:$0x0];
	s2 =	stileid.u32  }
0x38: {  	s1 =	rddreg [dreg:$0x1];
	p0 =	sne.s32 s2, $0x0  }
0x39: {  	s3 =	rddreg [dreg:$0x2];
	[bflag:$0x3] =	sbarrier.arrive $0xFFFF;
	s2 =	simm.s32 @!p0 $0x1C02  }
0x3a: {  	[timem:s3], [sflag:s2] =	dma.local @!p0 [hbm:s0], s1  }
0x3b: {  	s0 =	simm.s32 @!p0 $0x2  }
0x3c: {  	_ =	swait.ge @!p0 [sflag:s0], s1  }
0x3d: {  	s1 =	ssub.s32 @!p0 $0x0, s1;
	[sflag:s0] =	ssyncset.done @!p0 $0x0  }
0x3e: {  	[sflag:s0] =	ssyncadd.s32 @!p0 s1  }
0x3f: {  	[bflag:$0x3] =	sbarrier.arrive $0xFFFF  }
0x40: {  	_ =	shalt  }

</sc_bundles>
